<compile_context>
chip_gen: v7x
topology: tpu7x:2x2x1
jax: 0.10.2.dev20260603
libtpu: 0.0.44.dev20260713+nightly
codegen_flags: <defaults>
</compile_context>

<pallas_src>
import functools

import jax
import jax.numpy as jnp
from jax import lax
from jax.experimental import pallas as pl
from jax.experimental.pallas import tpu as pltpu
from jax.experimental.pallas import tpu_sc as plsc

N_NODES = 100000
E_EDGES = 3200000
NP = 100096
ROWS = NP // 128
NW = 32
SUB = 2048
CPW = 1
CH = 49
EP = NW * CH * CPW * SUB
TPT = NP // 16

_F32 = jnp.float32


def _mesh():
    return plsc.VectorSubcoreMesh(core_axis_name="c", subcore_axis_name="s")


def _worker(c, s):
    return s * 2 + c


@functools.partial(
    pl.kernel,
    out_type=jax.ShapeDtypeStruct((2 * NP,), _F32),
    mesh=_mesh(),
    scratch_types=[
        pltpu.VMEM_SHARED((NP,), _F32),
        pltpu.VMEM((CPW, SUB), jnp.int32),
        pltpu.VMEM((SUB,), _F32),
        pltpu.VMEM((TPT,), _F32),
    ],
)
def _deg_pass(dstH, zeroH, degH, deg_sp, idx_v, ones_v, stage):
    c = lax.axis_index("c")
    s = lax.axis_index("s")
    w = _worker(c, s)
    sl = pl.ds(s * TPT, TPT)
    pltpu.sync_copy(zeroH.at[sl], stage)
    pltpu.sync_copy(stage, deg_sp.at[sl])
    for k in range(SUB // 16):
        ones_v[pl.ds(k * 16, 16)] = jnp.ones((16,), _F32)
    plsc.subcore_barrier()

    def chunk(i, carry):
        pltpu.sync_copy(dstH.at[w, i], idx_v)
        for j in range(CPW):
            pltpu.sync_copy(ones_v, deg_sp.at[idx_v.at[j]], add=True)
        return carry

    lax.fori_loop(0, CH, chunk, 0)
    plsc.subcore_barrier()
    pltpu.sync_copy(deg_sp.at[sl], stage)
    pltpu.sync_copy(stage, degH.at[pl.ds(c * NP + s * TPT, TPT)])


@functools.partial(
    pl.kernel,
    out_type=(
        jax.ShapeDtypeStruct((2 * NP,), _F32),
        jax.ShapeDtypeStruct((2 * NP,), _F32),
    ),
    mesh=_mesh(),
    scratch_types=[
        pltpu.VMEM_SHARED((NP,), _F32),
        pltpu.VMEM_SHARED((NP,), _F32),
        pltpu.VMEM_SHARED((NP,), _F32),
        pltpu.VMEM_SHARED((NP,), _F32),
        pltpu.VMEM((CPW, SUB), jnp.int32),
        pltpu.VMEM((CPW, SUB), jnp.int32),
        pltpu.VMEM((SUB,), _F32),
        pltpu.VMEM((SUB,), _F32),
        pltpu.VMEM((TPT,), _F32),
    ],
)
def _agg_pass(srcH, dstH, xs0H, xs1H, zeroH, agg0H, agg1H,
              xs0_sp, xs1_sp, a0_sp, a1_sp, idxs_v, idxd_v, v0, v1, stage):
    c = lax.axis_index("c")
    s = lax.axis_index("s")
    w = _worker(c, s)
    sl = pl.ds(s * TPT, TPT)
    pltpu.sync_copy(xs0H.at[sl], stage)
    pltpu.sync_copy(stage, xs0_sp.at[sl])
    pltpu.sync_copy(xs1H.at[sl], stage)
    pltpu.sync_copy(stage, xs1_sp.at[sl])
    pltpu.sync_copy(zeroH.at[sl], stage)
    pltpu.sync_copy(stage, a0_sp.at[sl])
    pltpu.sync_copy(stage, a1_sp.at[sl])
    plsc.subcore_barrier()

    def chunk(i, carry):
        pltpu.sync_copy(srcH.at[w, i], idxs_v)
        pltpu.sync_copy(dstH.at[w, i], idxd_v)
        for j in range(CPW):
            pltpu.sync_copy(xs0_sp.at[idxs_v.at[j]], v0)
            pltpu.sync_copy(xs1_sp.at[idxs_v.at[j]], v1)
            pltpu.sync_copy(v0, a0_sp.at[idxd_v.at[j]], add=True)
            pltpu.sync_copy(v1, a1_sp.at[idxd_v.at[j]], add=True)
        return carry

    lax.fori_loop(0, CH, chunk, 0)
    plsc.subcore_barrier()
    pltpu.sync_copy(a0_sp.at[sl], stage)
    pltpu.sync_copy(stage, agg0H.at[pl.ds(c * NP + s * TPT, TPT)])
    pltpu.sync_copy(a1_sp.at[sl], stage)
    pltpu.sync_copy(stage, agg1H.at[pl.ds(c * NP + s * TPT, TPT)])


@functools.partial(
    pl.kernel,
    out_type=jax.ShapeDtypeStruct((2 * NP,), _F32),
    mesh=_mesh(),
    scratch_types=[
        pltpu.VMEM_SHARED((NP,), _F32),
        pltpu.VMEM_SHARED((NP,), _F32),
        pltpu.VMEM((CPW, SUB), jnp.int32),
        pltpu.VMEM((CPW, SUB), jnp.int32),
        pltpu.VMEM((SUB,), _F32),
        pltpu.VMEM((TPT,), _F32),
    ],
)
def _t_pass(srcH, dstH, gpH, zeroH, tH, gp_sp, t_sp, idxs_v, idxd_v, v0, stage):
    c = lax.axis_index("c")
    s = lax.axis_index("s")
    w = _worker(c, s)
    sl = pl.ds(s * TPT, TPT)
    pltpu.sync_copy(gpH.at[sl], stage)
    pltpu.sync_copy(stage, gp_sp.at[sl])
    pltpu.sync_copy(zeroH.at[sl], stage)
    pltpu.sync_copy(stage, t_sp.at[sl])
    plsc.subcore_barrier()

    def chunk(i, carry):
        pltpu.sync_copy(srcH.at[w, i], idxs_v)
        pltpu.sync_copy(dstH.at[w, i], idxd_v)
        for j in range(CPW):
            pltpu.sync_copy(gp_sp.at[idxs_v.at[j]], v0)
            pltpu.sync_copy(v0, t_sp.at[idxd_v.at[j]], add=True)
        return carry

    lax.fori_loop(0, CH, chunk, 0)
    plsc.subcore_barrier()
    pltpu.sync_copy(t_sp.at[sl], stage)
    pltpu.sync_copy(stage, tH.at[pl.ds(c * NP + s * TPT, TPT)])


@functools.partial(
    pl.kernel,
    out_type=jax.ShapeDtypeStruct((NW, CH, CPW, SUB), _F32),
    mesh=_mesh(),
    scratch_types=[
        pltpu.VMEM_SHARED((NP,), _F32),
        pltpu.VMEM((CPW, SUB), jnp.int32),
        pltpu.VMEM((CPW, SUB), _F32),
        pltpu.VMEM((TPT,), _F32),
    ],
)
def _gather_pass(srcH, scH, outH, sc_sp, idx_v, buf_v, stage):
    c = lax.axis_index("c")
    s = lax.axis_index("s")
    w = _worker(c, s)
    sl = pl.ds(s * TPT, TPT)
    pltpu.sync_copy(scH.at[sl], stage)
    pltpu.sync_copy(stage, sc_sp.at[sl])
    plsc.subcore_barrier()

    def chunk(i, carry):
        pltpu.sync_copy(srcH.at[w, i], idx_v)
        for j in range(CPW):
            pltpu.sync_copy(sc_sp.at[idx_v.at[j]], buf_v.at[j])
        pltpu.sync_copy(buf_v, outH.at[w, i])
        return carry

    lax.fori_loop(0, CH, chunk, 0)


def _tc1_body(deg2, x0, x1, dinv_o, xs0_o, xs1_o):
    deg = deg2[0] + deg2[1] + 1.0
    dinv = lax.rsqrt(deg)
    dinv_o[...] = dinv
    xs0_o[...] = x0[...] * dinv
    xs1_o[...] = x1[...] * dinv


def _tc1(deg2, x0, x1):
    return pl.pallas_call(
        _tc1_body,
        out_shape=(
            jax.ShapeDtypeStruct((ROWS, 128), _F32),
            jax.ShapeDtypeStruct((ROWS, 128), _F32),
            jax.ShapeDtypeStruct((ROWS, 128), _F32),
        ),
    )(deg2, x0, x1)


def _tc2_body(agg0, agg1, xs0, xs1, dinv, w1, b1, w2, gp_o):
    di = dinv[...]
    s0 = (agg0[0] + agg0[1] + xs0[...]) * di
    s1 = (agg1[0] + agg1[1] + xs1[...]) * di
    g = jnp.zeros((ROWS, 128), _F32)
    for k in range(16):
        h = s0 * w1[0, k] + s1 * w1[1, k] + b1[k]
        g = g + jnp.maximum(h, 0.0) * w2[k, 0]
    gp_o[...] = g * di


def _tc2(agg0, agg1, xs0, xs1, dinv, W1, b1, W2):
    return pl.pallas_call(
        _tc2_body,
        in_specs=[
            pl.BlockSpec((2, ROWS, 128), lambda: (0, 0, 0)),
            pl.BlockSpec((2, ROWS, 128), lambda: (0, 0, 0)),
            pl.BlockSpec((ROWS, 128), lambda: (0, 0)),
            pl.BlockSpec((ROWS, 128), lambda: (0, 0)),
            pl.BlockSpec((ROWS, 128), lambda: (0, 0)),
            pl.BlockSpec(memory_space=pltpu.SMEM),
            pl.BlockSpec(memory_space=pltpu.SMEM),
            pl.BlockSpec(memory_space=pltpu.SMEM),
        ],
        out_shape=jax.ShapeDtypeStruct((ROWS, 128), _F32),
    )(agg0, agg1, xs0, xs1, dinv, W1, b1, W2)


def _tc3_body(t2, gp, dinv, b2, sc_o):
    v = (t2[0] + t2[1] + gp[...]) * dinv[...] + b2[0]
    sc_o[...] = 1.0 / (1.0 + jnp.exp(-v))


def _tc3(t2, gp, dinv, b2):
    return pl.pallas_call(
        _tc3_body,
        in_specs=[
            pl.BlockSpec((2, ROWS, 128), lambda: (0, 0, 0)),
            pl.BlockSpec((ROWS, 128), lambda: (0, 0)),
            pl.BlockSpec((ROWS, 128), lambda: (0, 0)),
            pl.BlockSpec(memory_space=pltpu.SMEM),
        ],
        out_shape=jax.ShapeDtypeStruct((ROWS, 128), _F32),
    )(t2, gp, dinv, b2)


def kernel(x, edge_index, W1, b1, W2, b2):
    src = edge_index[0]
    dst = edge_index[1]
    pad = jnp.full((EP - E_EDGES,), N_NODES, jnp.int32)
    srcP = jnp.concatenate([src, pad]).reshape(NW, CH, CPW, SUB)
    dstP = jnp.concatenate([dst, pad]).reshape(NW, CH, CPW, SUB)
    zeroH = jnp.zeros((NP,), _F32)
    xT = jnp.pad(x, ((0, NP - N_NODES), (0, 0))).T
    x0 = xT[0].reshape(ROWS, 128)
    x1 = xT[1].reshape(ROWS, 128)

    deg2 = _deg_pass(dstP, zeroH)
    dinv, xs0, xs1 = _tc1(deg2.reshape(2, ROWS, 128), x0, x1)
    agg0, agg1 = _agg_pass(srcP, dstP, xs0.reshape(NP), xs1.reshape(NP), zeroH)
    gp = _tc2(agg0.reshape(2, ROWS, 128), agg1.reshape(2, ROWS, 128),
              xs0, xs1, dinv, W1, b1, W2)
    t2 = _t_pass(srcP, dstP, gp.reshape(NP), zeroH)
    scores = _tc3(t2.reshape(2, ROWS, 128), gp, dinv, b2)
    out = _gather_pass(srcP, scores.reshape(NP))
    return out.reshape(EP)[:E_EDGES].reshape(E_EDGES, 1)

# --- scband reference (transcript-rebuilt; emitter-appended) ---
"""Pipeline reference for scband-simple-gnn-53317724013383 (READ-ONLY COPY).

The authoritative reference and input builder live on the scoring server;
editing this copy changes nothing except your own understanding.
"""

import jax, jax.numpy as jnp
import numpy as np

N = 100000
E = 3200000


def setup_inputs(seed: int = 0) -> dict:
    key = jax.random.key(seed)
    k1, k2, k3, k4, k5, k6 = jax.random.split(key, 6)
    x = jax.random.normal(k1, (N, 2), dtype=jnp.float32)
    edge_index = jax.random.randint(k2, (2, E), 0, N, dtype=jnp.int32)
    # GCNConv(2, 16): lin weight [in, out] (applied as x @ W), bias added after aggregation
    W1 = jax.random.normal(k3, (2, 16), dtype=jnp.float32) * (1.0 / np.sqrt(2.0))
    b1 = jnp.zeros((16,), dtype=jnp.float32)
    # GCNConv(16, 1)
    W2 = jax.random.normal(k4, (16, 1), dtype=jnp.float32) * (1.0 / np.sqrt(16.0))
    b2 = jnp.zeros((1,), dtype=jnp.float32)
    return {"x": x, "edge_index": edge_index, "W1": W1, "b1": b1, "W2": W2, "b2": b2}


def gcn_conv(x, edge_index, W, b):
    # Faithful PyG GCNConv: add self-loops, symmetric normalization, linear, aggregate, bias.
    num_nodes = x.shape[0]
    src = edge_index[0]
    dst = edge_index[1]
    loop = jnp.arange(num_nodes, dtype=src.dtype)
    src = jnp.concatenate([src, loop])
    dst = jnp.concatenate([dst, loop])
    h = x @ W
    ones = jnp.ones(src.shape[0], dtype=h.dtype)
    deg = jax.ops.segment_sum(ones, dst, num_segments=num_nodes)
    deg_inv_sqrt = jnp.where(deg > 0, jax.lax.rsqrt(jnp.where(deg > 0, deg, 1.0)), 0.0)
    norm = deg_inv_sqrt[src] * deg_inv_sqrt[dst]
    msg = h[src] * norm[:, None]
    out = jax.ops.segment_sum(msg, dst, num_segments=num_nodes)
    return out + b


def reference(x, edge_index, W1, b1, W2, b2):
    h = gcn_conv(x, edge_index, W1, b1)
    h = jax.nn.relu(h)
    h = gcn_conv(h, edge_index, W2, b2)
    edge_scores = jax.nn.sigmoid(h)
    return edge_scores[edge_index[0]]

if __name__ == "__main__":
    import jax
    _d = setup_inputs()
    print(jax.jit(kernel)(*tuple(_d.values())))

</pallas_src>

<mosaic_0001>
#map = affine_map<(d0, d1) -> (0, 0, 0, 0)>
#map1 = affine_map<(d0, d1) -> (0)>
module attributes {stable_mosaic.version = 14 : i64} {
  func.func @_gather_pass(%arg0: i32, %arg1: i32, %arg2: memref<32x49x1x2048xi32, #tpu.memory_space<hbm>>, %arg3: memref<100096xf32, #tpu.memory_space<hbm>>, %arg4: memref<32x49x1x2048xf32, #tpu.memory_space<hbm>>, %arg5: memref<100096xf32, #tpu.memory_space<vmem_shared>>, %arg6: memref<1x2048xi32, #tpu.memory_space<vmem>>, %arg7: memref<1x2048xf32, #tpu.memory_space<vmem>>, %arg8: memref<6256xf32, #tpu.memory_space<vmem>>) attributes {dimension_semantics = [#tpu.dimension_semantics<core_parallel>, #tpu.dimension_semantics<subcore_parallel>], iteration_bounds = array<i64: 2, 16>, scalar_prefetch = 0 : i64, scratch_operands = 4 : i64, tpu.core_type = #tpu.core_type<sc_vector_subcore>, window_params = [{transform_indices = #map}, {transform_indices = #map1}, {transform_indices = #map}]} {
    %mul3A = arith.constant 2 : i32
    %mul3A_0 = arith.muli %arg1, %mul3A : i32
    %add3A = arith.addi %mul3A_0, %arg0 : i32
    %mul3A_1 = arith.constant 6256 : i32
    %mul3A_2 = arith.muli %arg1, %mul3A_1 : i32
    "tpu.region"() ({
      %run_scoped3A = tpu.sem_alloc : memref<!tpu.dma_semaphore, #tpu.memory_space<semaphore_mem>>
      %dma_start3A = tpu.memref_slice %arg3[%mul3A_2] : memref<100096xf32, #tpu.memory_space<hbm>> -> memref<6256xf32, #tpu.memory_space<hbm>>
      %dma_start3A_8 = tpu.memref_slice %arg3[%mul3A_2] : memref<100096xf32, #tpu.memory_space<hbm>> -> memref<6256xf32, #tpu.memory_space<hbm>>
      tpu.enqueue_dma source(%dma_start3A_8 : memref<6256xf32, #tpu.memory_space<hbm>>) target(%arg8 : memref<6256xf32, #tpu.memory_space<vmem>>) target_semaphore(%run_scoped3A : memref<!tpu.dma_semaphore, #tpu.memory_space<semaphore_mem>>)
      %dma_wait3A = tpu.memref_slice %arg3[%mul3A_2] : memref<100096xf32, #tpu.memory_space<hbm>> -> memref<6256xf32, #tpu.memory_space<hbm>>
      %dma_wait3A_9 = tpu.memref_slice %arg3[%mul3A_2] : memref<100096xf32, #tpu.memory_space<hbm>> -> memref<6256xf32, #tpu.memory_space<hbm>>
      tpu.wait_dma2 semaphore(%run_scoped3A : memref<!tpu.dma_semaphore, #tpu.memory_space<semaphore_mem>>) src(%dma_wait3A_9 : memref<6256xf32, #tpu.memory_space<hbm>>) dst(%arg8 : memref<6256xf32, #tpu.memory_space<vmem>>)
      tpu.yield
    }) : () -> ()
    "tpu.region"() ({
      %run_scoped3A = tpu.sem_alloc : memref<!tpu.dma_semaphore, #tpu.memory_space<semaphore_mem>>
      %dma_start3A = tpu.memref_slice %arg5[%mul3A_2] : memref<100096xf32, #tpu.memory_space<vmem_shared>> -> memref<6256xf32, #tpu.memory_space<vmem_shared>>
      %dma_start3A_8 = tpu.memref_slice %arg5[%mul3A_2] : memref<100096xf32, #tpu.memory_space<vmem_shared>> -> memref<6256xf32, #tpu.memory_space<vmem_shared>>
      tpu.enqueue_dma source(%arg8 : memref<6256xf32, #tpu.memory_space<vmem>>) target(%dma_start3A_8 : memref<6256xf32, #tpu.memory_space<vmem_shared>>) target_semaphore(%run_scoped3A : memref<!tpu.dma_semaphore, #tpu.memory_space<semaphore_mem>>)
      %dma_wait3A = tpu.memref_slice %arg5[%mul3A_2] : memref<100096xf32, #tpu.memory_space<vmem_shared>> -> memref<6256xf32, #tpu.memory_space<vmem_shared>>
      %dma_wait3A_9 = tpu.memref_slice %arg5[%mul3A_2] : memref<100096xf32, #tpu.memory_space<vmem_shared>> -> memref<6256xf32, #tpu.memory_space<vmem_shared>>
      tpu.wait_dma2 semaphore(%run_scoped3A : memref<!tpu.dma_semaphore, #tpu.memory_space<semaphore_mem>>) src(%arg8 : memref<6256xf32, #tpu.memory_space<vmem>>) dst(%dma_wait3A_9 : memref<6256xf32, #tpu.memory_space<vmem_shared>>)
      tpu.yield
    }) : () -> ()
    %barrier3A = arith.constant 0 : index
    tpu.barrier barrier_id(%barrier3A)
    %scan3A = arith.constant 0 : i32
    %scan3A_3 = arith.constant 0 : i32
    %scan3A_4 = arith.constant 49 : i32
    %scan3A_5 = arith.addi %scan3A_3, %scan3A_4 : i32
    %scan3A_6 = arith.constant 1 : i32
    scf.for %scan3A_8 = %scan3A_3 to %scan3A_5 step %scan3A_6  : i32 {
      "tpu.region"() ({
        %run_scoped3A_10 = tpu.sem_alloc : memref<!tpu.dma_semaphore, #tpu.memory_space<semaphore_mem>>
        %dma_start3A = arith.constant 0 : i32
        %dma_start3A_11 = arith.constant 0 : i32
        %dma_start3A_12 = tpu.memref_slice %arg2[%add3A, %scan3A_8, %dma_start3A, %dma_start3A_11] : memref<32x49x1x2048xi32, #tpu.memory_space<hbm>> -> memref<1x1x1x2048xi32, #tpu.memory_space<hbm>>
        %dma_start3A_13 = tpu.memref_squeeze %dma_start3A_12 : memref<1x1x1x2048xi32, #tpu.memory_space<hbm>> -> memref<1x2048xi32, #tpu.memory_space<hbm>>
        %dma_start3A_14 = arith.constant 0 : i32
        %dma_start3A_15 = arith.constant 0 : i32
        %dma_start3A_16 = tpu.memref_slice %arg2[%add3A, %scan3A_8, %dma_start3A_14, %dma_start3A_15] : memref<32x49x1x2048xi32, #tpu.memory_space<hbm>> -> memref<1x1x1x2048xi32, #tpu.memory_space<hbm>>
        %dma_start3A_17 = tpu.memref_squeeze %dma_start3A_16 : memref<1x1x1x2048xi32, #tpu.memory_space<hbm>> -> memref<1x2048xi32, #tpu.memory_space<hbm>>
        tpu.enqueue_dma source(%dma_start3A_17 : memref<1x2048xi32, #tpu.memory_space<hbm>>) target(%arg6 : memref<1x2048xi32, #tpu.memory_space<vmem>>) target_semaphore(%run_scoped3A_10 : memref<!tpu.dma_semaphore, #tpu.memory_space<semaphore_mem>>)
        %dma_wait3A = arith.constant 0 : i32
        %dma_wait3A_18 = arith.constant 0 : i32
        %dma_wait3A_19 = tpu.memref_slice %arg2[%add3A, %scan3A_8, %dma_wait3A, %dma_wait3A_18] : memref<32x49x1x2048xi32, #tpu.memory_space<hbm>> -> memref<1x1x1x2048xi32, #tpu.memory_space<hbm>>
        %dma_wait3A_20 = tpu.memref_squeeze %dma_wait3A_19 : memref<1x1x1x2048xi32, #tpu.memory_space<hbm>> -> memref<1x2048xi32, #tpu.memory_space<hbm>>
        %dma_wait3A_21 = arith.constant 0 : i32
        %dma_wait3A_22 = arith.constant 0 : i32
        %dma_wait3A_23 = tpu.memref_slice %arg2[%add3A, %scan3A_8, %dma_wait3A_21, %dma_wait3A_22] : memref<32x49x1x2048xi32, #tpu.memory_space<hbm>> -> memref<1x1x1x2048xi32, #tpu.memory_space<hbm>>
        %dma_wait3A_24 = tpu.memref_squeeze %dma_wait3A_23 : memref<1x1x1x2048xi32, #tpu.memory_space<hbm>> -> memref<1x2048xi32, #tpu.memory_space<hbm>>
        tpu.wait_dma2 semaphore(%run_scoped3A_10 : memref<!tpu.dma_semaphore, #tpu.memory_space<semaphore_mem>>) src(%dma_wait3A_24 : memref<1x2048xi32, #tpu.memory_space<hbm>>) dst(%arg6 : memref<1x2048xi32, #tpu.memory_space<vmem>>)
        tpu.yield
      }) : () -> ()
      %run_scoped3A = arith.constant 0 : i32
      %run_scoped3A_9 = arith.constant 0 : i32
      "tpu.region"() ({
        %run_scoped3A_10 = tpu.sem_alloc : memref<!tpu.dma_semaphore, #tpu.memory_space<semaphore_mem>>
        %dma_start3A = arith.constant 0 : i32
        %dma_start3A_11 = tpu.memref_slice %arg7[%run_scoped3A_9, %dma_start3A] : memref<1x2048xf32, #tpu.memory_space<vmem>> -> memref<1x2048xf32, #tpu.memory_space<vmem>>
        %dma_start3A_12 = tpu.memref_squeeze %dma_start3A_11 : memref<1x2048xf32, #tpu.memory_space<vmem>> -> memref<2048xf32, #tpu.memory_space<vmem>>
        %dma_start3A_13 = arith.constant 0 : i32
        %dma_start3A_14 = tpu.memref_slice %arg6[%run_scoped3A, %dma_start3A_13] : memref<1x2048xi32, #tpu.memory_space<vmem>> -> memref<1x2048xi32, #tpu.memory_space<vmem>>
        %dma_start3A_15 = tpu.memref_squeeze %dma_start3A_14 : memref<1x2048xi32, #tpu.memory_space<vmem>> -> memref<2048xi32, #tpu.memory_space<vmem>>
        %dma_start3A_16 = arith.constant 0 : i32
        %dma_start3A_17 = tpu.memref_slice %arg5[%dma_start3A_16] : memref<100096xf32, #tpu.memory_space<vmem_shared>> -> memref<100096xf32, #tpu.memory_space<vmem_shared>>
        tpu.enqueue_indirect_dma source(%dma_start3A_17 : memref<100096xf32, #tpu.memory_space<vmem_shared>>) target(%dma_start3A_12 : memref<2048xf32, #tpu.memory_space<vmem>>) offsets(%dma_start3A_15 : memref<2048xi32, #tpu.memory_space<vmem>>) semaphore(%run_scoped3A_10 : memref<!tpu.dma_semaphore, #tpu.memory_space<semaphore_mem>>)
        %dma_wait3A = arith.constant 0 : i32
        %dma_wait3A_18 = tpu.memref_slice %arg7[%run_scoped3A_9, %dma_wait3A] : memref<1x2048xf32, #tpu.memory_space<vmem>> -> memref<1x2048xf32, #tpu.memory_space<vmem>>
        %dma_wait3A_19 = tpu.memref_squeeze %dma_wait3A_18 : memref<1x2048xf32, #tpu.memory_space<vmem>> -> memref<2048xf32, #tpu.memory_space<vmem>>
        %dma_wait3A_20 = arith.constant 0 : i32
        %dma_wait3A_21 = tpu.memref_slice %arg6[%run_scoped3A, %dma_wait3A_20] : memref<1x2048xi32, #tpu.memory_space<vmem>> -> memref<1x2048xi32, #tpu.memory_space<vmem>>
        %dma_wait3A_22 = tpu.memref_squeeze %dma_wait3A_21 : memref<1x2048xi32, #tpu.memory_space<vmem>> -> memref<2048xi32, #tpu.memory_space<vmem>>
        %dma_wait3A_23 = arith.constant 0 : i32
        %dma_wait3A_24 = tpu.memref_slice %arg5[%dma_wait3A_23] : memref<100096xf32, #tpu.memory_space<vmem_shared>> -> memref<100096xf32, #tpu.memory_space<vmem_shared>>
        tpu.wait_indirect_dma semaphore(%run_scoped3A_10 : memref<!tpu.dma_semaphore, #tpu.memory_space<semaphore_mem>>) src(%dma_wait3A_24 : memref<100096xf32, #tpu.memory_space<vmem_shared>>) dst(%dma_wait3A_19 : memref<2048xf32, #tpu.memory_space<vmem>>)
        tpu.yield
      }) : () -> ()
      "tpu.region"() ({
        %run_scoped3A_10 = tpu.sem_alloc : memref<!tpu.dma_semaphore, #tpu.memory_space<semaphore_mem>>
        %dma_start3A = arith.constant 0 : i32
        %dma_start3A_11 = arith.constant 0 : i32
        %dma_start3A_12 = tpu.memref_slice %arg4[%add3A, %scan3A_8, %dma_start3A, %dma_start3A_11] : memref<32x49x1x2048xf32, #tpu.memory_space<hbm>> -> memref<1x1x1x2048xf32, #tpu.memory_space<hbm>>
        %dma_start3A_13 = tpu.memref_squeeze %dma_start3A_12 : memref<1x1x1x2048xf32, #tpu.memory_space<hbm>> -> memref<1x2048xf32, #tpu.memory_space<hbm>>
        %dma_start3A_14 = arith.constant 0 : i32
        %dma_start3A_15 = arith.constant 0 : i32
        %dma_start3A_16 = tpu.memref_slice %arg4[%add3A, %scan3A_8, %dma_start3A_14, %dma_start3A_15] : memref<32x49x1x2048xf32, #tpu.memory_space<hbm>> -> memref<1x1x1x2048xf32, #tpu.memory_space<hbm>>
        %dma_start3A_17 = tpu.memref_squeeze %dma_start3A_16 : memref<1x1x1x2048xf32, #tpu.memory_space<hbm>> -> memref<1x2048xf32, #tpu.memory_space<hbm>>
        tpu.enqueue_dma source(%arg7 : memref<1x2048xf32, #tpu.memory_space<vmem>>) target(%dma_start3A_17 : memref<1x2048xf32, #tpu.memory_space<hbm>>) target_semaphore(%run_scoped3A_10 : memref<!tpu.dma_semaphore, #tpu.memory_space<semaphore_mem>>)
        %dma_wait3A = arith.constant 0 : i32
        %dma_wait3A_18 = arith.constant 0 : i32
        %dma_wait3A_19 = tpu.memref_slice %arg4[%add3A, %scan3A_8, %dma_wait3A, %dma_wait3A_18] : memref<32x49x1x2048xf32, #tpu.memory_space<hbm>> -> memref<1x1x1x2048xf32, #tpu.memory_space<hbm>>
        %dma_wait3A_20 = tpu.memref_squeeze %dma_wait3A_19 : memref<1x1x1x2048xf32, #tpu.memory_space<hbm>> -> memref<1x2048xf32, #tpu.memory_space<hbm>>
        %dma_wait3A_21 = arith.constant 0 : i32
        %dma_wait3A_22 = arith.constant 0 : i32
        %dma_wait3A_23 = tpu.memref_slice %arg4[%add3A, %scan3A_8, %dma_wait3A_21, %dma_wait3A_22] : memref<32x49x1x2048xf32, #tpu.memory_space<hbm>> -> memref<1x1x1x2048xf32, #tpu.memory_space<hbm>>
        %dma_wait3A_24 = tpu.memref_squeeze %dma_wait3A_23 : memref<1x1x1x2048xf32, #tpu.memory_space<hbm>> -> memref<1x2048xf32, #tpu.memory_space<hbm>>
        tpu.wait_dma2 semaphore(%run_scoped3A_10 : memref<!tpu.dma_semaphore, #tpu.memory_space<semaphore_mem>>) src(%arg7 : memref<1x2048xf32, #tpu.memory_space<vmem>>) dst(%dma_wait3A_24 : memref<1x2048xf32, #tpu.memory_space<hbm>>)
        tpu.yield
      }) : () -> ()
    }
    %scan3A_7 = arith.constant 49 : i32
    return
  }
}

#map = affine_map<(d0, d1) -> (0, 0, 0, 0)>
#map1 = affine_map<(d0, d1) -> (0)>
module attributes {stable_mosaic.version = 14 : i64} {
  func.func @_agg_pass(%arg0: i32, %arg1: i32, %arg2: memref<32x49x1x2048xi32, #tpu.memory_space<hbm>>, %arg3: memref<32x49x1x2048xi32, #tpu.memory_space<hbm>>, %arg4: memref<100096xf32, #tpu.memory_space<hbm>>, %arg5: memref<100096xf32, #tpu.memory_space<hbm>>, %arg6: memref<100096xf32, #tpu.memory_space<hbm>>, %arg7: memref<200192xf32, #tpu.memory_space<hbm>>, %arg8: memref<200192xf32, #tpu.memory_space<hbm>>, %arg9: memref<100096xf32, #tpu.memory_space<vmem_shared>>, %arg10: memref<100096xf32, #tpu.memory_space<vmem_shared>>, %arg11: memref<100096xf32, #tpu.memory_space<vmem_shared>>, %arg12: memref<100096xf32, #tpu.memory_space<vmem_shared>>, %arg13: memref<1x2048xi32, #tpu.memory_space<vmem>>, %arg14: memref<1x2048xi32, #tpu.memory_space<vmem>>, %arg15: memref<2048xf32, #tpu.memory_space<vmem>>, %arg16: memref<2048xf32, #tpu.memory_space<vmem>>, %arg17: memref<6256xf32, #tpu.memory_space<vmem>>) attributes {dimension_semantics = [#tpu.dimension_semantics<core_parallel>, #tpu.dimension_semantics<subcore_parallel>], iteration_bounds = array<i64: 2, 16>, scalar_prefetch = 0 : i64, scratch_operands = 9 : i64, tpu.core_type = #tpu.core_type<sc_vector_subcore>, window_params = [{transform_indices = #map}, {transform_indices = #map}, {transform_indices = #map1}, {transform_indices = #map1}, {transform_indices = #map1}, {transform_indices = #map1}, {transform_indices = #map1}]} {
    %mul3A = arith.constant 2 : i32
    %mul3A_0 = arith.muli %arg1, %mul3A : i32
    %add3A = arith.addi %mul3A_0, %arg0 : i32
    %mul3A_1 = arith.constant 6256 : i32
    %mul3A_2 = arith.muli %arg1, %mul3A_1 : i32
    "tpu.region"() ({
      %run_scoped3A = tpu.sem_alloc : memref<!tpu.dma_semaphore, #tpu.memory_space<semaphore_mem>>
      %dma_start3A = tpu.memref_slice %arg4[%mul3A_2] : memref<100096xf32, #tpu.memory_space<hbm>> -> memref<6256xf32, #tpu.memory_space<hbm>>
      %dma_start3A_19 = tpu.memref_slice %arg4[%mul3A_2] : memref<100096xf32, #tpu.memory_space<hbm>> -> memref<6256xf32, #tpu.memory_space<hbm>>
      tpu.enqueue_dma source(%dma_start3A_19 : memref<6256xf32, #tpu.memory_space<hbm>>) target(%arg17 : memref<6256xf32, #tpu.memory_space<vmem>>) target_semaphore(%run_scoped3A : memref<!tpu.dma_semaphore, #tpu.memory_space<semaphore_mem>>)
      %dma_wait3A = tpu.memref_slice %arg4[%mul3A_2] : memref<100096xf32, #tpu.memory_space<hbm>> -> memref<6256xf32, #tpu.memory_space<hbm>>
      %dma_wait3A_20 = tpu.memref_slice %arg4[%mul3A_2] : memref<100096xf32, #tpu.memory_space<hbm>> -> memref<6256xf32, #tpu.memory_space<hbm>>
      tpu.wait_dma2 semaphore(%run_scoped3A : memref<!tpu.dma_semaphore, #tpu.memory_space<semaphore_mem>>) src(%dma_wait3A_20 : memref<6256xf32, #tpu.memory_space<hbm>>) dst(%arg17 : memref<6256xf32, #tpu.memory_space<vmem>>)
      tpu.yield
    }) : () -> ()
    "tpu.region"() ({
      %run_scoped3A = tpu.sem_alloc : memref<!tpu.dma_semaphore, #tpu.memory_space<semaphore_mem>>
      %dma_start3A = tpu.memref_slice %arg9[%mul3A_2] : memref<100096xf32, #tpu.memory_space<vmem_shared>> -> memref<6256xf32, #tpu.memory_space<vmem_shared>>
      %dma_start3A_19 = tpu.memref_slice %arg9[%mul3A_2] : memref<100096xf32, #tpu.memory_space<vmem_shared>> -> memref<6256xf32, #tpu.memory_space<vmem_shared>>
      tpu.enqueue_dma source(%arg17 : memref<6256xf32, #tpu.memory_space<vmem>>) target(%dma_start3A_19 : memref<6256xf32, #tpu.memory_space<vmem_shared>>) target_semaphore(%run_scoped3A : memref<!tpu.dma_semaphore, #tpu.memory_space<semaphore_mem>>)
      %dma_wait3A = tpu.memref_slice %arg9[%mul3A_2] : memref<100096xf32, #tpu.memory_space<vmem_shared>> -> memref<6256xf32, #tpu.memory_space<vmem_shared>>
      %dma_wait3A_20 = tpu.memref_slice %arg9[%mul3A_2] : memref<100096xf32, #tpu.memory_space<vmem_shared>> -> memref<6256xf32, #tpu.memory_space<vmem_shared>>
      tpu.wait_dma2 semaphore(%run_scoped3A : memref<!tpu.dma_semaphore, #tpu.memory_space<semaphore_mem>>) src(%arg17 : memref<6256xf32, #tpu.memory_space<vmem>>) dst(%dma_wait3A_20 : memref<6256xf32, #tpu.memory_space<vmem_shared>>)
      tpu.yield
    }) : () -> ()
    "tpu.region"() ({
      %run_scoped3A = tpu.sem_alloc : memref<!tpu.dma_semaphore, #tpu.memory_space<semaphore_mem>>
      %dma_start3A = tpu.memref_slice %arg5[%mul3A_2] : memref<100096xf32, #tpu.memory_space<hbm>> -> memref<6256xf32, #tpu.memory_space<hbm>>
      %dma_start3A_19 = tpu.memref_slice %arg5[%mul3A_2] : memref<100096xf32, #tpu.memory_space<hbm>> -> memref<6256xf32, #tpu.memory_space<hbm>>
      tpu.enqueue_dma source(%dma_start3A_19 : memref<6256xf32, #tpu.memory_space<hbm>>) target(%arg17 : memref<6256xf32, #tpu.memory_space<vmem>>) target_semaphore(%run_scoped3A : memref<!tpu.dma_semaphore, #tpu.memory_space<semaphore_mem>>)
      %dma_wait3A = tpu.memref_slice %arg5[%mul3A_2] : memref<100096xf32, #tpu.memory_space<hbm>> -> memref<6256xf32, #tpu.memory_space<hbm>>
      %dma_wait3A_20 = tpu.memref_slice %arg5[%mul3A_2] : memref<100096xf32, #tpu.memory_space<hbm>> -> memref<6256xf32, #tpu.memory_space<hbm>>
      tpu.wait_dma2 semaphore(%run_scoped3A : memref<!tpu.dma_semaphore, #tpu.memory_space<semaphore_mem>>) src(%dma_wait3A_20 : memref<6256xf32, #tpu.memory_space<hbm>>) dst(%arg17 : memref<6256xf32, #tpu.memory_space<vmem>>)
      tpu.yield
    }) : () -> ()
    "tpu.region"() ({
      %run_scoped3A = tpu.sem_alloc : memref<!tpu.dma_semaphore, #tpu.memory_space<semaphore_mem>>
      %dma_start3A = tpu.memref_slice %arg10[%mul3A_2] : memref<100096xf32, #tpu.memory_space<vmem_shared>> -> memref<6256xf32, #tpu.memory_space<vmem_shared>>
      %dma_start3A_19 = tpu.memref_slice %arg10[%mul3A_2] : memref<100096xf32, #tpu.memory_space<vmem_shared>> -> memref<6256xf32, #tpu.memory_space<vmem_shared>>
      tpu.enqueue_dma source(%arg17 : memref<6256xf32, #tpu.memory_space<vmem>>) target(%dma_start3A_19 : memref<6256xf32, #tpu.memory_space<vmem_shared>>) target_semaphore(%run_scoped3A : memref<!tpu.dma_semaphore, #tpu.memory_space<semaphore_mem>>)
      %dma_wait3A = tpu.memref_slice %arg10[%mul3A_2] : memref<100096xf32, #tpu.memory_space<vmem_shared>> -> memref<6256xf32, #tpu.memory_space<vmem_shared>>
      %dma_wait3A_20 = tpu.memref_slice %arg10[%mul3A_2] : memref<100096xf32, #tpu.memory_space<vmem_shared>> -> memref<6256xf32, #tpu.memory_space<vmem_shared>>
      tpu.wait_dma2 semaphore(%run_scoped3A : memref<!tpu.dma_semaphore, #tpu.memory_space<semaphore_mem>>) src(%arg17 : memref<6256xf32, #tpu.memory_space<vmem>>) dst(%dma_wait3A_20 : memref<6256xf32, #tpu.memory_space<vmem_shared>>)
      tpu.yield
    }) : () -> ()
    "tpu.region"() ({
      %run_scoped3A = tpu.sem_alloc : memref<!tpu.dma_semaphore, #tpu.memory_space<semaphore_mem>>
      %dma_start3A = tpu.memref_slice %arg6[%mul3A_2] : memref<100096xf32, #tpu.memory_space<hbm>> -> memref<6256xf32, #tpu.memory_space<hbm>>
      %dma_start3A_19 = tpu.memref_slice %arg6[%mul3A_2] : memref<100096xf32, #tpu.memory_space<hbm>> -> memref<6256xf32, #tpu.memory_space<hbm>>
      tpu.enqueue_dma source(%dma_start3A_19 : memref<6256xf32, #tpu.memory_space<hbm>>) target(%arg17 : memref<6256xf32, #tpu.memory_space<vmem>>) target_semaphore(%run_scoped3A : memref<!tpu.dma_semaphore, #tpu.memory_space<semaphore_mem>>)
      %dma_wait3A = tpu.memref_slice %arg6[%mul3A_2] : memref<100096xf32, #tpu.memory_space<hbm>> -> memref<6256xf32, #tpu.memory_space<hbm>>
      %dma_wait3A_20 = tpu.memref_slice %arg6[%mul3A_2] : memref<100096xf32, #tpu.memory_space<hbm>> -> memref<6256xf32, #tpu.memory_space<hbm>>
      tpu.wait_dma2 semaphore(%run_scoped3A : memref<!tpu.dma_semaphore, #tpu.memory_space<semaphore_mem>>) src(%dma_wait3A_20 : memref<6256xf32, #tpu.memory_space<hbm>>) dst(%arg17 : memref<6256xf32, #tpu.memory_space<vmem>>)
      tpu.yield
    }) : () -> ()
    "tpu.region"() ({
      %run_scoped3A = tpu.sem_alloc : memref<!tpu.dma_semaphore, #tpu.memory_space<semaphore_mem>>
      %dma_start3A = tpu.memref_slice %arg11[%mul3A_2] : memref<100096xf32, #tpu.memory_space<vmem_shared>> -> memref<6256xf32, #tpu.memory_space<vmem_shared>>
      %dma_start3A_19 = tpu.memref_slice %arg11[%mul3A_2] : memref<100096xf32, #tpu.memory_space<vmem_shared>> -> memref<6256xf32, #tpu.memory_space<vmem_shared>>
      tpu.enqueue_dma source(%arg17 : memref<6256xf32, #tpu.memory_space<vmem>>) target(%dma_start3A_19 : memref<6256xf32, #tpu.memory_space<vmem_shared>>) target_semaphore(%run_scoped3A : memref<!tpu.dma_semaphore, #tpu.memory_space<semaphore_mem>>)
      %dma_wait3A = tpu.memref_slice %arg11[%mul3A_2] : memref<100096xf32, #tpu.memory_space<vmem_shared>> -> memref<6256xf32, #tpu.memory_space<vmem_shared>>
      %dma_wait3A_20 = tpu.memref_slice %arg11[%mul3A_2] : memref<100096xf32, #tpu.memory_space<vmem_shared>> -> memref<6256xf32, #tpu.memory_space<vmem_shared>>
      tpu.wait_dma2 semaphore(%run_scoped3A : memref<!tpu.dma_semaphore, #tpu.memory_space<semaphore_mem>>) src(%arg17 : memref<6256xf32, #tpu.memory_space<vmem>>) dst(%dma_wait3A_20 : memref<6256xf32, #tpu.memory_space<vmem_shared>>)
      tpu.yield
    }) : () -> ()
    "tpu.region"() ({
      %run_scoped3A = tpu.sem_alloc : memref<!tpu.dma_semaphore, #tpu.memory_space<semaphore_mem>>
      %dma_start3A = tpu.memref_slice %arg12[%mul3A_2] : memref<100096xf32, #tpu.memory_space<vmem_shared>> -> memref<6256xf32, #tpu.memory_space<vmem_shared>>
      %dma_start3A_19 = tpu.memref_slice %arg12[%mul3A_2] : memref<100096xf32, #tpu.memory_space<vmem_shared>> -> memref<6256xf32, #tpu.memory_space<vmem_shared>>
      tpu.enqueue_dma source(%arg17 : memref<6256xf32, #tpu.memory_space<vmem>>) target(%dma_start3A_19 : memref<6256xf32, #tpu.memory_space<vmem_shared>>) target_semaphore(%run_scoped3A : memref<!tpu.dma_semaphore, #tpu.memory_space<semaphore_mem>>)
      %dma_wait3A = tpu.memref_slice %arg12[%mul3A_2] : memref<100096xf32, #tpu.memory_space<vmem_shared>> -> memref<6256xf32, #tpu.memory_space<vmem_shared>>
      %dma_wait3A_20 = tpu.memref_slice %arg12[%mul3A_2] : memref<100096xf32, #tpu.memory_space<vmem_shared>> -> memref<6256xf32, #tpu.memory_space<vmem_shared>>
      tpu.wait_dma2 semaphore(%run_scoped3A : memref<!tpu.dma_semaphore, #tpu.memory_space<semaphore_mem>>) src(%arg17 : memref<6256xf32, #tpu.memory_space<vmem>>) dst(%dma_wait3A_20 : memref<6256xf32, #tpu.memory_space<vmem_shared>>)
      tpu.yield
    }) : () -> ()
    %barrier3A = arith.constant 0 : index
    tpu.barrier barrier_id(%barrier3A)
    %scan3A = arith.constant 0 : i32
    %scan3A_3 = arith.constant 0 : i32
    %scan3A_4 = arith.constant 49 : i32
    %scan3A_5 = arith.addi %scan3A_3, %scan3A_4 : i32
    %scan3A_6 = arith.constant 1 : i32
    scf.for %scan3A_19 = %scan3A_3 to %scan3A_5 step %scan3A_6  : i32 {
      "tpu.region"() ({
        %run_scoped3A_23 = tpu.sem_alloc : memref<!tpu.dma_semaphore, #tpu.memory_space<semaphore_mem>>
        %dma_start3A = arith.constant 0 : i32
        %dma_start3A_24 = arith.constant 0 : i32
        %dma_start3A_25 = tpu.memref_slice %arg2[%add3A, %scan3A_19, %dma_start3A, %dma_start3A_24] : memref<32x49x1x2048xi32, #tpu.memory_space<hbm>> -> memref<1x1x1x2048xi32, #tpu.memory_space<hbm>>
        %dma_start3A_26 = tpu.memref_squeeze %dma_start3A_25 : memref<1x1x1x2048xi32, #tpu.memory_space<hbm>> -> memref<1x2048xi32, #tpu.memory_space<hbm>>
        %dma_start3A_27 = arith.constant 0 : i32
        %dma_start3A_28 = arith.constant 0 : i32
        %dma_start3A_29 = tpu.memref_slice %arg2[%add3A, %scan3A_19, %dma_start3A_27, %dma_start3A_28] : memref<32x49x1x2048xi32, #tpu.memory_space<hbm>> -> memref<1x1x1x2048xi32, #tpu.memory_space<hbm>>
        %dma_start3A_30 = tpu.memref_squeeze %dma_start3A_29 : memref<1x1x1x2048xi32, #tpu.memory_space<hbm>> -> memref<1x2048xi32, #tpu.memory_space<hbm>>
        tpu.enqueue_dma source(%dma_start3A_30 : memref<1x2048xi32, #tpu.memory_space<hbm>>) target(%arg13 : memref<1x2048xi32, #tpu.memory_space<vmem>>) target_semaphore(%run_scoped3A_23 : memref<!tpu.dma_semaphore, #tpu.memory_space<semaphore_mem>>)
        %dma_wait3A = arith.constant 0 : i32
        %dma_wait3A_31 = arith.constant 0 : i32
        %dma_wait3A_32 = tpu.memref_slice %arg2[%add3A, %scan3A_19, %dma_wait3A, %dma_wait3A_31] : memref<32x49x1x2048xi32, #tpu.memory_space<hbm>> -> memref<1x1x1x2048xi32, #tpu.memory_space<hbm>>
        %dma_wait3A_33 = tpu.memref_squeeze %dma_wait3A_32 : memref<1x1x1x2048xi32, #tpu.memory_space<hbm>> -> memref<1x2048xi32, #tpu.memory_space<hbm>>
        %dma_wait3A_34 = arith.constant 0 : i32
        %dma_wait3A_35 = arith.constant 0 : i32
        %dma_wait3A_36 = tpu.memref_slice %arg2[%add3A, %scan3A_19, %dma_wait3A_34, %dma_wait3A_35] : memref<32x49x1x2048xi32, #tpu.memory_space<hbm>> -> memref<1x1x1x2048xi32, #tpu.memory_space<hbm>>
        %dma_wait3A_37 = tpu.memref_squeeze %dma_wait3A_36 : memref<1x1x1x2048xi32, #tpu.memory_space<hbm>> -> memref<1x2048xi32, #tpu.memory_space<hbm>>
        tpu.wait_dma2 semaphore(%run_scoped3A_23 : memref<!tpu.dma_semaphore, #tpu.memory_space<semaphore_mem>>) src(%dma_wait3A_37 : memref<1x2048xi32, #tpu.memory_space<hbm>>) dst(%arg13 : memref<1x2048xi32, #tpu.memory_space<vmem>>)
        tpu.yield
      }) : () -> ()
      "tpu.region"() ({
        %run_scoped3A_23 = tpu.sem_alloc : memref<!tpu.dma_semaphore, #tpu.memory_space<semaphore_mem>>
        %dma_start3A = arith.constant 0 : i32
        %dma_start3A_24 = arith.constant 0 : i32
        %dma_start3A_25 = tpu.memref_slice %arg3[%add3A, %scan3A_19, %dma_start3A, %dma_start3A_24] : memref<32x49x1x2048xi32, #tpu.memory_space<hbm>> -> memref<1x1x1x2048xi32, #tpu.memory_space<hbm>>
        %dma_start3A_26 = tpu.memref_squeeze %dma_start3A_25 : memref<1x1x1x2048xi32, #tpu.memory_space<hbm>> -> memref<1x2048xi32, #tpu.memory_space<hbm>>
        %dma_start3A_27 = arith.constant 0 : i32
        %dma_start3A_28 = arith.constant 0 : i32
        %dma_start3A_29 = tpu.memref_slice %arg3[%add3A, %scan3A_19, %dma_start3A_27, %dma_start3A_28] : memref<32x49x1x2048xi32, #tpu.memory_space<hbm>> -> memref<1x1x1x2048xi32, #tpu.memory_space<hbm>>
        %dma_start3A_30 = tpu.memref_squeeze %dma_start3A_29 : memref<1x1x1x2048xi32, #tpu.memory_space<hbm>> -> memref<1x2048xi32, #tpu.memory_space<hbm>>
        tpu.enqueue_dma source(%dma_start3A_30 : memref<1x2048xi32, #tpu.memory_space<hbm>>) target(%arg14 : memref<1x2048xi32, #tpu.memory_space<vmem>>) target_semaphore(%run_scoped3A_23 : memref<!tpu.dma_semaphore, #tpu.memory_space<semaphore_mem>>)
        %dma_wait3A = arith.constant 0 : i32
        %dma_wait3A_31 = arith.constant 0 : i32
        %dma_wait3A_32 = tpu.memref_slice %arg3[%add3A, %scan3A_19, %dma_wait3A, %dma_wait3A_31] : memref<32x49x1x2048xi32, #tpu.memory_space<hbm>> -> memref<1x1x1x2048xi32, #tpu.memory_space<hbm>>
        %dma_wait3A_33 = tpu.memref_squeeze %dma_wait3A_32 : memref<1x1x1x2048xi32, #tpu.memory_space<hbm>> -> memref<1x2048xi32, #tpu.memory_space<hbm>>
        %dma_wait3A_34 = arith.constant 0 : i32
        %dma_wait3A_35 = arith.constant 0 : i32
        %dma_wait3A_36 = tpu.memref_slice %arg3[%add3A, %scan3A_19, %dma_wait3A_34, %dma_wait3A_35] : memref<32x49x1x2048xi32, #tpu.memory_space<hbm>> -> memref<1x1x1x2048xi32, #tpu.memory_space<hbm>>
        %dma_wait3A_37 = tpu.memref_squeeze %dma_wait3A_36 : memref<1x1x1x2048xi32, #tpu.memory_space<hbm>> -> memref<1x2048xi32, #tpu.memory_space<hbm>>
        tpu.wait_dma2 semaphore(%run_scoped3A_23 : memref<!tpu.dma_semaphore, #tpu.memory_space<semaphore_mem>>) src(%dma_wait3A_37 : memref<1x2048xi32, #tpu.memory_space<hbm>>) dst(%arg14 : memref<1x2048xi32, #tpu.memory_space<vmem>>)
        tpu.yield
      }) : () -> ()
      %run_scoped3A = arith.constant 0 : i32
      "tpu.region"() ({
        %run_scoped3A_23 = tpu.sem_alloc : memref<!tpu.dma_semaphore, #tpu.memory_space<semaphore_mem>>
        %dma_start3A = arith.constant 0 : i32
        %dma_start3A_24 = tpu.memref_slice %arg13[%run_scoped3A, %dma_start3A] : memref<1x2048xi32, #tpu.memory_space<vmem>> -> memref<1x2048xi32, #tpu.memory_space<vmem>>
        %dma_start3A_25 = tpu.memref_squeeze %dma_start3A_24 : memref<1x2048xi32, #tpu.memory_space<vmem>> -> memref<2048xi32, #tpu.memory_space<vmem>>
        %dma_start3A_26 = arith.constant 0 : i32
        %dma_start3A_27 = tpu.memref_slice %arg9[%dma_start3A_26] : memref<100096xf32, #tpu.memory_space<vmem_shared>> -> memref<100096xf32, #tpu.memory_space<vmem_shared>>
        tpu.enqueue_indirect_dma source(%dma_start3A_27 : memref<100096xf32, #tpu.memory_space<vmem_shared>>) target(%arg15 : memref<2048xf32, #tpu.memory_space<vmem>>) offsets(%dma_start3A_25 : memref<2048xi32, #tpu.memory_space<vmem>>) semaphore(%run_scoped3A_23 : memref<!tpu.dma_semaphore, #tpu.memory_space<semaphore_mem>>)
        %dma_wait3A = arith.constant 0 : i32
        %dma_wait3A_28 = tpu.memref_slice %arg13[%run_scoped3A, %dma_wait3A] : memref<1x2048xi32, #tpu.memory_space<vmem>> -> memref<1x2048xi32, #tpu.memory_space<vmem>>
        %dma_wait3A_29 = tpu.memref_squeeze %dma_wait3A_28 : memref<1x2048xi32, #tpu.memory_space<vmem>> -> memref<2048xi32, #tpu.memory_space<vmem>>
        %dma_wait3A_30 = arith.constant 0 : i32
        %dma_wait3A_31 = tpu.memref_slice %arg9[%dma_wait3A_30] : memref<100096xf32, #tpu.memory_space<vmem_shared>> -> memref<100096xf32, #tpu.memory_space<vmem_shared>>
        tpu.wait_indirect_dma semaphore(%run_scoped3A_23 : memref<!tpu.dma_semaphore, #tpu.memory_space<semaphore_mem>>) src(%dma_wait3A_31 : memref<100096xf32, #tpu.memory_space<vmem_shared>>) dst(%arg15 : memref<2048xf32, #tpu.memory_space<vmem>>)
        tpu.yield
      }) : () -> ()
      %run_scoped3A_20 = arith.constant 0 : i32
      "tpu.region"() ({
        %run_scoped3A_23 = tpu.sem_alloc : memref<!tpu.dma_semaphore, #tpu.memory_space<semaphore_mem>>
        %dma_start3A = arith.constant 0 : i32
        %dma_start3A_24 = tpu.memref_slice %arg13[%run_scoped3A_20, %dma_start3A] : memref<1x2048xi32, #tpu.memory_space<vmem>> -> memref<1x2048xi32, #tpu.memory_space<vmem>>
        %dma_start3A_25 = tpu.memref_squeeze %dma_start3A_24 : memref<1x2048xi32, #tpu.memory_space<vmem>> -> memref<2048xi32, #tpu.memory_space<vmem>>
        %dma_start3A_26 = arith.constant 0 : i32
        %dma_start3A_27 = tpu.memref_slice %arg10[%dma_start3A_26] : memref<100096xf32, #tpu.memory_space<vmem_shared>> -> memref<100096xf32, #tpu.memory_space<vmem_shared>>
        tpu.enqueue_indirect_dma source(%dma_start3A_27 : memref<100096xf32, #tpu.memory_space<vmem_shared>>) target(%arg16 : memref<2048xf32, #tpu.memory_space<vmem>>) offsets(%dma_start3A_25 : memref<2048xi32, #tpu.memory_space<vmem>>) semaphore(%run_scoped3A_23 : memref<!tpu.dma_semaphore, #tpu.memory_space<semaphore_mem>>)
        %dma_wait3A = arith.constant 0 : i32
        %dma_wait3A_28 = tpu.memref_slice %arg13[%run_scoped3A_20, %dma_wait3A] : memref<1x2048xi32, #tpu.memory_space<vmem>> -> memref<1x2048xi32, #tpu.memory_space<vmem>>
        %dma_wait3A_29 = tpu.memref_squeeze %dma_wait3A_28 : memref<1x2048xi32, #tpu.memory_space<vmem>> -> memref<2048xi32, #tpu.memory_space<vmem>>
        %dma_wait3A_30 = arith.constant 0 : i32
        %dma_wait3A_31 = tpu.memref_slice %arg10[%dma_wait3A_30] : memref<100096xf32, #tpu.memory_space<vmem_shared>> -> memref<100096xf32, #tpu.memory_space<vmem_shared>>
        tpu.wait_indirect_dma semaphore(%run_scoped3A_23 : memref<!tpu.dma_semaphore, #tpu.memory_space<semaphore_mem>>) src(%dma_wait3A_31 : memref<100096xf32, #tpu.memory_space<vmem_shared>>) dst(%arg16 : memref<2048xf32, #tpu.memory_space<vmem>>)
        tpu.yield
      }) : () -> ()
      %run_scoped3A_21 = arith.constant 0 : i32
      "tpu.region"() ({
        %run_scoped3A_23 = tpu.sem_alloc : memref<!tpu.dma_semaphore, #tpu.memory_space<semaphore_mem>>
        %dma_start3A = arith.constant 0 : i32
        %dma_start3A_24 = tpu.memref_slice %arg14[%run_scoped3A_21, %dma_start3A] : memref<1x2048xi32, #tpu.memory_space<vmem>> -> memref<1x2048xi32, #tpu.memory_space<vmem>>
        %dma_start3A_25 = tpu.memref_squeeze %dma_start3A_24 : memref<1x2048xi32, #tpu.memory_space<vmem>> -> memref<2048xi32, #tpu.memory_space<vmem>>
        %dma_start3A_26 = arith.constant 0 : i32
        %dma_start3A_27 = tpu.memref_slice %arg11[%dma_start3A_26] : memref<100096xf32, #tpu.memory_space<vmem_shared>> -> memref<100096xf32, #tpu.memory_space<vmem_shared>>
        tpu.enqueue_indirect_dma source(%arg15 : memref<2048xf32, #tpu.memory_space<vmem>>) target(%dma_start3A_27 : memref<100096xf32, #tpu.memory_space<vmem_shared>>) offsets(%dma_start3A_25 : memref<2048xi32, #tpu.memory_space<vmem>>) semaphore(%run_scoped3A_23 : memref<!tpu.dma_semaphore, #tpu.memory_space<semaphore_mem>>) {add = true}
        %dma_wait3A = arith.constant 0 : i32
        %dma_wait3A_28 = tpu.memref_slice %arg14[%run_scoped3A_21, %dma_wait3A] : memref<1x2048xi32, #tpu.memory_space<vmem>> -> memref<1x2048xi32, #tpu.memory_space<vmem>>
        %dma_wait3A_29 = tpu.memref_squeeze %dma_wait3A_28 : memref<1x2048xi32, #tpu.memory_space<vmem>> -> memref<2048xi32, #tpu.memory_space<vmem>>
        %dma_wait3A_30 = arith.constant 0 : i32
        %dma_wait3A_31 = tpu.memref_slice %arg11[%dma_wait3A_30] : memref<100096xf32, #tpu.memory_space<vmem_shared>> -> memref<100096xf32, #tpu.memory_space<vmem_shared>>
        tpu.wait_indirect_dma semaphore(%run_scoped3A_23 : memref<!tpu.dma_semaphore, #tpu.memory_space<semaphore_mem>>) src(%arg15 : memref<2048xf32, #tpu.memory_space<vmem>>) dst(%dma_wait3A_31 : memref<100096xf32, #tpu.memory_space<vmem_shared>>)
        tpu.yield
      }) : () -> ()
      %run_scoped3A_22 = arith.constant 0 : i32
      "tpu.region"() ({
        %run_scoped3A_23 = tpu.sem_alloc : memref<!tpu.dma_semaphore, #tpu.memory_space<semaphore_mem>>
        %dma_start3A = arith.constant 0 : i32
        %dma_start3A_24 = tpu.memref_slice %arg14[%run_scoped3A_22, %dma_start3A] : memref<1x2048xi32, #tpu.memory_space<vmem>> -> memref<1x2048xi32, #tpu.memory_space<vmem>>
        %dma_start3A_25 = tpu.memref_squeeze %dma_start3A_24 : memref<1x2048xi32, #tpu.memory_space<vmem>> -> memref<2048xi32, #tpu.memory_space<vmem>>
        %dma_start3A_26 = arith.constant 0 : i32
        %dma_start3A_27 = tpu.memref_slice %arg12[%dma_start3A_26] : memref<100096xf32, #tpu.memory_space<vmem_shared>> -> memref<100096xf32, #tpu.memory_space<vmem_shared>>
        tpu.enqueue_indirect_dma source(%arg16 : memref<2048xf32, #tpu.memory_space<vmem>>) target(%dma_start3A_27 : memref<100096xf32, #tpu.memory_space<vmem_shared>>) offsets(%dma_start3A_25 : memref<2048xi32, #tpu.memory_space<vmem>>) semaphore(%run_scoped3A_23 : memref<!tpu.dma_semaphore, #tpu.memory_space<semaphore_mem>>) {add = true}
        %dma_wait3A = arith.constant 0 : i32
        %dma_wait3A_28 = tpu.memref_slice %arg14[%run_scoped3A_22, %dma_wait3A] : memref<1x2048xi32, #tpu.memory_space<vmem>> -> memref<1x2048xi32, #tpu.memory_space<vmem>>
        %dma_wait3A_29 = tpu.memref_squeeze %dma_wait3A_28 : memref<1x2048xi32, #tpu.memory_space<vmem>> -> memref<2048xi32, #tpu.memory_space<vmem>>
        %dma_wait3A_30 = arith.constant 0 : i32
        %dma_wait3A_31 = tpu.memref_slice %arg12[%dma_wait3A_30] : memref<100096xf32, #tpu.memory_space<vmem_shared>> -> memref<100096xf32, #tpu.memory_space<vmem_shared>>
        tpu.wait_indirect_dma semaphore(%run_scoped3A_23 : memref<!tpu.dma_semaphore, #tpu.memory_space<semaphore_mem>>) src(%arg16 : memref<2048xf32, #tpu.memory_space<vmem>>) dst(%dma_wait3A_31 : memref<100096xf32, #tpu.memory_space<vmem_shared>>)
        tpu.yield
      }) : () -> ()
    }
    %scan3A_7 = arith.constant 49 : i32
    %barrier3A_8 = arith.constant 0 : index
    tpu.barrier barrier_id(%barrier3A_8)
    "tpu.region"() ({
      %run_scoped3A = tpu.sem_alloc : memref<!tpu.dma_semaphore, #tpu.memory_space<semaphore_mem>>
      %dma_start3A = tpu.memref_slice %arg11[%mul3A_2] : memref<100096xf32, #tpu.memory_space<vmem_shared>> -> memref<6256xf32, #tpu.memory_space<vmem_shared>>
      %dma_start3A_19 = tpu.memref_slice %arg11[%mul3A_2] : memref<100096xf32, #tpu.memory_space<vmem_shared>> -> memref<6256xf32, #tpu.memory_space<vmem_shared>>
      tpu.enqueue_dma source(%dma_start3A_19 : memref<6256xf32, #tpu.memory_space<vmem_shared>>) target(%arg17 : memref<6256xf32, #tpu.memory_space<vmem>>) target_semaphore(%run_scoped3A : memref<!tpu.dma_semaphore, #tpu.memory_space<semaphore_mem>>)
      %dma_wait3A = tpu.memref_slice %arg11[%mul3A_2] : memref<100096xf32, #tpu.memory_space<vmem_shared>> -> memref<6256xf32, #tpu.memory_space<vmem_shared>>
      %dma_wait3A_20 = tpu.memref_slice %arg11[%mul3A_2] : memref<100096xf32, #tpu.memory_space<vmem_shared>> -> memref<6256xf32, #tpu.memory_space<vmem_shared>>
      tpu.wait_dma2 semaphore(%run_scoped3A : memref<!tpu.dma_semaphore, #tpu.memory_space<semaphore_mem>>) src(%dma_wait3A_20 : memref<6256xf32, #tpu.memory_space<vmem_shared>>) dst(%arg17 : memref<6256xf32, #tpu.memory_space<vmem>>)
      tpu.yield
    }) : () -> ()
    %mul3A_9 = arith.constant 100096 : i32
    %mul3A_10 = arith.muli %arg0, %mul3A_9 : i32
    %mul3A_11 = arith.constant 6256 : i32
    %mul3A_12 = arith.muli %arg1, %mul3A_11 : i32
    %add3A_13 = arith.addi %mul3A_10, %mul3A_12 : i32
    "tpu.region"() ({
      %run_scoped3A = tpu.sem_alloc : memref<!tpu.dma_semaphore, #tpu.memory_space<semaphore_mem>>
      %dma_start3A = tpu.memref_slice %arg7[%add3A_13] : memref<200192xf32, #tpu.memory_space<hbm>> -> memref<6256xf32, #tpu.memory_space<hbm>>
      %dma_start3A_19 = tpu.memref_slice %arg7[%add3A_13] : memref<200192xf32, #tpu.memory_space<hbm>> -> memref<6256xf32, #tpu.memory_space<hbm>>
      tpu.enqueue_dma source(%arg17 : memref<6256xf32, #tpu.memory_space<vmem>>) target(%dma_start3A_19 : memref<6256xf32, #tpu.memory_space<hbm>>) target_semaphore(%run_scoped3A : memref<!tpu.dma_semaphore, #tpu.memory_space<semaphore_mem>>)
      %dma_wait3A = tpu.memref_slice %arg7[%add3A_13] : memref<200192xf32, #tpu.memory_space<hbm>> -> memref<6256xf32, #tpu.memory_space<hbm>>
      %dma_wait3A_20 = tpu.memref_slice %arg7[%add3A_13] : memref<200192xf32, #tpu.memory_space<hbm>> -> memref<6256xf32, #tpu.memory_space<hbm>>
      tpu.wait_dma2 semaphore(%run_scoped3A : memref<!tpu.dma_semaphore, #tpu.memory_space<semaphore_mem>>) src(%arg17 : memref<6256xf32, #tpu.memory_space<vmem>>) dst(%dma_wait3A_20 : memref<6256xf32, #tpu.memory_space<hbm>>)
      tpu.yield
    }) : () -> ()
    "tpu.region"() ({
      %run_scoped3A = tpu.sem_alloc : memref<!tpu.dma_semaphore, #tpu.memory_space<semaphore_mem>>
      %dma_start3A = tpu.memref_slice %arg12[%mul3A_2] : memref<100096xf32, #tpu.memory_space<vmem_shared>> -> memref<6256xf32, #tpu.memory_space<vmem_shared>>
      %dma_start3A_19 = tpu.memref_slice %arg12[%mul3A_2] : memref<100096xf32, #tpu.memory_space<vmem_shared>> -> memref<6256xf32, #tpu.memory_space<vmem_shared>>
      tpu.enqueue_dma source(%dma_start3A_19 : memref<6256xf32, #tpu.memory_space<vmem_shared>>) target(%arg17 : memref<6256xf32, #tpu.memory_space<vmem>>) target_semaphore(%run_scoped3A : memref<!tpu.dma_semaphore, #tpu.memory_space<semaphore_mem>>)
      %dma_wait3A = tpu.memref_slice %arg12[%mul3A_2] : memref<100096xf32, #tpu.memory_space<vmem_shared>> -> memref<6256xf32, #tpu.memory_space<vmem_shared>>
      %dma_wait3A_20 = tpu.memref_slice %arg12[%mul3A_2] : memref<100096xf32, #tpu.memory_space<vmem_shared>> -> memref<6256xf32, #tpu.memory_space<vmem_shared>>
      tpu.wait_dma2 semaphore(%run_scoped3A : memref<!tpu.dma_semaphore, #tpu.memory_space<semaphore_mem>>) src(%dma_wait3A_20 : memref<6256xf32, #tpu.memory_space<vmem_shared>>) dst(%arg17 : memref<6256xf32, #tpu.memory_space<vmem>>)
      tpu.yield
    }) : () -> ()
    %mul3A_14 = arith.constant 100096 : i32
    %mul3A_15 = arith.muli %arg0, %mul3A_14 : i32
    %mul3A_16 = arith.constant 6256 : i32
    %mul3A_17 = arith.muli %arg1, %mul3A_16 : i32
    %add3A_18 = arith.addi %mul3A_15, %mul3A_17 : i32
    "tpu.region"() ({
      %run_scoped3A = tpu.sem_alloc : memref<!tpu.dma_semaphore, #tpu.memory_space<semaphore_mem>>
      %dma_start3A = tpu.memref_slice %arg8[%add3A_18] : memref<200192xf32, #tpu.memory_space<hbm>> -> memref<6256xf32, #tpu.memory_space<hbm>>
      %dma_start3A_19 = tpu.memref_slice %arg8[%add3A_18] : memref<200192xf32, #tpu.memory_space<hbm>> -> memref<6256xf32, #tpu.memory_space<hbm>>
      tpu.enqueue_dma source(%arg17 : memref<6256xf32, #tpu.memory_space<vmem>>) target(%dma_start3A_19 : memref<6256xf32, #tpu.memory_space<hbm>>) target_semaphore(%run_scoped3A : memref<!tpu.dma_semaphore, #tpu.memory_space<semaphore_mem>>)
      %dma_wait3A = tpu.memref_slice %arg8[%add3A_18] : memref<200192xf32, #tpu.memory_space<hbm>> -> memref<6256xf32, #tpu.memory_space<hbm>>
      %dma_wait3A_20 = tpu.memref_slice %arg8[%add3A_18] : memref<200192xf32, #tpu.memory_space<hbm>> -> memref<6256xf32, #tpu.memory_space<hbm>>
      tpu.wait_dma2 semaphore(%run_scoped3A : memref<!tpu.dma_semaphore, #tpu.memory_space<semaphore_mem>>) src(%arg17 : memref<6256xf32, #tpu.memory_space<vmem>>) dst(%dma_wait3A_20 : memref<6256xf32, #tpu.memory_space<hbm>>)
      tpu.yield
    }) : () -> ()
    return
  }
}

#map = affine_map<(d0, d1) -> (0, 0, 0, 0)>
#map1 = affine_map<(d0, d1) -> (0)>
module attributes {stable_mosaic.version = 14 : i64} {
  func.func @_t_pass(%arg0: i32, %arg1: i32, %arg2: memref<32x49x1x2048xi32, #tpu.memory_space<hbm>>, %arg3: memref<32x49x1x2048xi32, #tpu.memory_space<hbm>>, %arg4: memref<100096xf32, #tpu.memory_space<hbm>>, %arg5: memref<100096xf32, #tpu.memory_space<hbm>>, %arg6: memref<200192xf32, #tpu.memory_space<hbm>>, %arg7: memref<100096xf32, #tpu.memory_space<vmem_shared>>, %arg8: memref<100096xf32, #tpu.memory_space<vmem_shared>>, %arg9: memref<1x2048xi32, #tpu.memory_space<vmem>>, %arg10: memref<1x2048xi32, #tpu.memory_space<vmem>>, %arg11: memref<2048xf32, #tpu.memory_space<vmem>>, %arg12: memref<6256xf32, #tpu.memory_space<vmem>>) attributes {dimension_semantics = [#tpu.dimension_semantics<core_parallel>, #tpu.dimension_semantics<subcore_parallel>], iteration_bounds = array<i64: 2, 16>, scalar_prefetch = 0 : i64, scratch_operands = 6 : i64, tpu.core_type = #tpu.core_type<sc_vector_subcore>, window_params = [{transform_indices = #map}, {transform_indices = #map}, {transform_indices = #map1}, {transform_indices = #map1}, {transform_indices = #map1}]} {
    %mul3A = arith.constant 2 : i32
    %mul3A_0 = arith.muli %arg1, %mul3A : i32
    %add3A = arith.addi %mul3A_0, %arg0 : i32
    %mul3A_1 = arith.constant 6256 : i32
    %mul3A_2 = arith.muli %arg1, %mul3A_1 : i32
    "tpu.region"() ({
      %run_scoped3A = tpu.sem_alloc : memref<!tpu.dma_semaphore, #tpu.memory_space<semaphore_mem>>
      %dma_start3A = tpu.memref_slice %arg4[%mul3A_2] : memref<100096xf32, #tpu.memory_space<hbm>> -> memref<6256xf32, #tpu.memory_space<hbm>>
      %dma_start3A_14 = tpu.memref_slice %arg4[%mul3A_2] : memref<100096xf32, #tpu.memory_space<hbm>> -> memref<6256xf32, #tpu.memory_space<hbm>>
      tpu.enqueue_dma source(%dma_start3A_14 : memref<6256xf32, #tpu.memory_space<hbm>>) target(%arg12 : memref<6256xf32, #tpu.memory_space<vmem>>) target_semaphore(%run_scoped3A : memref<!tpu.dma_semaphore, #tpu.memory_space<semaphore_mem>>)
      %dma_wait3A = tpu.memref_slice %arg4[%mul3A_2] : memref<100096xf32, #tpu.memory_space<hbm>> -> memref<6256xf32, #tpu.memory_space<hbm>>
      %dma_wait3A_15 = tpu.memref_slice %arg4[%mul3A_2] : memref<100096xf32, #tpu.memory_space<hbm>> -> memref<6256xf32, #tpu.memory_space<hbm>>
      tpu.wait_dma2 semaphore(%run_scoped3A : memref<!tpu.dma_semaphore, #tpu.memory_space<semaphore_mem>>) src(%dma_wait3A_15 : memref<6256xf32, #tpu.memory_space<hbm>>) dst(%arg12 : memref<6256xf32, #tpu.memory_space<vmem>>)
      tpu.yield
    }) : () -> ()
    "tpu.region"() ({
      %run_scoped3A = tpu.sem_alloc : memref<!tpu.dma_semaphore, #tpu.memory_space<semaphore_mem>>
      %dma_start3A = tpu.memref_slice %arg7[%mul3A_2] : memref<100096xf32, #tpu.memory_space<vmem_shared>> -> memref<6256xf32, #tpu.memory_space<vmem_shared>>
      %dma_start3A_14 = tpu.memref_slice %arg7[%mul3A_2] : memref<100096xf32, #tpu.memory_space<vmem_shared>> -> memref<6256xf32, #tpu.memory_space<vmem_shared>>
      tpu.enqueue_dma source(%arg12 : memref<6256xf32, #tpu.memory_space<vmem>>) target(%dma_start3A_14 : memref<6256xf32, #tpu.memory_space<vmem_shared>>) target_semaphore(%run_scoped3A : memref<!tpu.dma_semaphore, #tpu.memory_space<semaphore_mem>>)
      %dma_wait3A = tpu.memref_slice %arg7[%mul3A_2] : memref<100096xf32, #tpu.memory_space<vmem_shared>> -> memref<6256xf32, #tpu.memory_space<vmem_shared>>
      %dma_wait3A_15 = tpu.memref_slice %arg7[%mul3A_2] : memref<100096xf32, #tpu.memory_space<vmem_shared>> -> memref<6256xf32, #tpu.memory_space<vmem_shared>>
      tpu.wait_dma2 semaphore(%run_scoped3A : memref<!tpu.dma_semaphore, #tpu.memory_space<semaphore_mem>>) src(%arg12 : memref<6256xf32, #tpu.memory_space<vmem>>) dst(%dma_wait3A_15 : memref<6256xf32, #tpu.memory_space<vmem_shared>>)
      tpu.yield
    }) : () -> ()
    "tpu.region"() ({
      %run_scoped3A = tpu.sem_alloc : memref<!tpu.dma_semaphore, #tpu.memory_space<semaphore_mem>>
      %dma_start3A = tpu.memref_slice %arg5[%mul3A_2] : memref<100096xf32, #tpu.memory_space<hbm>> -> memref<6256xf32, #tpu.memory_space<hbm>>
      %dma_start3A_14 = tpu.memref_slice %arg5[%mul3A_2] : memref<100096xf32, #tpu.memory_space<hbm>> -> memref<6256xf32, #tpu.memory_space<hbm>>
      tpu.enqueue_dma source(%dma_start3A_14 : memref<6256xf32, #tpu.memory_space<hbm>>) target(%arg12 : memref<6256xf32, #tpu.memory_space<vmem>>) target_semaphore(%run_scoped3A : memref<!tpu.dma_semaphore, #tpu.memory_space<semaphore_mem>>)
      %dma_wait3A = tpu.memref_slice %arg5[%mul3A_2] : memref<100096xf32, #tpu.memory_space<hbm>> -> memref<6256xf32, #tpu.memory_space<hbm>>
      %dma_wait3A_15 = tpu.memref_slice %arg5[%mul3A_2] : memref<100096xf32, #tpu.memory_space<hbm>> -> memref<6256xf32, #tpu.memory_space<hbm>>
      tpu.wait_dma2 semaphore(%run_scoped3A : memref<!tpu.dma_semaphore, #tpu.memory_space<semaphore_mem>>) src(%dma_wait3A_15 : memref<6256xf32, #tpu.memory_space<hbm>>) dst(%arg12 : memref<6256xf32, #tpu.memory_space<vmem>>)
      tpu.yield
    }) : () -> ()
    "tpu.region"() ({
      %run_scoped3A = tpu.sem_alloc : memref<!tpu.dma_semaphore, #tpu.memory_space<semaphore_mem>>
      %dma_start3A = tpu.memref_slice %arg8[%mul3A_2] : memref<100096xf32, #tpu.memory_space<vmem_shared>> -> memref<6256xf32, #tpu.memory_space<vmem_shared>>
      %dma_start3A_14 = tpu.memref_slice %arg8[%mul3A_2] : memref<100096xf32, #tpu.memory_space<vmem_shared>> -> memref<6256xf32, #tpu.memory_space<vmem_shared>>
      tpu.enqueue_dma source(%arg12 : memref<6256xf32, #tpu.memory_space<vmem>>) target(%dma_start3A_14 : memref<6256xf32, #tpu.memory_space<vmem_shared>>) target_semaphore(%run_scoped3A : memref<!tpu.dma_semaphore, #tpu.memory_space<semaphore_mem>>)
      %dma_wait3A = tpu.memref_slice %arg8[%mul3A_2] : memref<100096xf32, #tpu.memory_space<vmem_shared>> -> memref<6256xf32, #tpu.memory_space<vmem_shared>>
      %dma_wait3A_15 = tpu.memref_slice %arg8[%mul3A_2] : memref<100096xf32, #tpu.memory_space<vmem_shared>> -> memref<6256xf32, #tpu.memory_space<vmem_shared>>
      tpu.wait_dma2 semaphore(%run_scoped3A : memref<!tpu.dma_semaphore, #tpu.memory_space<semaphore_mem>>) src(%arg12 : memref<6256xf32, #tpu.memory_space<vmem>>) dst(%dma_wait3A_15 : memref<6256xf32, #tpu.memory_space<vmem_shared>>)
      tpu.yield
    }) : () -> ()
    %barrier3A = arith.constant 0 : index
    tpu.barrier barrier_id(%barrier3A)
    %scan3A = arith.constant 0 : i32
    %scan3A_3 = arith.constant 0 : i32
    %scan3A_4 = arith.constant 49 : i32
    %scan3A_5 = arith.addi %scan3A_3, %scan3A_4 : i32
    %scan3A_6 = arith.constant 1 : i32
    scf.for %scan3A_14 = %scan3A_3 to %scan3A_5 step %scan3A_6  : i32 {
      "tpu.region"() ({
        %run_scoped3A_16 = tpu.sem_alloc : memref<!tpu.dma_semaphore, #tpu.memory_space<semaphore_mem>>
        %dma_start3A = arith.constant 0 : i32
        %dma_start3A_17 = arith.constant 0 : i32
        %dma_start3A_18 = tpu.memref_slice %arg2[%add3A, %scan3A_14, %dma_start3A, %dma_start3A_17] : memref<32x49x1x2048xi32, #tpu.memory_space<hbm>> -> memref<1x1x1x2048xi32, #tpu.memory_space<hbm>>
        %dma_start3A_19 = tpu.memref_squeeze %dma_start3A_18 : memref<1x1x1x2048xi32, #tpu.memory_space<hbm>> -> memref<1x2048xi32, #tpu.memory_space<hbm>>
        %dma_start3A_20 = arith.constant 0 : i32
        %dma_start3A_21 = arith.constant 0 : i32
        %dma_start3A_22 = tpu.memref_slice %arg2[%add3A, %scan3A_14, %dma_start3A_20, %dma_start3A_21] : memref<32x49x1x2048xi32, #tpu.memory_space<hbm>> -> memref<1x1x1x2048xi32, #tpu.memory_space<hbm>>
        %dma_start3A_23 = tpu.memref_squeeze %dma_start3A_22 : memref<1x1x1x2048xi32, #tpu.memory_space<hbm>> -> memref<1x2048xi32, #tpu.memory_space<hbm>>
        tpu.enqueue_dma source(%dma_start3A_23 : memref<1x2048xi32, #tpu.memory_space<hbm>>) target(%arg9 : memref<1x2048xi32, #tpu.memory_space<vmem>>) target_semaphore(%run_scoped3A_16 : memref<!tpu.dma_semaphore, #tpu.memory_space<semaphore_mem>>)
        %dma_wait3A = arith.constant 0 : i32
        %dma_wait3A_24 = arith.constant 0 : i32
        %dma_wait3A_25 = tpu.memref_slice %arg2[%add3A, %scan3A_14, %dma_wait3A, %dma_wait3A_24] : memref<32x49x1x2048xi32, #tpu.memory_space<hbm>> -> memref<1x1x1x2048xi32, #tpu.memory_space<hbm>>
        %dma_wait3A_26 = tpu.memref_squeeze %dma_wait3A_25 : memref<1x1x1x2048xi32, #tpu.memory_space<hbm>> -> memref<1x2048xi32, #tpu.memory_space<hbm>>
        %dma_wait3A_27 = arith.constant 0 : i32
        %dma_wait3A_28 = arith.constant 0 : i32
        %dma_wait3A_29 = tpu.memref_slice %arg2[%add3A, %scan3A_14, %dma_wait3A_27, %dma_wait3A_28] : memref<32x49x1x2048xi32, #tpu.memory_space<hbm>> -> memref<1x1x1x2048xi32, #tpu.memory_space<hbm>>
        %dma_wait3A_30 = tpu.memref_squeeze %dma_wait3A_29 : memref<1x1x1x2048xi32, #tpu.memory_space<hbm>> -> memref<1x2048xi32, #tpu.memory_space<hbm>>
        tpu.wait_dma2 semaphore(%run_scoped3A_16 : memref<!tpu.dma_semaphore, #tpu.memory_space<semaphore_mem>>) src(%dma_wait3A_30 : memref<1x2048xi32, #tpu.memory_space<hbm>>) dst(%arg9 : memref<1x2048xi32, #tpu.memory_space<vmem>>)
        tpu.yield
      }) : () -> ()
      "tpu.region"() ({
        %run_scoped3A_16 = tpu.sem_alloc : memref<!tpu.dma_semaphore, #tpu.memory_space<semaphore_mem>>
        %dma_start3A = arith.constant 0 : i32
        %dma_start3A_17 = arith.constant 0 : i32
        %dma_start3A_18 = tpu.memref_slice %arg3[%add3A, %scan3A_14, %dma_start3A, %dma_start3A_17] : memref<32x49x1x2048xi32, #tpu.memory_space<hbm>> -> memref<1x1x1x2048xi32, #tpu.memory_space<hbm>>
        %dma_start3A_19 = tpu.memref_squeeze %dma_start3A_18 : memref<1x1x1x2048xi32, #tpu.memory_space<hbm>> -> memref<1x2048xi32, #tpu.memory_space<hbm>>
        %dma_start3A_20 = arith.constant 0 : i32
        %dma_start3A_21 = arith.constant 0 : i32
        %dma_start3A_22 = tpu.memref_slice %arg3[%add3A, %scan3A_14, %dma_start3A_20, %dma_start3A_21] : memref<32x49x1x2048xi32, #tpu.memory_space<hbm>> -> memref<1x1x1x2048xi32, #tpu.memory_space<hbm>>
        %dma_start3A_23 = tpu.memref_squeeze %dma_start3A_22 : memref<1x1x1x2048xi32, #tpu.memory_space<hbm>> -> memref<1x2048xi32, #tpu.memory_space<hbm>>
        tpu.enqueue_dma source(%dma_start3A_23 : memref<1x2048xi32, #tpu.memory_space<hbm>>) target(%arg10 : memref<1x2048xi32, #tpu.memory_space<vmem>>) target_semaphore(%run_scoped3A_16 : memref<!tpu.dma_semaphore, #tpu.memory_space<semaphore_mem>>)
        %dma_wait3A = arith.constant 0 : i32
        %dma_wait3A_24 = arith.constant 0 : i32
        %dma_wait3A_25 = tpu.memref_slice %arg3[%add3A, %scan3A_14, %dma_wait3A, %dma_wait3A_24] : memref<32x49x1x2048xi32, #tpu.memory_space<hbm>> -> memref<1x1x1x2048xi32, #tpu.memory_space<hbm>>
        %dma_wait3A_26 = tpu.memref_squeeze %dma_wait3A_25 : memref<1x1x1x2048xi32, #tpu.memory_space<hbm>> -> memref<1x2048xi32, #tpu.memory_space<hbm>>
        %dma_wait3A_27 = arith.constant 0 : i32
        %dma_wait3A_28 = arith.constant 0 : i32
        %dma_wait3A_29 = tpu.memref_slice %arg3[%add3A, %scan3A_14, %dma_wait3A_27, %dma_wait3A_28] : memref<32x49x1x2048xi32, #tpu.memory_space<hbm>> -> memref<1x1x1x2048xi32, #tpu.memory_space<hbm>>
        %dma_wait3A_30 = tpu.memref_squeeze %dma_wait3A_29 : memref<1x1x1x2048xi32, #tpu.memory_space<hbm>> -> memref<1x2048xi32, #tpu.memory_space<hbm>>
        tpu.wait_dma2 semaphore(%run_scoped3A_16 : memref<!tpu.dma_semaphore, #tpu.memory_space<semaphore_mem>>) src(%dma_wait3A_30 : memref<1x2048xi32, #tpu.memory_space<hbm>>) dst(%arg10 : memref<1x2048xi32, #tpu.memory_space<vmem>>)
        tpu.yield
      }) : () -> ()
      %run_scoped3A = arith.constant 0 : i32
      "tpu.region"() ({
        %run_scoped3A_16 = tpu.sem_alloc : memref<!tpu.dma_semaphore, #tpu.memory_space<semaphore_mem>>
        %dma_start3A = arith.constant 0 : i32
        %dma_start3A_17 = tpu.memref_slice %arg9[%run_scoped3A, %dma_start3A] : memref<1x2048xi32, #tpu.memory_space<vmem>> -> memref<1x2048xi32, #tpu.memory_space<vmem>>
        %dma_start3A_18 = tpu.memref_squeeze %dma_start3A_17 : memref<1x2048xi32, #tpu.memory_space<vmem>> -> memref<2048xi32, #tpu.memory_space<vmem>>
        %dma_start3A_19 = arith.constant 0 : i32
        %dma_start3A_20 = tpu.memref_slice %arg7[%dma_start3A_19] : memref<100096xf32, #tpu.memory_space<vmem_shared>> -> memref<100096xf32, #tpu.memory_space<vmem_shared>>
        tpu.enqueue_indirect_dma source(%dma_start3A_20 : memref<100096xf32, #tpu.memory_space<vmem_shared>>) target(%arg11 : memref<2048xf32, #tpu.memory_space<vmem>>) offsets(%dma_start3A_18 : memref<2048xi32, #tpu.memory_space<vmem>>) semaphore(%run_scoped3A_16 : memref<!tpu.dma_semaphore, #tpu.memory_space<semaphore_mem>>)
        %dma_wait3A = arith.constant 0 : i32
        %dma_wait3A_21 = tpu.memref_slice %arg9[%run_scoped3A, %dma_wait3A] : memref<1x2048xi32, #tpu.memory_space<vmem>> -> memref<1x2048xi32, #tpu.memory_space<vmem>>
        %dma_wait3A_22 = tpu.memref_squeeze %dma_wait3A_21 : memref<1x2048xi32, #tpu.memory_space<vmem>> -> memref<2048xi32, #tpu.memory_space<vmem>>
        %dma_wait3A_23 = arith.constant 0 : i32
        %dma_wait3A_24 = tpu.memref_slice %arg7[%dma_wait3A_23] : memref<100096xf32, #tpu.memory_space<vmem_shared>> -> memref<100096xf32, #tpu.memory_space<vmem_shared>>
        tpu.wait_indirect_dma semaphore(%run_scoped3A_16 : memref<!tpu.dma_semaphore, #tpu.memory_space<semaphore_mem>>) src(%dma_wait3A_24 : memref<100096xf32, #tpu.memory_space<vmem_shared>>) dst(%arg11 : memref<2048xf32, #tpu.memory_space<vmem>>)
        tpu.yield
      }) : () -> ()
      %run_scoped3A_15 = arith.constant 0 : i32
      "tpu.region"() ({
        %run_scoped3A_16 = tpu.sem_alloc : memref<!tpu.dma_semaphore, #tpu.memory_space<semaphore_mem>>
        %dma_start3A = arith.constant 0 : i32
        %dma_start3A_17 = tpu.memref_slice %arg10[%run_scoped3A_15, %dma_start3A] : memref<1x2048xi32, #tpu.memory_space<vmem>> -> memref<1x2048xi32, #tpu.memory_space<vmem>>
        %dma_start3A_18 = tpu.memref_squeeze %dma_start3A_17 : memref<1x2048xi32, #tpu.memory_space<vmem>> -> memref<2048xi32, #tpu.memory_space<vmem>>
        %dma_start3A_19 = arith.constant 0 : i32
        %dma_start3A_20 = tpu.memref_slice %arg8[%dma_start3A_19] : memref<100096xf32, #tpu.memory_space<vmem_shared>> -> memref<100096xf32, #tpu.memory_space<vmem_shared>>
        tpu.enqueue_indirect_dma source(%arg11 : memref<2048xf32, #tpu.memory_space<vmem>>) target(%dma_start3A_20 : memref<100096xf32, #tpu.memory_space<vmem_shared>>) offsets(%dma_start3A_18 : memref<2048xi32, #tpu.memory_space<vmem>>) semaphore(%run_scoped3A_16 : memref<!tpu.dma_semaphore, #tpu.memory_space<semaphore_mem>>) {add = true}
        %dma_wait3A = arith.constant 0 : i32
        %dma_wait3A_21 = tpu.memref_slice %arg10[%run_scoped3A_15, %dma_wait3A] : memref<1x2048xi32, #tpu.memory_space<vmem>> -> memref<1x2048xi32, #tpu.memory_space<vmem>>
        %dma_wait3A_22 = tpu.memref_squeeze %dma_wait3A_21 : memref<1x2048xi32, #tpu.memory_space<vmem>> -> memref<2048xi32, #tpu.memory_space<vmem>>
        %dma_wait3A_23 = arith.constant 0 : i32
        %dma_wait3A_24 = tpu.memref_slice %arg8[%dma_wait3A_23] : memref<100096xf32, #tpu.memory_space<vmem_shared>> -> memref<100096xf32, #tpu.memory_space<vmem_shared>>
        tpu.wait_indirect_dma semaphore(%run_scoped3A_16 : memref<!tpu.dma_semaphore, #tpu.memory_space<semaphore_mem>>) src(%arg11 : memref<2048xf32, #tpu.memory_space<vmem>>) dst(%dma_wait3A_24 : memref<100096xf32, #tpu.memory_space<vmem_shared>>)
        tpu.yield
      }) : () -> ()
    }
    %scan3A_7 = arith.constant 49 : i32
    %barrier3A_8 = arith.constant 0 : index
    tpu.barrier barrier_id(%barrier3A_8)
    "tpu.region"() ({
      %run_scoped3A = tpu.sem_alloc : memref<!tpu.dma_semaphore, #tpu.memory_space<semaphore_mem>>
      %dma_start3A = tpu.memref_slice %arg8[%mul3A_2] : memref<100096xf32, #tpu.memory_space<vmem_shared>> -> memref<6256xf32, #tpu.memory_space<vmem_shared>>
      %dma_start3A_14 = tpu.memref_slice %arg8[%mul3A_2] : memref<100096xf32, #tpu.memory_space<vmem_shared>> -> memref<6256xf32, #tpu.memory_space<vmem_shared>>
      tpu.enqueue_dma source(%dma_start3A_14 : memref<6256xf32, #tpu.memory_space<vmem_shared>>) target(%arg12 : memref<6256xf32, #tpu.memory_space<vmem>>) target_semaphore(%run_scoped3A : memref<!tpu.dma_semaphore, #tpu.memory_space<semaphore_mem>>)
      %dma_wait3A = tpu.memref_slice %arg8[%mul3A_2] : memref<100096xf32, #tpu.memory_space<vmem_shared>> -> memref<6256xf32, #tpu.memory_space<vmem_shared>>
      %dma_wait3A_15 = tpu.memref_slice %arg8[%mul3A_2] : memref<100096xf32, #tpu.memory_space<vmem_shared>> -> memref<6256xf32, #tpu.memory_space<vmem_shared>>
      tpu.wait_dma2 semaphore(%run_scoped3A : memref<!tpu.dma_semaphore, #tpu.memory_space<semaphore_mem>>) src(%dma_wait3A_15 : memref<6256xf32, #tpu.memory_space<vmem_shared>>) dst(%arg12 : memref<6256xf32, #tpu.memory_space<vmem>>)
      tpu.yield
    }) : () -> ()
    %mul3A_9 = arith.constant 100096 : i32
    %mul3A_10 = arith.muli %arg0, %mul3A_9 : i32
    %mul3A_11 = arith.constant 6256 : i32
    %mul3A_12 = arith.muli %arg1, %mul3A_11 : i32
    %add3A_13 = arith.addi %mul3A_10, %mul3A_12 : i32
    "tpu.region"() ({
      %run_scoped3A = tpu.sem_alloc : memref<!tpu.dma_semaphore, #tpu.memory_space<semaphore_mem>>
      %dma_start3A = tpu.memref_slice %arg6[%add3A_13] : memref<200192xf32, #tpu.memory_space<hbm>> -> memref<6256xf32, #tpu.memory_space<hbm>>
      %dma_start3A_14 = tpu.memref_slice %arg6[%add3A_13] : memref<200192xf32, #tpu.memory_space<hbm>> -> memref<6256xf32, #tpu.memory_space<hbm>>
      tpu.enqueue_dma source(%arg12 : memref<6256xf32, #tpu.memory_space<vmem>>) target(%dma_start3A_14 : memref<6256xf32, #tpu.memory_space<hbm>>) target_semaphore(%run_scoped3A : memref<!tpu.dma_semaphore, #tpu.memory_space<semaphore_mem>>)
      %dma_wait3A = tpu.memref_slice %arg6[%add3A_13] : memref<200192xf32, #tpu.memory_space<hbm>> -> memref<6256xf32, #tpu.memory_space<hbm>>
      %dma_wait3A_15 = tpu.memref_slice %arg6[%add3A_13] : memref<200192xf32, #tpu.memory_space<hbm>> -> memref<6256xf32, #tpu.memory_space<hbm>>
      tpu.wait_dma2 semaphore(%run_scoped3A : memref<!tpu.dma_semaphore, #tpu.memory_space<semaphore_mem>>) src(%arg12 : memref<6256xf32, #tpu.memory_space<vmem>>) dst(%dma_wait3A_15 : memref<6256xf32, #tpu.memory_space<hbm>>)
      tpu.yield
    }) : () -> ()
    return
  }
}

#map = affine_map<(d0, d1) -> (0, 0, 0, 0)>
#map1 = affine_map<(d0, d1) -> (0)>
module attributes {stable_mosaic.version = 14 : i64} {
  func.func @_deg_pass(%arg0: i32, %arg1: i32, %arg2: memref<32x49x1x2048xi32, #tpu.memory_space<hbm>>, %arg3: memref<100096xf32, #tpu.memory_space<hbm>>, %arg4: memref<200192xf32, #tpu.memory_space<hbm>>, %arg5: memref<100096xf32, #tpu.memory_space<vmem_shared>>, %arg6: memref<1x2048xi32, #tpu.memory_space<vmem>>, %arg7: memref<2048xf32, #tpu.memory_space<vmem>>, %arg8: memref<6256xf32, #tpu.memory_space<vmem>>) attributes {dimension_semantics = [#tpu.dimension_semantics<core_parallel>, #tpu.dimension_semantics<subcore_parallel>], iteration_bounds = array<i64: 2, 16>, scalar_prefetch = 0 : i64, scratch_operands = 4 : i64, tpu.core_type = #tpu.core_type<sc_vector_subcore>, window_params = [{transform_indices = #map}, {transform_indices = #map1}, {transform_indices = #map1}]} {
    %mul3A = arith.constant 2 : i32
    %mul3A_0 = arith.muli %arg1, %mul3A : i32
    %add3A = arith.addi %mul3A_0, %arg0 : i32
    %mul3A_1 = arith.constant 6256 : i32
    %mul3A_2 = arith.muli %arg1, %mul3A_1 : i32
    "tpu.region"() ({
      %run_scoped3A = tpu.sem_alloc : memref<!tpu.dma_semaphore, #tpu.memory_space<semaphore_mem>>
      %dma_start3A = tpu.memref_slice %arg3[%mul3A_2] : memref<100096xf32, #tpu.memory_space<hbm>> -> memref<6256xf32, #tpu.memory_space<hbm>>
      %dma_start3A_780 = tpu.memref_slice %arg3[%mul3A_2] : memref<100096xf32, #tpu.memory_space<hbm>> -> memref<6256xf32, #tpu.memory_space<hbm>>
      tpu.enqueue_dma source(%dma_start3A_780 : memref<6256xf32, #tpu.memory_space<hbm>>) target(%arg8 : memref<6256xf32, #tpu.memory_space<vmem>>) target_semaphore(%run_scoped3A : memref<!tpu.dma_semaphore, #tpu.memory_space<semaphore_mem>>)
      %dma_wait3A = tpu.memref_slice %arg3[%mul3A_2] : memref<100096xf32, #tpu.memory_space<hbm>> -> memref<6256xf32, #tpu.memory_space<hbm>>
      %dma_wait3A_781 = tpu.memref_slice %arg3[%mul3A_2] : memref<100096xf32, #tpu.memory_space<hbm>> -> memref<6256xf32, #tpu.memory_space<hbm>>
      tpu.wait_dma2 semaphore(%run_scoped3A : memref<!tpu.dma_semaphore, #tpu.memory_space<semaphore_mem>>) src(%dma_wait3A_781 : memref<6256xf32, #tpu.memory_space<hbm>>) dst(%arg8 : memref<6256xf32, #tpu.memory_space<vmem>>)
      tpu.yield
    }) : () -> ()
    "tpu.region"() ({
      %run_scoped3A = tpu.sem_alloc : memref<!tpu.dma_semaphore, #tpu.memory_space<semaphore_mem>>
      %dma_start3A = tpu.memref_slice %arg5[%mul3A_2] : memref<100096xf32, #tpu.memory_space<vmem_shared>> -> memref<6256xf32, #tpu.memory_space<vmem_shared>>
      %dma_start3A_780 = tpu.memref_slice %arg5[%mul3A_2] : memref<100096xf32, #tpu.memory_space<vmem_shared>> -> memref<6256xf32, #tpu.memory_space<vmem_shared>>
      tpu.enqueue_dma source(%arg8 : memref<6256xf32, #tpu.memory_space<vmem>>) target(%dma_start3A_780 : memref<6256xf32, #tpu.memory_space<vmem_shared>>) target_semaphore(%run_scoped3A : memref<!tpu.dma_semaphore, #tpu.memory_space<semaphore_mem>>)
      %dma_wait3A = tpu.memref_slice %arg5[%mul3A_2] : memref<100096xf32, #tpu.memory_space<vmem_shared>> -> memref<6256xf32, #tpu.memory_space<vmem_shared>>
      %dma_wait3A_781 = tpu.memref_slice %arg5[%mul3A_2] : memref<100096xf32, #tpu.memory_space<vmem_shared>> -> memref<6256xf32, #tpu.memory_space<vmem_shared>>
      tpu.wait_dma2 semaphore(%run_scoped3A : memref<!tpu.dma_semaphore, #tpu.memory_space<semaphore_mem>>) src(%arg8 : memref<6256xf32, #tpu.memory_space<vmem>>) dst(%dma_wait3A_781 : memref<6256xf32, #tpu.memory_space<vmem_shared>>)
      tpu.yield
    }) : () -> ()
    %broadcast_in_dim3A = arith.constant 1.000000e+00 : f32
    %broadcast_in_dim3A_3 = vector.broadcast %broadcast_in_dim3A : f32 to vector<16xf32>
    %swap3A = arith.constant 0 : index
    %swap3A_4 = tpu.vector_load %arg7[%swap3A] {strides = array<i32>} : memref<2048xf32, #tpu.memory_space<vmem>>, vector<16xf32>,
    %swap3A_5 = vector.shape_cast %swap3A_4 : vector<16xf32> to vector<16xf32>
    %swap3A_6 = vector.shape_cast %broadcast_in_dim3A_3 : vector<16xf32> to vector<16xf32>
    tpu.vector_store %arg7[%swap3A], %swap3A_6 {strides = array<i32>} : memref<2048xf32, #tpu.memory_space<vmem>>, vector<16xf32>,
    %broadcast_in_dim3A_7 = arith.constant 1.000000e+00 : f32
    %broadcast_in_dim3A_8 = vector.broadcast %broadcast_in_dim3A_7 : f32 to vector<16xf32>
    %swap3A_9 = arith.constant 16 : index
    %swap3A_10 = tpu.vector_load %arg7[%swap3A_9] {strides = array<i32>} : memref<2048xf32, #tpu.memory_space<vmem>>, vector<16xf32>,
    %swap3A_11 = vector.shape_cast %swap3A_10 : vector<16xf32> to vector<16xf32>
    %swap3A_12 = vector.shape_cast %broadcast_in_dim3A_8 : vector<16xf32> to vector<16xf32>
    tpu.vector_store %arg7[%swap3A_9], %swap3A_12 {strides = array<i32>} : memref<2048xf32, #tpu.memory_space<vmem>>, vector<16xf32>,
    %broadcast_in_dim3A_13 = arith.constant 1.000000e+00 : f32
    %broadcast_in_dim3A_14 = vector.broadcast %broadcast_in_dim3A_13 : f32 to vector<16xf32>
    %swap3A_15 = arith.constant 32 : index
    %swap3A_16 = tpu.vector_load %arg7[%swap3A_15] {strides = array<i32>} : memref<2048xf32, #tpu.memory_space<vmem>>, vector<16xf32>,
    %swap3A_17 = vector.shape_cast %swap3A_16 : vector<16xf32> to vector<16xf32>
    %swap3A_18 = vector.shape_cast %broadcast_in_dim3A_14 : vector<16xf32> to vector<16xf32>
    tpu.vector_store %arg7[%swap3A_15], %swap3A_18 {strides = array<i32>} : memref<2048xf32, #tpu.memory_space<vmem>>, vector<16xf32>,
    %broadcast_in_dim3A_19 = arith.constant 1.000000e+00 : f32
    %broadcast_in_dim3A_20 = vector.broadcast %broadcast_in_dim3A_19 : f32 to vector<16xf32>
    %swap3A_21 = arith.constant 48 : index
    %swap3A_22 = tpu.vector_load %arg7[%swap3A_21] {strides = array<i32>} : memref<2048xf32, #tpu.memory_space<vmem>>, vector<16xf32>,
    %swap3A_23 = vector.shape_cast %swap3A_22 : vector<16xf32> to vector<16xf32>
    %swap3A_24 = vector.shape_cast %broadcast_in_dim3A_20 : vector<16xf32> to vector<16xf32>
    tpu.vector_store %arg7[%swap3A_21], %swap3A_24 {strides = array<i32>} : memref<2048xf32, #tpu.memory_space<vmem>>, vector<16xf32>,
    %broadcast_in_dim3A_25 = arith.constant 1.000000e+00 : f32
    %broadcast_in_dim3A_26 = vector.broadcast %broadcast_in_dim3A_25 : f32 to vector<16xf32>
    %swap3A_27 = arith.constant 64 : index
    %swap3A_28 = tpu.vector_load %arg7[%swap3A_27] {strides = array<i32>} : memref<2048xf32, #tpu.memory_space<vmem>>, vector<16xf32>,
    %swap3A_29 = vector.shape_cast %swap3A_28 : vector<16xf32> to vector<16xf32>
    %swap3A_30 = vector.shape_cast %broadcast_in_dim3A_26 : vector<16xf32> to vector<16xf32>
    tpu.vector_store %arg7[%swap3A_27], %swap3A_30 {strides = array<i32>} : memref<2048xf32, #tpu.memory_space<vmem>>, vector<16xf32>,
    %broadcast_in_dim3A_31 = arith.constant 1.000000e+00 : f32
    %broadcast_in_dim3A_32 = vector.broadcast %broadcast_in_dim3A_31 : f32 to vector<16xf32>
    %swap3A_33 = arith.constant 80 : index
    %swap3A_34 = tpu.vector_load %arg7[%swap3A_33] {strides = array<i32>} : memref<2048xf32, #tpu.memory_space<vmem>>, vector<16xf32>,
    %swap3A_35 = vector.shape_cast %swap3A_34 : vector<16xf32> to vector<16xf32>
    %swap3A_36 = vector.shape_cast %broadcast_in_dim3A_32 : vector<16xf32> to vector<16xf32>
    tpu.vector_store %arg7[%swap3A_33], %swap3A_36 {strides = array<i32>} : memref<2048xf32, #tpu.memory_space<vmem>>, vector<16xf32>,
    %broadcast_in_dim3A_37 = arith.constant 1.000000e+00 : f32
    %broadcast_in_dim3A_38 = vector.broadcast %broadcast_in_dim3A_37 : f32 to vector<16xf32>
    %swap3A_39 = arith.constant 96 : index
    %swap3A_40 = tpu.vector_load %arg7[%swap3A_39] {strides = array<i32>} : memref<2048xf32, #tpu.memory_space<vmem>>, vector<16xf32>,
    %swap3A_41 = vector.shape_cast %swap3A_40 : vector<16xf32> to vector<16xf32>
    %swap3A_42 = vector.shape_cast %broadcast_in_dim3A_38 : vector<16xf32> to vector<16xf32>
    tpu.vector_store %arg7[%swap3A_39], %swap3A_42 {strides = array<i32>} : memref<2048xf32, #tpu.memory_space<vmem>>, vector<16xf32>,
    %broadcast_in_dim3A_43 = arith.constant 1.000000e+00 : f32
    %broadcast_in_dim3A_44 = vector.broadcast %broadcast_in_dim3A_43 : f32 to vector<16xf32>
    %swap3A_45 = arith.constant 112 : index
    %swap3A_46 = tpu.vector_load %arg7[%swap3A_45] {strides = array<i32>} : memref<2048xf32, #tpu.memory_space<vmem>>, vector<16xf32>,
    %swap3A_47 = vector.shape_cast %swap3A_46 : vector<16xf32> to vector<16xf32>
    %swap3A_48 = vector.shape_cast %broadcast_in_dim3A_44 : vector<16xf32> to vector<16xf32>
    tpu.vector_store %arg7[%swap3A_45], %swap3A_48 {strides = array<i32>} : memref<2048xf32, #tpu.memory_space<vmem>>, vector<16xf32>,
    %broadcast_in_dim3A_49 = arith.constant 1.000000e+00 : f32
    %broadcast_in_dim3A_50 = vector.broadcast %broadcast_in_dim3A_49 : f32 to vector<16xf32>
    %swap3A_51 = arith.constant 128 : index
    %swap3A_52 = tpu.vector_load %arg7[%swap3A_51] {strides = array<i32>} : memref<2048xf32, #tpu.memory_space<vmem>>, vector<16xf32>,
    %swap3A_53 = vector.shape_cast %swap3A_52 : vector<16xf32> to vector<16xf32>
    %swap3A_54 = vector.shape_cast %broadcast_in_dim3A_50 : vector<16xf32> to vector<16xf32>
    tpu.vector_store %arg7[%swap3A_51], %swap3A_54 {strides = array<i32>} : memref<2048xf32, #tpu.memory_space<vmem>>, vector<16xf32>,
    %broadcast_in_dim3A_55 = arith.constant 1.000000e+00 : f32
    %broadcast_in_dim3A_56 = vector.broadcast %broadcast_in_dim3A_55 : f32 to vector<16xf32>
    %swap3A_57 = arith.constant 144 : index
    %swap3A_58 = tpu.vector_load %arg7[%swap3A_57] {strides = array<i32>} : memref<2048xf32, #tpu.memory_space<vmem>>, vector<16xf32>,
    %swap3A_59 = vector.shape_cast %swap3A_58 : vector<16xf32> to vector<16xf32>
    %swap3A_60 = vector.shape_cast %broadcast_in_dim3A_56 : vector<16xf32> to vector<16xf32>
    tpu.vector_store %arg7[%swap3A_57], %swap3A_60 {strides = array<i32>} : memref<2048xf32, #tpu.memory_space<vmem>>, vector<16xf32>,
    %broadcast_in_dim3A_61 = arith.constant 1.000000e+00 : f32
    %broadcast_in_dim3A_62 = vector.broadcast %broadcast_in_dim3A_61 : f32 to vector<16xf32>
    %swap3A_63 = arith.constant 160 : index
    %swap3A_64 = tpu.vector_load %arg7[%swap3A_63] {strides = array<i32>} : memref<2048xf32, #tpu.memory_space<vmem>>, vector<16xf32>,
    %swap3A_65 = vector.shape_cast %swap3A_64 : vector<16xf32> to vector<16xf32>
    %swap3A_66 = vector.shape_cast %broadcast_in_dim3A_62 : vector<16xf32> to vector<16xf32>
    tpu.vector_store %arg7[%swap3A_63], %swap3A_66 {strides = array<i32>} : memref<2048xf32, #tpu.memory_space<vmem>>, vector<16xf32>,
    %broadcast_in_dim3A_67 = arith.constant 1.000000e+00 : f32
    %broadcast_in_dim3A_68 = vector.broadcast %broadcast_in_dim3A_67 : f32 to vector<16xf32>
    %swap3A_69 = arith.constant 176 : index
    %swap3A_70 = tpu.vector_load %arg7[%swap3A_69] {strides = array<i32>} : memref<2048xf32, #tpu.memory_space<vmem>>, vector<16xf32>,
    %swap3A_71 = vector.shape_cast %swap3A_70 : vector<16xf32> to vector<16xf32>
    %swap3A_72 = vector.shape_cast %broadcast_in_dim3A_68 : vector<16xf32> to vector<16xf32>
    tpu.vector_store %arg7[%swap3A_69], %swap3A_72 {strides = array<i32>} : memref<2048xf32, #tpu.memory_space<vmem>>, vector<16xf32>,
    %broadcast_in_dim3A_73 = arith.constant 1.000000e+00 : f32
    %broadcast_in_dim3A_74 = vector.broadcast %broadcast_in_dim3A_73 : f32 to vector<16xf32>
    %swap3A_75 = arith.constant 192 : index
    %swap3A_76 = tpu.vector_load %arg7[%swap3A_75] {strides = array<i32>} : memref<2048xf32, #tpu.memory_space<vmem>>, vector<16xf32>,
    %swap3A_77 = vector.shape_cast %swap3A_76 : vector<16xf32> to vector<16xf32>
    %swap3A_78 = vector.shape_cast %broadcast_in_dim3A_74 : vector<16xf32> to vector<16xf32>
    tpu.vector_store %arg7[%swap3A_75], %swap3A_78 {strides = array<i32>} : memref<2048xf32, #tpu.memory_space<vmem>>, vector<16xf32>,
    %broadcast_in_dim3A_79 = arith.constant 1.000000e+00 : f32
    %broadcast_in_dim3A_80 = vector.broadcast %broadcast_in_dim3A_79 : f32 to vector<16xf32>
    %swap3A_81 = arith.constant 208 : index
    %swap3A_82 = tpu.vector_load %arg7[%swap3A_81] {strides = array<i32>} : memref<2048xf32, #tpu.memory_space<vmem>>, vector<16xf32>,
    %swap3A_83 = vector.shape_cast %swap3A_82 : vector<16xf32> to vector<16xf32>
    %swap3A_84 = vector.shape_cast %broadcast_in_dim3A_80 : vector<16xf32> to vector<16xf32>
    tpu.vector_store %arg7[%swap3A_81], %swap3A_84 {strides = array<i32>} : memref<2048xf32, #tpu.memory_space<vmem>>, vector<16xf32>,
    %broadcast_in_dim3A_85 = arith.constant 1.000000e+00 : f32
    %broadcast_in_dim3A_86 = vector.broadcast %broadcast_in_dim3A_85 : f32 to vector<16xf32>
    %swap3A_87 = arith.constant 224 : index
    %swap3A_88 = tpu.vector_load %arg7[%swap3A_87] {strides = array<i32>} : memref<2048xf32, #tpu.memory_space<vmem>>, vector<16xf32>,
    %swap3A_89 = vector.shape_cast %swap3A_88 : vector<16xf32> to vector<16xf32>
    %swap3A_90 = vector.shape_cast %broadcast_in_dim3A_86 : vector<16xf32> to vector<16xf32>
    tpu.vector_store %arg7[%swap3A_87], %swap3A_90 {strides = array<i32>} : memref<2048xf32, #tpu.memory_space<vmem>>, vector<16xf32>,
    %broadcast_in_dim3A_91 = arith.constant 1.000000e+00 : f32
    %broadcast_in_dim3A_92 = vector.broadcast %broadcast_in_dim3A_91 : f32 to vector<16xf32>
    %swap3A_93 = arith.constant 240 : index
    %swap3A_94 = tpu.vector_load %arg7[%swap3A_93] {strides = array<i32>} : memref<2048xf32, #tpu.memory_space<vmem>>, vector<16xf32>,
    %swap3A_95 = vector.shape_cast %swap3A_94 : vector<16xf32> to vector<16xf32>
    %swap3A_96 = vector.shape_cast %broadcast_in_dim3A_92 : vector<16xf32> to vector<16xf32>
    tpu.vector_store %arg7[%swap3A_93], %swap3A_96 {strides = array<i32>} : memref<2048xf32, #tpu.memory_space<vmem>>, vector<16xf32>,
    %broadcast_in_dim3A_97 = arith.constant 1.000000e+00 : f32
    %broadcast_in_dim3A_98 = vector.broadcast %broadcast_in_dim3A_97 : f32 to vector<16xf32>
    %swap3A_99 = arith.constant 256 : index
    %swap3A_100 = tpu.vector_load %arg7[%swap3A_99] {strides = array<i32>} : memref<2048xf32, #tpu.memory_space<vmem>>, vector<16xf32>,
    %swap3A_101 = vector.shape_cast %swap3A_100 : vector<16xf32> to vector<16xf32>
    %swap3A_102 = vector.shape_cast %broadcast_in_dim3A_98 : vector<16xf32> to vector<16xf32>
    tpu.vector_store %arg7[%swap3A_99], %swap3A_102 {strides = array<i32>} : memref<2048xf32, #tpu.memory_space<vmem>>, vector<16xf32>,
    %broadcast_in_dim3A_103 = arith.constant 1.000000e+00 : f32
    %broadcast_in_dim3A_104 = vector.broadcast %broadcast_in_dim3A_103 : f32 to vector<16xf32>
    %swap3A_105 = arith.constant 272 : index
    %swap3A_106 = tpu.vector_load %arg7[%swap3A_105] {strides = array<i32>} : memref<2048xf32, #tpu.memory_space<vmem>>, vector<16xf32>,
    %swap3A_107 = vector.shape_cast %swap3A_106 : vector<16xf32> to vector<16xf32>
    %swap3A_108 = vector.shape_cast %broadcast_in_dim3A_104 : vector<16xf32> to vector<16xf32>
    tpu.vector_store %arg7[%swap3A_105], %swap3A_108 {strides = array<i32>} : memref<2048xf32, #tpu.memory_space<vmem>>, vector<16xf32>,
    %broadcast_in_dim3A_109 = arith.constant 1.000000e+00 : f32
    %broadcast_in_dim3A_110 = vector.broadcast %broadcast_in_dim3A_109 : f32 to vector<16xf32>
    %swap3A_111 = arith.constant 288 : index
    %swap3A_112 = tpu.vector_load %arg7[%swap3A_111] {strides = array<i32>} : memref<2048xf32, #tpu.memory_space<vmem>>, vector<16xf32>,
    %swap3A_113 = vector.shape_cast %swap3A_112 : vector<16xf32> to vector<16xf32>
    %swap3A_114 = vector.shape_cast %broadcast_in_dim3A_110 : vector<16xf32> to vector<16xf32>
    tpu.vector_store %arg7[%swap3A_111], %swap3A_114 {strides = array<i32>} : memref<2048xf32, #tpu.memory_space<vmem>>, vector<16xf32>,
    %broadcast_in_dim3A_115 = arith.constant 1.000000e+00 : f32
    %broadcast_in_dim3A_116 = vector.broadcast %broadcast_in_dim3A_115 : f32 to vector<16xf32>
    %swap3A_117 = arith.constant 304 : index
    %swap3A_118 = tpu.vector_load %arg7[%swap3A_117] {strides = array<i32>} : memref<2048xf32, #tpu.memory_space<vmem>>, vector<16xf32>,
    %swap3A_119 = vector.shape_cast %swap3A_118 : vector<16xf32> to vector<16xf32>
    %swap3A_120 = vector.shape_cast %broadcast_in_dim3A_116 : vector<16xf32> to vector<16xf32>
    tpu.vector_store %arg7[%swap3A_117], %swap3A_120 {strides = array<i32>} : memref<2048xf32, #tpu.memory_space<vmem>>, vector<16xf32>,
    %broadcast_in_dim3A_121 = arith.constant 1.000000e+00 : f32
    %broadcast_in_dim3A_122 = vector.broadcast %broadcast_in_dim3A_121 : f32 to vector<16xf32>
    %swap3A_123 = arith.constant 320 : index
    %swap3A_124 = tpu.vector_load %arg7[%swap3A_123] {strides = array<i32>} : memref<2048xf32, #tpu.memory_space<vmem>>, vector<16xf32>,
    %swap3A_125 = vector.shape_cast %swap3A_124 : vector<16xf32> to vector<16xf32>
    %swap3A_126 = vector.shape_cast %broadcast_in_dim3A_122 : vector<16xf32> to vector<16xf32>
    tpu.vector_store %arg7[%swap3A_123], %swap3A_126 {strides = array<i32>} : memref<2048xf32, #tpu.memory_space<vmem>>, vector<16xf32>,
    %broadcast_in_dim3A_127 = arith.constant 1.000000e+00 : f32
    %broadcast_in_dim3A_128 = vector.broadcast %broadcast_in_dim3A_127 : f32 to vector<16xf32>
    %swap3A_129 = arith.constant 336 : index
    %swap3A_130 = tpu.vector_load %arg7[%swap3A_129] {strides = array<i32>} : memref<2048xf32, #tpu.memory_space<vmem>>, vector<16xf32>,
    %swap3A_131 = vector.shape_cast %swap3A_130 : vector<16xf32> to vector<16xf32>
    %swap3A_132 = vector.shape_cast %broadcast_in_dim3A_128 : vector<16xf32> to vector<16xf32>
    tpu.vector_store %arg7[%swap3A_129], %swap3A_132 {strides = array<i32>} : memref<2048xf32, #tpu.memory_space<vmem>>, vector<16xf32>,
    %broadcast_in_dim3A_133 = arith.constant 1.000000e+00 : f32
    %broadcast_in_dim3A_134 = vector.broadcast %broadcast_in_dim3A_133 : f32 to vector<16xf32>
    %swap3A_135 = arith.constant 352 : index
    %swap3A_136 = tpu.vector_load %arg7[%swap3A_135] {strides = array<i32>} : memref<2048xf32, #tpu.memory_space<vmem>>, vector<16xf32>,
    %swap3A_137 = vector.shape_cast %swap3A_136 : vector<16xf32> to vector<16xf32>
    %swap3A_138 = vector.shape_cast %broadcast_in_dim3A_134 : vector<16xf32> to vector<16xf32>
    tpu.vector_store %arg7[%swap3A_135], %swap3A_138 {strides = array<i32>} : memref<2048xf32, #tpu.memory_space<vmem>>, vector<16xf32>,
    %broadcast_in_dim3A_139 = arith.constant 1.000000e+00 : f32
    %broadcast_in_dim3A_140 = vector.broadcast %broadcast_in_dim3A_139 : f32 to vector<16xf32>
    %swap3A_141 = arith.constant 368 : index
    %swap3A_142 = tpu.vector_load %arg7[%swap3A_141] {strides = array<i32>} : memref<2048xf32, #tpu.memory_space<vmem>>, vector<16xf32>,
    %swap3A_143 = vector.shape_cast %swap3A_142 : vector<16xf32> to vector<16xf32>
    %swap3A_144 = vector.shape_cast %broadcast_in_dim3A_140 : vector<16xf32> to vector<16xf32>
    tpu.vector_store %arg7[%swap3A_141], %swap3A_144 {strides = array<i32>} : memref<2048xf32, #tpu.memory_space<vmem>>, vector<16xf32>,
    %broadcast_in_dim3A_145 = arith.constant 1.000000e+00 : f32
    %broadcast_in_dim3A_146 = vector.broadcast %broadcast_in_dim3A_145 : f32 to vector<16xf32>
    %swap3A_147 = arith.constant 384 : index
    %swap3A_148 = tpu.vector_load %arg7[%swap3A_147] {strides = array<i32>} : memref<2048xf32, #tpu.memory_space<vmem>>, vector<16xf32>,
    %swap3A_149 = vector.shape_cast %swap3A_148 : vector<16xf32> to vector<16xf32>
    %swap3A_150 = vector.shape_cast %broadcast_in_dim3A_146 : vector<16xf32> to vector<16xf32>
    tpu.vector_store %arg7[%swap3A_147], %swap3A_150 {strides = array<i32>} : memref<2048xf32, #tpu.memory_space<vmem>>, vector<16xf32>,
    %broadcast_in_dim3A_151 = arith.constant 1.000000e+00 : f32
    %broadcast_in_dim3A_152 = vector.broadcast %broadcast_in_dim3A_151 : f32 to vector<16xf32>
    %swap3A_153 = arith.constant 400 : index
    %swap3A_154 = tpu.vector_load %arg7[%swap3A_153] {strides = array<i32>} : memref<2048xf32, #tpu.memory_space<vmem>>, vector<16xf32>,
    %swap3A_155 = vector.shape_cast %swap3A_154 : vector<16xf32> to vector<16xf32>
    %swap3A_156 = vector.shape_cast %broadcast_in_dim3A_152 : vector<16xf32> to vector<16xf32>
    tpu.vector_store %arg7[%swap3A_153], %swap3A_156 {strides = array<i32>} : memref<2048xf32, #tpu.memory_space<vmem>>, vector<16xf32>,
    %broadcast_in_dim3A_157 = arith.constant 1.000000e+00 : f32
    %broadcast_in_dim3A_158 = vector.broadcast %broadcast_in_dim3A_157 : f32 to vector<16xf32>
    %swap3A_159 = arith.constant 416 : index
    %swap3A_160 = tpu.vector_load %arg7[%swap3A_159] {strides = array<i32>} : memref<2048xf32, #tpu.memory_space<vmem>>, vector<16xf32>,
    %swap3A_161 = vector.shape_cast %swap3A_160 : vector<16xf32> to vector<16xf32>
    %swap3A_162 = vector.shape_cast %broadcast_in_dim3A_158 : vector<16xf32> to vector<16xf32>
    tpu.vector_store %arg7[%swap3A_159], %swap3A_162 {strides = array<i32>} : memref<2048xf32, #tpu.memory_space<vmem>>, vector<16xf32>,
    %broadcast_in_dim3A_163 = arith.constant 1.000000e+00 : f32
    %broadcast_in_dim3A_164 = vector.broadcast %broadcast_in_dim3A_163 : f32 to vector<16xf32>
    %swap3A_165 = arith.constant 432 : index
    %swap3A_166 = tpu.vector_load %arg7[%swap3A_165] {strides = array<i32>} : memref<2048xf32, #tpu.memory_space<vmem>>, vector<16xf32>,
    %swap3A_167 = vector.shape_cast %swap3A_166 : vector<16xf32> to vector<16xf32>
    %swap3A_168 = vector.shape_cast %broadcast_in_dim3A_164 : vector<16xf32> to vector<16xf32>
    tpu.vector_store %arg7[%swap3A_165], %swap3A_168 {strides = array<i32>} : memref<2048xf32, #tpu.memory_space<vmem>>, vector<16xf32>,
    %broadcast_in_dim3A_169 = arith.constant 1.000000e+00 : f32
    %broadcast_in_dim3A_170 = vector.broadcast %broadcast_in_dim3A_169 : f32 to vector<16xf32>
    %swap3A_171 = arith.constant 448 : index
    %swap3A_172 = tpu.vector_load %arg7[%swap3A_171] {strides = array<i32>} : memref<2048xf32, #tpu.memory_space<vmem>>, vector<16xf32>,
    %swap3A_173 = vector.shape_cast %swap3A_172 : vector<16xf32> to vector<16xf32>
    %swap3A_174 = vector.shape_cast %broadcast_in_dim3A_170 : vector<16xf32> to vector<16xf32>
    tpu.vector_store %arg7[%swap3A_171], %swap3A_174 {strides = array<i32>} : memref<2048xf32, #tpu.memory_space<vmem>>, vector<16xf32>,
    %broadcast_in_dim3A_175 = arith.constant 1.000000e+00 : f32
    %broadcast_in_dim3A_176 = vector.broadcast %broadcast_in_dim3A_175 : f32 to vector<16xf32>
    %swap3A_177 = arith.constant 464 : index
    %swap3A_178 = tpu.vector_load %arg7[%swap3A_177] {strides = array<i32>} : memref<2048xf32, #tpu.memory_space<vmem>>, vector<16xf32>,
    %swap3A_179 = vector.shape_cast %swap3A_178 : vector<16xf32> to vector<16xf32>
    %swap3A_180 = vector.shape_cast %broadcast_in_dim3A_176 : vector<16xf32> to vector<16xf32>
    tpu.vector_store %arg7[%swap3A_177], %swap3A_180 {strides = array<i32>} : memref<2048xf32, #tpu.memory_space<vmem>>, vector<16xf32>,
    %broadcast_in_dim3A_181 = arith.constant 1.000000e+00 : f32
    %broadcast_in_dim3A_182 = vector.broadcast %broadcast_in_dim3A_181 : f32 to vector<16xf32>
    %swap3A_183 = arith.constant 480 : index
    %swap3A_184 = tpu.vector_load %arg7[%swap3A_183] {strides = array<i32>} : memref<2048xf32, #tpu.memory_space<vmem>>, vector<16xf32>,
    %swap3A_185 = vector.shape_cast %swap3A_184 : vector<16xf32> to vector<16xf32>
    %swap3A_186 = vector.shape_cast %broadcast_in_dim3A_182 : vector<16xf32> to vector<16xf32>
    tpu.vector_store %arg7[%swap3A_183], %swap3A_186 {strides = array<i32>} : memref<2048xf32, #tpu.memory_space<vmem>>, vector<16xf32>,
    %broadcast_in_dim3A_187 = arith.constant 1.000000e+00 : f32
    %broadcast_in_dim3A_188 = vector.broadcast %broadcast_in_dim3A_187 : f32 to vector<16xf32>
    %swap3A_189 = arith.constant 496 : index
    %swap3A_190 = tpu.vector_load %arg7[%swap3A_189] {strides = array<i32>} : memref<2048xf32, #tpu.memory_space<vmem>>, vector<16xf32>,
    %swap3A_191 = vector.shape_cast %swap3A_190 : vector<16xf32> to vector<16xf32>
    %swap3A_192 = vector.shape_cast %broadcast_in_dim3A_188 : vector<16xf32> to vector<16xf32>
    tpu.vector_store %arg7[%swap3A_189], %swap3A_192 {strides = array<i32>} : memref<2048xf32, #tpu.memory_space<vmem>>, vector<16xf32>,
    %broadcast_in_dim3A_193 = arith.constant 1.000000e+00 : f32
    %broadcast_in_dim3A_194 = vector.broadcast %broadcast_in_dim3A_193 : f32 to vector<16xf32>
    %swap3A_195 = arith.constant 512 : index
    %swap3A_196 = tpu.vector_load %arg7[%swap3A_195] {strides = array<i32>} : memref<2048xf32, #tpu.memory_space<vmem>>, vector<16xf32>,
    %swap3A_197 = vector.shape_cast %swap3A_196 : vector<16xf32> to vector<16xf32>
    %swap3A_198 = vector.shape_cast %broadcast_in_dim3A_194 : vector<16xf32> to vector<16xf32>
    tpu.vector_store %arg7[%swap3A_195], %swap3A_198 {strides = array<i32>} : memref<2048xf32, #tpu.memory_space<vmem>>, vector<16xf32>,
    %broadcast_in_dim3A_199 = arith.constant 1.000000e+00 : f32
    %broadcast_in_dim3A_200 = vector.broadcast %broadcast_in_dim3A_199 : f32 to vector<16xf32>
    %swap3A_201 = arith.constant 528 : index
    %swap3A_202 = tpu.vector_load %arg7[%swap3A_201] {strides = array<i32>} : memref<2048xf32, #tpu.memory_space<vmem>>, vector<16xf32>,
    %swap3A_203 = vector.shape_cast %swap3A_202 : vector<16xf32> to vector<16xf32>
    %swap3A_204 = vector.shape_cast %broadcast_in_dim3A_200 : vector<16xf32> to vector<16xf32>
    tpu.vector_store %arg7[%swap3A_201], %swap3A_204 {strides = array<i32>} : memref<2048xf32, #tpu.memory_space<vmem>>, vector<16xf32>,
    %broadcast_in_dim3A_205 = arith.constant 1.000000e+00 : f32
    %broadcast_in_dim3A_206 = vector.broadcast %broadcast_in_dim3A_205 : f32 to vector<16xf32>
    %swap3A_207 = arith.constant 544 : index
    %swap3A_208 = tpu.vector_load %arg7[%swap3A_207] {strides = array<i32>} : memref<2048xf32, #tpu.memory_space<vmem>>, vector<16xf32>,
    %swap3A_209 = vector.shape_cast %swap3A_208 : vector<16xf32> to vector<16xf32>
    %swap3A_210 = vector.shape_cast %broadcast_in_dim3A_206 : vector<16xf32> to vector<16xf32>
    tpu.vector_store %arg7[%swap3A_207], %swap3A_210 {strides = array<i32>} : memref<2048xf32, #tpu.memory_space<vmem>>, vector<16xf32>,
    %broadcast_in_dim3A_211 = arith.constant 1.000000e+00 : f32
    %broadcast_in_dim3A_212 = vector.broadcast %broadcast_in_dim3A_211 : f32 to vector<16xf32>
    %swap3A_213 = arith.constant 560 : index
    %swap3A_214 = tpu.vector_load %arg7[%swap3A_213] {strides = array<i32>} : memref<2048xf32, #tpu.memory_space<vmem>>, vector<16xf32>,
    %swap3A_215 = vector.shape_cast %swap3A_214 : vector<16xf32> to vector<16xf32>
    %swap3A_216 = vector.shape_cast %broadcast_in_dim3A_212 : vector<16xf32> to vector<16xf32>
    tpu.vector_store %arg7[%swap3A_213], %swap3A_216 {strides = array<i32>} : memref<2048xf32, #tpu.memory_space<vmem>>, vector<16xf32>,
    %broadcast_in_dim3A_217 = arith.constant 1.000000e+00 : f32
    %broadcast_in_dim3A_218 = vector.broadcast %broadcast_in_dim3A_217 : f32 to vector<16xf32>
    %swap3A_219 = arith.constant 576 : index
    %swap3A_220 = tpu.vector_load %arg7[%swap3A_219] {strides = array<i32>} : memref<2048xf32, #tpu.memory_space<vmem>>, vector<16xf32>,
    %swap3A_221 = vector.shape_cast %swap3A_220 : vector<16xf32> to vector<16xf32>
    %swap3A_222 = vector.shape_cast %broadcast_in_dim3A_218 : vector<16xf32> to vector<16xf32>
    tpu.vector_store %arg7[%swap3A_219], %swap3A_222 {strides = array<i32>} : memref<2048xf32, #tpu.memory_space<vmem>>, vector<16xf32>,
    %broadcast_in_dim3A_223 = arith.constant 1.000000e+00 : f32
    %broadcast_in_dim3A_224 = vector.broadcast %broadcast_in_dim3A_223 : f32 to vector<16xf32>
    %swap3A_225 = arith.constant 592 : index
    %swap3A_226 = tpu.vector_load %arg7[%swap3A_225] {strides = array<i32>} : memref<2048xf32, #tpu.memory_space<vmem>>, vector<16xf32>,
    %swap3A_227 = vector.shape_cast %swap3A_226 : vector<16xf32> to vector<16xf32>
    %swap3A_228 = vector.shape_cast %broadcast_in_dim3A_224 : vector<16xf32> to vector<16xf32>
    tpu.vector_store %arg7[%swap3A_225], %swap3A_228 {strides = array<i32>} : memref<2048xf32, #tpu.memory_space<vmem>>, vector<16xf32>,
    %broadcast_in_dim3A_229 = arith.constant 1.000000e+00 : f32
    %broadcast_in_dim3A_230 = vector.broadcast %broadcast_in_dim3A_229 : f32 to vector<16xf32>
    %swap3A_231 = arith.constant 608 : index
    %swap3A_232 = tpu.vector_load %arg7[%swap3A_231] {strides = array<i32>} : memref<2048xf32, #tpu.memory_space<vmem>>, vector<16xf32>,
    %swap3A_233 = vector.shape_cast %swap3A_232 : vector<16xf32> to vector<16xf32>
    %swap3A_234 = vector.shape_cast %broadcast_in_dim3A_230 : vector<16xf32> to vector<16xf32>
    tpu.vector_store %arg7[%swap3A_231], %swap3A_234 {strides = array<i32>} : memref<2048xf32, #tpu.memory_space<vmem>>, vector<16xf32>,
    %broadcast_in_dim3A_235 = arith.constant 1.000000e+00 : f32
    %broadcast_in_dim3A_236 = vector.broadcast %broadcast_in_dim3A_235 : f32 to vector<16xf32>
    %swap3A_237 = arith.constant 624 : index
    %swap3A_238 = tpu.vector_load %arg7[%swap3A_237] {strides = array<i32>} : memref<2048xf32, #tpu.memory_space<vmem>>, vector<16xf32>,
    %swap3A_239 = vector.shape_cast %swap3A_238 : vector<16xf32> to vector<16xf32>
    %swap3A_240 = vector.shape_cast %broadcast_in_dim3A_236 : vector<16xf32> to vector<16xf32>
    tpu.vector_store %arg7[%swap3A_237], %swap3A_240 {strides = array<i32>} : memref<2048xf32, #tpu.memory_space<vmem>>, vector<16xf32>,
    %broadcast_in_dim3A_241 = arith.constant 1.000000e+00 : f32
    %broadcast_in_dim3A_242 = vector.broadcast %broadcast_in_dim3A_241 : f32 to vector<16xf32>
    %swap3A_243 = arith.constant 640 : index
    %swap3A_244 = tpu.vector_load %arg7[%swap3A_243] {strides = array<i32>} : memref<2048xf32, #tpu.memory_space<vmem>>, vector<16xf32>,
    %swap3A_245 = vector.shape_cast %swap3A_244 : vector<16xf32> to vector<16xf32>
    %swap3A_246 = vector.shape_cast %broadcast_in_dim3A_242 : vector<16xf32> to vector<16xf32>
    tpu.vector_store %arg7[%swap3A_243], %swap3A_246 {strides = array<i32>} : memref<2048xf32, #tpu.memory_space<vmem>>, vector<16xf32>,
    %broadcast_in_dim3A_247 = arith.constant 1.000000e+00 : f32
    %broadcast_in_dim3A_248 = vector.broadcast %broadcast_in_dim3A_247 : f32 to vector<16xf32>
    %swap3A_249 = arith.constant 656 : index
    %swap3A_250 = tpu.vector_load %arg7[%swap3A_249] {strides = array<i32>} : memref<2048xf32, #tpu.memory_space<vmem>>, vector<16xf32>,
    %swap3A_251 = vector.shape_cast %swap3A_250 : vector<16xf32> to vector<16xf32>
    %swap3A_252 = vector.shape_cast %broadcast_in_dim3A_248 : vector<16xf32> to vector<16xf32>
    tpu.vector_store %arg7[%swap3A_249], %swap3A_252 {strides = array<i32>} : memref<2048xf32, #tpu.memory_space<vmem>>, vector<16xf32>,
    %broadcast_in_dim3A_253 = arith.constant 1.000000e+00 : f32
    %broadcast_in_dim3A_254 = vector.broadcast %broadcast_in_dim3A_253 : f32 to vector<16xf32>
    %swap3A_255 = arith.constant 672 : index
    %swap3A_256 = tpu.vector_load %arg7[%swap3A_255] {strides = array<i32>} : memref<2048xf32, #tpu.memory_space<vmem>>, vector<16xf32>,
    %swap3A_257 = vector.shape_cast %swap3A_256 : vector<16xf32> to vector<16xf32>
    %swap3A_258 = vector.shape_cast %broadcast_in_dim3A_254 : vector<16xf32> to vector<16xf32>
    tpu.vector_store %arg7[%swap3A_255], %swap3A_258 {strides = array<i32>} : memref<2048xf32, #tpu.memory_space<vmem>>, vector<16xf32>,
    %broadcast_in_dim3A_259 = arith.constant 1.000000e+00 : f32
    %broadcast_in_dim3A_260 = vector.broadcast %broadcast_in_dim3A_259 : f32 to vector<16xf32>
    %swap3A_261 = arith.constant 688 : index
    %swap3A_262 = tpu.vector_load %arg7[%swap3A_261] {strides = array<i32>} : memref<2048xf32, #tpu.memory_space<vmem>>, vector<16xf32>,
    %swap3A_263 = vector.shape_cast %swap3A_262 : vector<16xf32> to vector<16xf32>
    %swap3A_264 = vector.shape_cast %broadcast_in_dim3A_260 : vector<16xf32> to vector<16xf32>
    tpu.vector_store %arg7[%swap3A_261], %swap3A_264 {strides = array<i32>} : memref<2048xf32, #tpu.memory_space<vmem>>, vector<16xf32>,
    %broadcast_in_dim3A_265 = arith.constant 1.000000e+00 : f32
    %broadcast_in_dim3A_266 = vector.broadcast %broadcast_in_dim3A_265 : f32 to vector<16xf32>
    %swap3A_267 = arith.constant 704 : index
    %swap3A_268 = tpu.vector_load %arg7[%swap3A_267] {strides = array<i32>} : memref<2048xf32, #tpu.memory_space<vmem>>, vector<16xf32>,
    %swap3A_269 = vector.shape_cast %swap3A_268 : vector<16xf32> to vector<16xf32>
    %swap3A_270 = vector.shape_cast %broadcast_in_dim3A_266 : vector<16xf32> to vector<16xf32>
    tpu.vector_store %arg7[%swap3A_267], %swap3A_270 {strides = array<i32>} : memref<2048xf32, #tpu.memory_space<vmem>>, vector<16xf32>,
    %broadcast_in_dim3A_271 = arith.constant 1.000000e+00 : f32
    %broadcast_in_dim3A_272 = vector.broadcast %broadcast_in_dim3A_271 : f32 to vector<16xf32>
    %swap3A_273 = arith.constant 720 : index
    %swap3A_274 = tpu.vector_load %arg7[%swap3A_273] {strides = array<i32>} : memref<2048xf32, #tpu.memory_space<vmem>>, vector<16xf32>,
    %swap3A_275 = vector.shape_cast %swap3A_274 : vector<16xf32> to vector<16xf32>
    %swap3A_276 = vector.shape_cast %broadcast_in_dim3A_272 : vector<16xf32> to vector<16xf32>
    tpu.vector_store %arg7[%swap3A_273], %swap3A_276 {strides = array<i32>} : memref<2048xf32, #tpu.memory_space<vmem>>, vector<16xf32>,
    %broadcast_in_dim3A_277 = arith.constant 1.000000e+00 : f32
    %broadcast_in_dim3A_278 = vector.broadcast %broadcast_in_dim3A_277 : f32 to vector<16xf32>
    %swap3A_279 = arith.constant 736 : index
    %swap3A_280 = tpu.vector_load %arg7[%swap3A_279] {strides = array<i32>} : memref<2048xf32, #tpu.memory_space<vmem>>, vector<16xf32>,
    %swap3A_281 = vector.shape_cast %swap3A_280 : vector<16xf32> to vector<16xf32>
    %swap3A_282 = vector.shape_cast %broadcast_in_dim3A_278 : vector<16xf32> to vector<16xf32>
    tpu.vector_store %arg7[%swap3A_279], %swap3A_282 {strides = array<i32>} : memref<2048xf32, #tpu.memory_space<vmem>>, vector<16xf32>,
    %broadcast_in_dim3A_283 = arith.constant 1.000000e+00 : f32
    %broadcast_in_dim3A_284 = vector.broadcast %broadcast_in_dim3A_283 : f32 to vector<16xf32>
    %swap3A_285 = arith.constant 752 : index
    %swap3A_286 = tpu.vector_load %arg7[%swap3A_285] {strides = array<i32>} : memref<2048xf32, #tpu.memory_space<vmem>>, vector<16xf32>,
    %swap3A_287 = vector.shape_cast %swap3A_286 : vector<16xf32> to vector<16xf32>
    %swap3A_288 = vector.shape_cast %broadcast_in_dim3A_284 : vector<16xf32> to vector<16xf32>
    tpu.vector_store %arg7[%swap3A_285], %swap3A_288 {strides = array<i32>} : memref<2048xf32, #tpu.memory_space<vmem>>, vector<16xf32>,
    %broadcast_in_dim3A_289 = arith.constant 1.000000e+00 : f32
    %broadcast_in_dim3A_290 = vector.broadcast %broadcast_in_dim3A_289 : f32 to vector<16xf32>
    %swap3A_291 = arith.constant 768 : index
    %swap3A_292 = tpu.vector_load %arg7[%swap3A_291] {strides = array<i32>} : memref<2048xf32, #tpu.memory_space<vmem>>, vector<16xf32>,
    %swap3A_293 = vector.shape_cast %swap3A_292 : vector<16xf32> to vector<16xf32>
    %swap3A_294 = vector.shape_cast %broadcast_in_dim3A_290 : vector<16xf32> to vector<16xf32>
    tpu.vector_store %arg7[%swap3A_291], %swap3A_294 {strides = array<i32>} : memref<2048xf32, #tpu.memory_space<vmem>>, vector<16xf32>,
    %broadcast_in_dim3A_295 = arith.constant 1.000000e+00 : f32
    %broadcast_in_dim3A_296 = vector.broadcast %broadcast_in_dim3A_295 : f32 to vector<16xf32>
    %swap3A_297 = arith.constant 784 : index
    %swap3A_298 = tpu.vector_load %arg7[%swap3A_297] {strides = array<i32>} : memref<2048xf32, #tpu.memory_space<vmem>>, vector<16xf32>,
    %swap3A_299 = vector.shape_cast %swap3A_298 : vector<16xf32> to vector<16xf32>
    %swap3A_300 = vector.shape_cast %broadcast_in_dim3A_296 : vector<16xf32> to vector<16xf32>
    tpu.vector_store %arg7[%swap3A_297], %swap3A_300 {strides = array<i32>} : memref<2048xf32, #tpu.memory_space<vmem>>, vector<16xf32>,
    %broadcast_in_dim3A_301 = arith.constant 1.000000e+00 : f32
    %broadcast_in_dim3A_302 = vector.broadcast %broadcast_in_dim3A_301 : f32 to vector<16xf32>
    %swap3A_303 = arith.constant 800 : index
    %swap3A_304 = tpu.vector_load %arg7[%swap3A_303] {strides = array<i32>} : memref<2048xf32, #tpu.memory_space<vmem>>, vector<16xf32>,
    %swap3A_305 = vector.shape_cast %swap3A_304 : vector<16xf32> to vector<16xf32>
    %swap3A_306 = vector.shape_cast %broadcast_in_dim3A_302 : vector<16xf32> to vector<16xf32>
    tpu.vector_store %arg7[%swap3A_303], %swap3A_306 {strides = array<i32>} : memref<2048xf32, #tpu.memory_space<vmem>>, vector<16xf32>,
    %broadcast_in_dim3A_307 = arith.constant 1.000000e+00 : f32
    %broadcast_in_dim3A_308 = vector.broadcast %broadcast_in_dim3A_307 : f32 to vector<16xf32>
    %swap3A_309 = arith.constant 816 : index
    %swap3A_310 = tpu.vector_load %arg7[%swap3A_309] {strides = array<i32>} : memref<2048xf32, #tpu.memory_space<vmem>>, vector<16xf32>,
    %swap3A_311 = vector.shape_cast %swap3A_310 : vector<16xf32> to vector<16xf32>
    %swap3A_312 = vector.shape_cast %broadcast_in_dim3A_308 : vector<16xf32> to vector<16xf32>
    tpu.vector_store %arg7[%swap3A_309], %swap3A_312 {strides = array<i32>} : memref<2048xf32, #tpu.memory_space<vmem>>, vector<16xf32>,
    %broadcast_in_dim3A_313 = arith.constant 1.000000e+00 : f32
    %broadcast_in_dim3A_314 = vector.broadcast %broadcast_in_dim3A_313 : f32 to vector<16xf32>
    %swap3A_315 = arith.constant 832 : index
    %swap3A_316 = tpu.vector_load %arg7[%swap3A_315] {strides = array<i32>} : memref<2048xf32, #tpu.memory_space<vmem>>, vector<16xf32>,
    %swap3A_317 = vector.shape_cast %swap3A_316 : vector<16xf32> to vector<16xf32>
    %swap3A_318 = vector.shape_cast %broadcast_in_dim3A_314 : vector<16xf32> to vector<16xf32>
    tpu.vector_store %arg7[%swap3A_315], %swap3A_318 {strides = array<i32>} : memref<2048xf32, #tpu.memory_space<vmem>>, vector<16xf32>,
    %broadcast_in_dim3A_319 = arith.constant 1.000000e+00 : f32
    %broadcast_in_dim3A_320 = vector.broadcast %broadcast_in_dim3A_319 : f32 to vector<16xf32>
    %swap3A_321 = arith.constant 848 : index
    %swap3A_322 = tpu.vector_load %arg7[%swap3A_321] {strides = array<i32>} : memref<2048xf32, #tpu.memory_space<vmem>>, vector<16xf32>,
    %swap3A_323 = vector.shape_cast %swap3A_322 : vector<16xf32> to vector<16xf32>
    %swap3A_324 = vector.shape_cast %broadcast_in_dim3A_320 : vector<16xf32> to vector<16xf32>
    tpu.vector_store %arg7[%swap3A_321], %swap3A_324 {strides = array<i32>} : memref<2048xf32, #tpu.memory_space<vmem>>, vector<16xf32>,
    %broadcast_in_dim3A_325 = arith.constant 1.000000e+00 : f32
    %broadcast_in_dim3A_326 = vector.broadcast %broadcast_in_dim3A_325 : f32 to vector<16xf32>
    %swap3A_327 = arith.constant 864 : index
    %swap3A_328 = tpu.vector_load %arg7[%swap3A_327] {strides = array<i32>} : memref<2048xf32, #tpu.memory_space<vmem>>, vector<16xf32>,
    %swap3A_329 = vector.shape_cast %swap3A_328 : vector<16xf32> to vector<16xf32>
    %swap3A_330 = vector.shape_cast %broadcast_in_dim3A_326 : vector<16xf32> to vector<16xf32>
    tpu.vector_store %arg7[%swap3A_327], %swap3A_330 {strides = array<i32>} : memref<2048xf32, #tpu.memory_space<vmem>>, vector<16xf32>,
    %broadcast_in_dim3A_331 = arith.constant 1.000000e+00 : f32
    %broadcast_in_dim3A_332 = vector.broadcast %broadcast_in_dim3A_331 : f32 to vector<16xf32>
    %swap3A_333 = arith.constant 880 : index
    %swap3A_334 = tpu.vector_load %arg7[%swap3A_333] {strides = array<i32>} : memref<2048xf32, #tpu.memory_space<vmem>>, vector<16xf32>,
    %swap3A_335 = vector.shape_cast %swap3A_334 : vector<16xf32> to vector<16xf32>
    %swap3A_336 = vector.shape_cast %broadcast_in_dim3A_332 : vector<16xf32> to vector<16xf32>
    tpu.vector_store %arg7[%swap3A_333], %swap3A_336 {strides = array<i32>} : memref<2048xf32, #tpu.memory_space<vmem>>, vector<16xf32>,
    %broadcast_in_dim3A_337 = arith.constant 1.000000e+00 : f32
    %broadcast_in_dim3A_338 = vector.broadcast %broadcast_in_dim3A_337 : f32 to vector<16xf32>
    %swap3A_339 = arith.constant 896 : index
    %swap3A_340 = tpu.vector_load %arg7[%swap3A_339] {strides = array<i32>} : memref<2048xf32, #tpu.memory_space<vmem>>, vector<16xf32>,
    %swap3A_341 = vector.shape_cast %swap3A_340 : vector<16xf32> to vector<16xf32>
    %swap3A_342 = vector.shape_cast %broadcast_in_dim3A_338 : vector<16xf32> to vector<16xf32>
    tpu.vector_store %arg7[%swap3A_339], %swap3A_342 {strides = array<i32>} : memref<2048xf32, #tpu.memory_space<vmem>>, vector<16xf32>,
    %broadcast_in_dim3A_343 = arith.constant 1.000000e+00 : f32
    %broadcast_in_dim3A_344 = vector.broadcast %broadcast_in_dim3A_343 : f32 to vector<16xf32>
    %swap3A_345 = arith.constant 912 : index
    %swap3A_346 = tpu.vector_load %arg7[%swap3A_345] {strides = array<i32>} : memref<2048xf32, #tpu.memory_space<vmem>>, vector<16xf32>,
    %swap3A_347 = vector.shape_cast %swap3A_346 : vector<16xf32> to vector<16xf32>
    %swap3A_348 = vector.shape_cast %broadcast_in_dim3A_344 : vector<16xf32> to vector<16xf32>
    tpu.vector_store %arg7[%swap3A_345], %swap3A_348 {strides = array<i32>} : memref<2048xf32, #tpu.memory_space<vmem>>, vector<16xf32>,
    %broadcast_in_dim3A_349 = arith.constant 1.000000e+00 : f32
    %broadcast_in_dim3A_350 = vector.broadcast %broadcast_in_dim3A_349 : f32 to vector<16xf32>
    %swap3A_351 = arith.constant 928 : index
    %swap3A_352 = tpu.vector_load %arg7[%swap3A_351] {strides = array<i32>} : memref<2048xf32, #tpu.memory_space<vmem>>, vector<16xf32>,
    %swap3A_353 = vector.shape_cast %swap3A_352 : vector<16xf32> to vector<16xf32>
    %swap3A_354 = vector.shape_cast %broadcast_in_dim3A_350 : vector<16xf32> to vector<16xf32>
    tpu.vector_store %arg7[%swap3A_351], %swap3A_354 {strides = array<i32>} : memref<2048xf32, #tpu.memory_space<vmem>>, vector<16xf32>,
    %broadcast_in_dim3A_355 = arith.constant 1.000000e+00 : f32
    %broadcast_in_dim3A_356 = vector.broadcast %broadcast_in_dim3A_355 : f32 to vector<16xf32>
    %swap3A_357 = arith.constant 944 : index
    %swap3A_358 = tpu.vector_load %arg7[%swap3A_357] {strides = array<i32>} : memref<2048xf32, #tpu.memory_space<vmem>>, vector<16xf32>,
    %swap3A_359 = vector.shape_cast %swap3A_358 : vector<16xf32> to vector<16xf32>
    %swap3A_360 = vector.shape_cast %broadcast_in_dim3A_356 : vector<16xf32> to vector<16xf32>
    tpu.vector_store %arg7[%swap3A_357], %swap3A_360 {strides = array<i32>} : memref<2048xf32, #tpu.memory_space<vmem>>, vector<16xf32>,
    %broadcast_in_dim3A_361 = arith.constant 1.000000e+00 : f32
    %broadcast_in_dim3A_362 = vector.broadcast %broadcast_in_dim3A_361 : f32 to vector<16xf32>
    %swap3A_363 = arith.constant 960 : index
    %swap3A_364 = tpu.vector_load %arg7[%swap3A_363] {strides = array<i32>} : memref<2048xf32, #tpu.memory_space<vmem>>, vector<16xf32>,
    %swap3A_365 = vector.shape_cast %swap3A_364 : vector<16xf32> to vector<16xf32>
    %swap3A_366 = vector.shape_cast %broadcast_in_dim3A_362 : vector<16xf32> to vector<16xf32>
    tpu.vector_store %arg7[%swap3A_363], %swap3A_366 {strides = array<i32>} : memref<2048xf32, #tpu.memory_space<vmem>>, vector<16xf32>,
    %broadcast_in_dim3A_367 = arith.constant 1.000000e+00 : f32
    %broadcast_in_dim3A_368 = vector.broadcast %broadcast_in_dim3A_367 : f32 to vector<16xf32>
    %swap3A_369 = arith.constant 976 : index
    %swap3A_370 = tpu.vector_load %arg7[%swap3A_369] {strides = array<i32>} : memref<2048xf32, #tpu.memory_space<vmem>>, vector<16xf32>,
    %swap3A_371 = vector.shape_cast %swap3A_370 : vector<16xf32> to vector<16xf32>
    %swap3A_372 = vector.shape_cast %broadcast_in_dim3A_368 : vector<16xf32> to vector<16xf32>
    tpu.vector_store %arg7[%swap3A_369], %swap3A_372 {strides = array<i32>} : memref<2048xf32, #tpu.memory_space<vmem>>, vector<16xf32>,
    %broadcast_in_dim3A_373 = arith.constant 1.000000e+00 : f32
    %broadcast_in_dim3A_374 = vector.broadcast %broadcast_in_dim3A_373 : f32 to vector<16xf32>
    %swap3A_375 = arith.constant 992 : index
    %swap3A_376 = tpu.vector_load %arg7[%swap3A_375] {strides = array<i32>} : memref<2048xf32, #tpu.memory_space<vmem>>, vector<16xf32>,
    %swap3A_377 = vector.shape_cast %swap3A_376 : vector<16xf32> to vector<16xf32>
    %swap3A_378 = vector.shape_cast %broadcast_in_dim3A_374 : vector<16xf32> to vector<16xf32>
    tpu.vector_store %arg7[%swap3A_375], %swap3A_378 {strides = array<i32>} : memref<2048xf32, #tpu.memory_space<vmem>>, vector<16xf32>,
    %broadcast_in_dim3A_379 = arith.constant 1.000000e+00 : f32
    %broadcast_in_dim3A_380 = vector.broadcast %broadcast_in_dim3A_379 : f32 to vector<16xf32>
    %swap3A_381 = arith.constant 1008 : index
    %swap3A_382 = tpu.vector_load %arg7[%swap3A_381] {strides = array<i32>} : memref<2048xf32, #tpu.memory_space<vmem>>, vector<16xf32>,
    %swap3A_383 = vector.shape_cast %swap3A_382 : vector<16xf32> to vector<16xf32>
    %swap3A_384 = vector.shape_cast %broadcast_in_dim3A_380 : vector<16xf32> to vector<16xf32>
    tpu.vector_store %arg7[%swap3A_381], %swap3A_384 {strides = array<i32>} : memref<2048xf32, #tpu.memory_space<vmem>>, vector<16xf32>,
    %broadcast_in_dim3A_385 = arith.constant 1.000000e+00 : f32
    %broadcast_in_dim3A_386 = vector.broadcast %broadcast_in_dim3A_385 : f32 to vector<16xf32>
    %swap3A_387 = arith.constant 1024 : index
    %swap3A_388 = tpu.vector_load %arg7[%swap3A_387] {strides = array<i32>} : memref<2048xf32, #tpu.memory_space<vmem>>, vector<16xf32>,
    %swap3A_389 = vector.shape_cast %swap3A_388 : vector<16xf32> to vector<16xf32>
    %swap3A_390 = vector.shape_cast %broadcast_in_dim3A_386 : vector<16xf32> to vector<16xf32>
    tpu.vector_store %arg7[%swap3A_387], %swap3A_390 {strides = array<i32>} : memref<2048xf32, #tpu.memory_space<vmem>>, vector<16xf32>,
    %broadcast_in_dim3A_391 = arith.constant 1.000000e+00 : f32
    %broadcast_in_dim3A_392 = vector.broadcast %broadcast_in_dim3A_391 : f32 to vector<16xf32>
    %swap3A_393 = arith.constant 1040 : index
    %swap3A_394 = tpu.vector_load %arg7[%swap3A_393] {strides = array<i32>} : memref<2048xf32, #tpu.memory_space<vmem>>, vector<16xf32>,
    %swap3A_395 = vector.shape_cast %swap3A_394 : vector<16xf32> to vector<16xf32>
    %swap3A_396 = vector.shape_cast %broadcast_in_dim3A_392 : vector<16xf32> to vector<16xf32>
    tpu.vector_store %arg7[%swap3A_393], %swap3A_396 {strides = array<i32>} : memref<2048xf32, #tpu.memory_space<vmem>>, vector<16xf32>,
    %broadcast_in_dim3A_397 = arith.constant 1.000000e+00 : f32
    %broadcast_in_dim3A_398 = vector.broadcast %broadcast_in_dim3A_397 : f32 to vector<16xf32>
    %swap3A_399 = arith.constant 1056 : index
    %swap3A_400 = tpu.vector_load %arg7[%swap3A_399] {strides = array<i32>} : memref<2048xf32, #tpu.memory_space<vmem>>, vector<16xf32>,
    %swap3A_401 = vector.shape_cast %swap3A_400 : vector<16xf32> to vector<16xf32>
    %swap3A_402 = vector.shape_cast %broadcast_in_dim3A_398 : vector<16xf32> to vector<16xf32>
    tpu.vector_store %arg7[%swap3A_399], %swap3A_402 {strides = array<i32>} : memref<2048xf32, #tpu.memory_space<vmem>>, vector<16xf32>,
    %broadcast_in_dim3A_403 = arith.constant 1.000000e+00 : f32
    %broadcast_in_dim3A_404 = vector.broadcast %broadcast_in_dim3A_403 : f32 to vector<16xf32>
    %swap3A_405 = arith.constant 1072 : index
    %swap3A_406 = tpu.vector_load %arg7[%swap3A_405] {strides = array<i32>} : memref<2048xf32, #tpu.memory_space<vmem>>, vector<16xf32>,
    %swap3A_407 = vector.shape_cast %swap3A_406 : vector<16xf32> to vector<16xf32>
    %swap3A_408 = vector.shape_cast %broadcast_in_dim3A_404 : vector<16xf32> to vector<16xf32>
    tpu.vector_store %arg7[%swap3A_405], %swap3A_408 {strides = array<i32>} : memref<2048xf32, #tpu.memory_space<vmem>>, vector<16xf32>,
    %broadcast_in_dim3A_409 = arith.constant 1.000000e+00 : f32
    %broadcast_in_dim3A_410 = vector.broadcast %broadcast_in_dim3A_409 : f32 to vector<16xf32>
    %swap3A_411 = arith.constant 1088 : index
    %swap3A_412 = tpu.vector_load %arg7[%swap3A_411] {strides = array<i32>} : memref<2048xf32, #tpu.memory_space<vmem>>, vector<16xf32>,
    %swap3A_413 = vector.shape_cast %swap3A_412 : vector<16xf32> to vector<16xf32>
    %swap3A_414 = vector.shape_cast %broadcast_in_dim3A_410 : vector<16xf32> to vector<16xf32>
    tpu.vector_store %arg7[%swap3A_411], %swap3A_414 {strides = array<i32>} : memref<2048xf32, #tpu.memory_space<vmem>>, vector<16xf32>,
    %broadcast_in_dim3A_415 = arith.constant 1.000000e+00 : f32
    %broadcast_in_dim3A_416 = vector.broadcast %broadcast_in_dim3A_415 : f32 to vector<16xf32>
    %swap3A_417 = arith.constant 1104 : index
    %swap3A_418 = tpu.vector_load %arg7[%swap3A_417] {strides = array<i32>} : memref<2048xf32, #tpu.memory_space<vmem>>, vector<16xf32>,
    %swap3A_419 = vector.shape_cast %swap3A_418 : vector<16xf32> to vector<16xf32>
    %swap3A_420 = vector.shape_cast %broadcast_in_dim3A_416 : vector<16xf32> to vector<16xf32>
    tpu.vector_store %arg7[%swap3A_417], %swap3A_420 {strides = array<i32>} : memref<2048xf32, #tpu.memory_space<vmem>>, vector<16xf32>,
    %broadcast_in_dim3A_421 = arith.constant 1.000000e+00 : f32
    %broadcast_in_dim3A_422 = vector.broadcast %broadcast_in_dim3A_421 : f32 to vector<16xf32>
    %swap3A_423 = arith.constant 1120 : index
    %swap3A_424 = tpu.vector_load %arg7[%swap3A_423] {strides = array<i32>} : memref<2048xf32, #tpu.memory_space<vmem>>, vector<16xf32>,
    %swap3A_425 = vector.shape_cast %swap3A_424 : vector<16xf32> to vector<16xf32>
    %swap3A_426 = vector.shape_cast %broadcast_in_dim3A_422 : vector<16xf32> to vector<16xf32>
    tpu.vector_store %arg7[%swap3A_423], %swap3A_426 {strides = array<i32>} : memref<2048xf32, #tpu.memory_space<vmem>>, vector<16xf32>,
    %broadcast_in_dim3A_427 = arith.constant 1.000000e+00 : f32
    %broadcast_in_dim3A_428 = vector.broadcast %broadcast_in_dim3A_427 : f32 to vector<16xf32>
    %swap3A_429 = arith.constant 1136 : index
    %swap3A_430 = tpu.vector_load %arg7[%swap3A_429] {strides = array<i32>} : memref<2048xf32, #tpu.memory_space<vmem>>, vector<16xf32>,
    %swap3A_431 = vector.shape_cast %swap3A_430 : vector<16xf32> to vector<16xf32>
    %swap3A_432 = vector.shape_cast %broadcast_in_dim3A_428 : vector<16xf32> to vector<16xf32>
    tpu.vector_store %arg7[%swap3A_429], %swap3A_432 {strides = array<i32>} : memref<2048xf32, #tpu.memory_space<vmem>>, vector<16xf32>,
    %broadcast_in_dim3A_433 = arith.constant 1.000000e+00 : f32
    %broadcast_in_dim3A_434 = vector.broadcast %broadcast_in_dim3A_433 : f32 to vector<16xf32>
    %swap3A_435 = arith.constant 1152 : index
    %swap3A_436 = tpu.vector_load %arg7[%swap3A_435] {strides = array<i32>} : memref<2048xf32, #tpu.memory_space<vmem>>, vector<16xf32>,
    %swap3A_437 = vector.shape_cast %swap3A_436 : vector<16xf32> to vector<16xf32>
    %swap3A_438 = vector.shape_cast %broadcast_in_dim3A_434 : vector<16xf32> to vector<16xf32>
    tpu.vector_store %arg7[%swap3A_435], %swap3A_438 {strides = array<i32>} : memref<2048xf32, #tpu.memory_space<vmem>>, vector<16xf32>,
    %broadcast_in_dim3A_439 = arith.constant 1.000000e+00 : f32
    %broadcast_in_dim3A_440 = vector.broadcast %broadcast_in_dim3A_439 : f32 to vector<16xf32>
    %swap3A_441 = arith.constant 1168 : index
    %swap3A_442 = tpu.vector_load %arg7[%swap3A_441] {strides = array<i32>} : memref<2048xf32, #tpu.memory_space<vmem>>, vector<16xf32>,
    %swap3A_443 = vector.shape_cast %swap3A_442 : vector<16xf32> to vector<16xf32>
    %swap3A_444 = vector.shape_cast %broadcast_in_dim3A_440 : vector<16xf32> to vector<16xf32>
    tpu.vector_store %arg7[%swap3A_441], %swap3A_444 {strides = array<i32>} : memref<2048xf32, #tpu.memory_space<vmem>>, vector<16xf32>,
    %broadcast_in_dim3A_445 = arith.constant 1.000000e+00 : f32
    %broadcast_in_dim3A_446 = vector.broadcast %broadcast_in_dim3A_445 : f32 to vector<16xf32>
    %swap3A_447 = arith.constant 1184 : index
    %swap3A_448 = tpu.vector_load %arg7[%swap3A_447] {strides = array<i32>} : memref<2048xf32, #tpu.memory_space<vmem>>, vector<16xf32>,
    %swap3A_449 = vector.shape_cast %swap3A_448 : vector<16xf32> to vector<16xf32>
    %swap3A_450 = vector.shape_cast %broadcast_in_dim3A_446 : vector<16xf32> to vector<16xf32>
    tpu.vector_store %arg7[%swap3A_447], %swap3A_450 {strides = array<i32>} : memref<2048xf32, #tpu.memory_space<vmem>>, vector<16xf32>,
    %broadcast_in_dim3A_451 = arith.constant 1.000000e+00 : f32
    %broadcast_in_dim3A_452 = vector.broadcast %broadcast_in_dim3A_451 : f32 to vector<16xf32>
    %swap3A_453 = arith.constant 1200 : index
    %swap3A_454 = tpu.vector_load %arg7[%swap3A_453] {strides = array<i32>} : memref<2048xf32, #tpu.memory_space<vmem>>, vector<16xf32>,
    %swap3A_455 = vector.shape_cast %swap3A_454 : vector<16xf32> to vector<16xf32>
    %swap3A_456 = vector.shape_cast %broadcast_in_dim3A_452 : vector<16xf32> to vector<16xf32>
    tpu.vector_store %arg7[%swap3A_453], %swap3A_456 {strides = array<i32>} : memref<2048xf32, #tpu.memory_space<vmem>>, vector<16xf32>,
    %broadcast_in_dim3A_457 = arith.constant 1.000000e+00 : f32
    %broadcast_in_dim3A_458 = vector.broadcast %broadcast_in_dim3A_457 : f32 to vector<16xf32>
    %swap3A_459 = arith.constant 1216 : index
    %swap3A_460 = tpu.vector_load %arg7[%swap3A_459] {strides = array<i32>} : memref<2048xf32, #tpu.memory_space<vmem>>, vector<16xf32>,
    %swap3A_461 = vector.shape_cast %swap3A_460 : vector<16xf32> to vector<16xf32>
    %swap3A_462 = vector.shape_cast %broadcast_in_dim3A_458 : vector<16xf32> to vector<16xf32>
    tpu.vector_store %arg7[%swap3A_459], %swap3A_462 {strides = array<i32>} : memref<2048xf32, #tpu.memory_space<vmem>>, vector<16xf32>,
    %broadcast_in_dim3A_463 = arith.constant 1.000000e+00 : f32
    %broadcast_in_dim3A_464 = vector.broadcast %broadcast_in_dim3A_463 : f32 to vector<16xf32>
    %swap3A_465 = arith.constant 1232 : index
    %swap3A_466 = tpu.vector_load %arg7[%swap3A_465] {strides = array<i32>} : memref<2048xf32, #tpu.memory_space<vmem>>, vector<16xf32>,
    %swap3A_467 = vector.shape_cast %swap3A_466 : vector<16xf32> to vector<16xf32>
    %swap3A_468 = vector.shape_cast %broadcast_in_dim3A_464 : vector<16xf32> to vector<16xf32>
    tpu.vector_store %arg7[%swap3A_465], %swap3A_468 {strides = array<i32>} : memref<2048xf32, #tpu.memory_space<vmem>>, vector<16xf32>,
    %broadcast_in_dim3A_469 = arith.constant 1.000000e+00 : f32
    %broadcast_in_dim3A_470 = vector.broadcast %broadcast_in_dim3A_469 : f32 to vector<16xf32>
    %swap3A_471 = arith.constant 1248 : index
    %swap3A_472 = tpu.vector_load %arg7[%swap3A_471] {strides = array<i32>} : memref<2048xf32, #tpu.memory_space<vmem>>, vector<16xf32>,
    %swap3A_473 = vector.shape_cast %swap3A_472 : vector<16xf32> to vector<16xf32>
    %swap3A_474 = vector.shape_cast %broadcast_in_dim3A_470 : vector<16xf32> to vector<16xf32>
    tpu.vector_store %arg7[%swap3A_471], %swap3A_474 {strides = array<i32>} : memref<2048xf32, #tpu.memory_space<vmem>>, vector<16xf32>,
    %broadcast_in_dim3A_475 = arith.constant 1.000000e+00 : f32
    %broadcast_in_dim3A_476 = vector.broadcast %broadcast_in_dim3A_475 : f32 to vector<16xf32>
    %swap3A_477 = arith.constant 1264 : index
    %swap3A_478 = tpu.vector_load %arg7[%swap3A_477] {strides = array<i32>} : memref<2048xf32, #tpu.memory_space<vmem>>, vector<16xf32>,
    %swap3A_479 = vector.shape_cast %swap3A_478 : vector<16xf32> to vector<16xf32>
    %swap3A_480 = vector.shape_cast %broadcast_in_dim3A_476 : vector<16xf32> to vector<16xf32>
    tpu.vector_store %arg7[%swap3A_477], %swap3A_480 {strides = array<i32>} : memref<2048xf32, #tpu.memory_space<vmem>>, vector<16xf32>,
    %broadcast_in_dim3A_481 = arith.constant 1.000000e+00 : f32
    %broadcast_in_dim3A_482 = vector.broadcast %broadcast_in_dim3A_481 : f32 to vector<16xf32>
    %swap3A_483 = arith.constant 1280 : index
    %swap3A_484 = tpu.vector_load %arg7[%swap3A_483] {strides = array<i32>} : memref<2048xf32, #tpu.memory_space<vmem>>, vector<16xf32>,
    %swap3A_485 = vector.shape_cast %swap3A_484 : vector<16xf32> to vector<16xf32>
    %swap3A_486 = vector.shape_cast %broadcast_in_dim3A_482 : vector<16xf32> to vector<16xf32>
    tpu.vector_store %arg7[%swap3A_483], %swap3A_486 {strides = array<i32>} : memref<2048xf32, #tpu.memory_space<vmem>>, vector<16xf32>,
    %broadcast_in_dim3A_487 = arith.constant 1.000000e+00 : f32
    %broadcast_in_dim3A_488 = vector.broadcast %broadcast_in_dim3A_487 : f32 to vector<16xf32>
    %swap3A_489 = arith.constant 1296 : index
    %swap3A_490 = tpu.vector_load %arg7[%swap3A_489] {strides = array<i32>} : memref<2048xf32, #tpu.memory_space<vmem>>, vector<16xf32>,
    %swap3A_491 = vector.shape_cast %swap3A_490 : vector<16xf32> to vector<16xf32>
    %swap3A_492 = vector.shape_cast %broadcast_in_dim3A_488 : vector<16xf32> to vector<16xf32>
    tpu.vector_store %arg7[%swap3A_489], %swap3A_492 {strides = array<i32>} : memref<2048xf32, #tpu.memory_space<vmem>>, vector<16xf32>,
    %broadcast_in_dim3A_493 = arith.constant 1.000000e+00 : f32
    %broadcast_in_dim3A_494 = vector.broadcast %broadcast_in_dim3A_493 : f32 to vector<16xf32>
    %swap3A_495 = arith.constant 1312 : index
    %swap3A_496 = tpu.vector_load %arg7[%swap3A_495] {strides = array<i32>} : memref<2048xf32, #tpu.memory_space<vmem>>, vector<16xf32>,
    %swap3A_497 = vector.shape_cast %swap3A_496 : vector<16xf32> to vector<16xf32>
    %swap3A_498 = vector.shape_cast %broadcast_in_dim3A_494 : vector<16xf32> to vector<16xf32>
    tpu.vector_store %arg7[%swap3A_495], %swap3A_498 {strides = array<i32>} : memref<2048xf32, #tpu.memory_space<vmem>>, vector<16xf32>,
    %broadcast_in_dim3A_499 = arith.constant 1.000000e+00 : f32
    %broadcast_in_dim3A_500 = vector.broadcast %broadcast_in_dim3A_499 : f32 to vector<16xf32>
    %swap3A_501 = arith.constant 1328 : index
    %swap3A_502 = tpu.vector_load %arg7[%swap3A_501] {strides = array<i32>} : memref<2048xf32, #tpu.memory_space<vmem>>, vector<16xf32>,
    %swap3A_503 = vector.shape_cast %swap3A_502 : vector<16xf32> to vector<16xf32>
    %swap3A_504 = vector.shape_cast %broadcast_in_dim3A_500 : vector<16xf32> to vector<16xf32>
    tpu.vector_store %arg7[%swap3A_501], %swap3A_504 {strides = array<i32>} : memref<2048xf32, #tpu.memory_space<vmem>>, vector<16xf32>,
    %broadcast_in_dim3A_505 = arith.constant 1.000000e+00 : f32
    %broadcast_in_dim3A_506 = vector.broadcast %broadcast_in_dim3A_505 : f32 to vector<16xf32>
    %swap3A_507 = arith.constant 1344 : index
    %swap3A_508 = tpu.vector_load %arg7[%swap3A_507] {strides = array<i32>} : memref<2048xf32, #tpu.memory_space<vmem>>, vector<16xf32>,
    %swap3A_509 = vector.shape_cast %swap3A_508 : vector<16xf32> to vector<16xf32>
    %swap3A_510 = vector.shape_cast %broadcast_in_dim3A_506 : vector<16xf32> to vector<16xf32>
    tpu.vector_store %arg7[%swap3A_507], %swap3A_510 {strides = array<i32>} : memref<2048xf32, #tpu.memory_space<vmem>>, vector<16xf32>,
    %broadcast_in_dim3A_511 = arith.constant 1.000000e+00 : f32
    %broadcast_in_dim3A_512 = vector.broadcast %broadcast_in_dim3A_511 : f32 to vector<16xf32>
    %swap3A_513 = arith.constant 1360 : index
    %swap3A_514 = tpu.vector_load %arg7[%swap3A_513] {strides = array<i32>} : memref<2048xf32, #tpu.memory_space<vmem>>, vector<16xf32>,
    %swap3A_515 = vector.shape_cast %swap3A_514 : vector<16xf32> to vector<16xf32>
    %swap3A_516 = vector.shape_cast %broadcast_in_dim3A_512 : vector<16xf32> to vector<16xf32>
    tpu.vector_store %arg7[%swap3A_513], %swap3A_516 {strides = array<i32>} : memref<2048xf32, #tpu.memory_space<vmem>>, vector<16xf32>,
    %broadcast_in_dim3A_517 = arith.constant 1.000000e+00 : f32
    %broadcast_in_dim3A_518 = vector.broadcast %broadcast_in_dim3A_517 : f32 to vector<16xf32>
    %swap3A_519 = arith.constant 1376 : index
    %swap3A_520 = tpu.vector_load %arg7[%swap3A_519] {strides = array<i32>} : memref<2048xf32, #tpu.memory_space<vmem>>, vector<16xf32>,
    %swap3A_521 = vector.shape_cast %swap3A_520 : vector<16xf32> to vector<16xf32>
    %swap3A_522 = vector.shape_cast %broadcast_in_dim3A_518 : vector<16xf32> to vector<16xf32>
    tpu.vector_store %arg7[%swap3A_519], %swap3A_522 {strides = array<i32>} : memref<2048xf32, #tpu.memory_space<vmem>>, vector<16xf32>,
    %broadcast_in_dim3A_523 = arith.constant 1.000000e+00 : f32
    %broadcast_in_dim3A_524 = vector.broadcast %broadcast_in_dim3A_523 : f32 to vector<16xf32>
    %swap3A_525 = arith.constant 1392 : index
    %swap3A_526 = tpu.vector_load %arg7[%swap3A_525] {strides = array<i32>} : memref<2048xf32, #tpu.memory_space<vmem>>, vector<16xf32>,
    %swap3A_527 = vector.shape_cast %swap3A_526 : vector<16xf32> to vector<16xf32>
    %swap3A_528 = vector.shape_cast %broadcast_in_dim3A_524 : vector<16xf32> to vector<16xf32>
    tpu.vector_store %arg7[%swap3A_525], %swap3A_528 {strides = array<i32>} : memref<2048xf32, #tpu.memory_space<vmem>>, vector<16xf32>,
    %broadcast_in_dim3A_529 = arith.constant 1.000000e+00 : f32
    %broadcast_in_dim3A_530 = vector.broadcast %broadcast_in_dim3A_529 : f32 to vector<16xf32>
    %swap3A_531 = arith.constant 1408 : index
    %swap3A_532 = tpu.vector_load %arg7[%swap3A_531] {strides = array<i32>} : memref<2048xf32, #tpu.memory_space<vmem>>, vector<16xf32>,
    %swap3A_533 = vector.shape_cast %swap3A_532 : vector<16xf32> to vector<16xf32>
    %swap3A_534 = vector.shape_cast %broadcast_in_dim3A_530 : vector<16xf32> to vector<16xf32>
    tpu.vector_store %arg7[%swap3A_531], %swap3A_534 {strides = array<i32>} : memref<2048xf32, #tpu.memory_space<vmem>>, vector<16xf32>,
    %broadcast_in_dim3A_535 = arith.constant 1.000000e+00 : f32
    %broadcast_in_dim3A_536 = vector.broadcast %broadcast_in_dim3A_535 : f32 to vector<16xf32>
    %swap3A_537 = arith.constant 1424 : index
    %swap3A_538 = tpu.vector_load %arg7[%swap3A_537] {strides = array<i32>} : memref<2048xf32, #tpu.memory_space<vmem>>, vector<16xf32>,
    %swap3A_539 = vector.shape_cast %swap3A_538 : vector<16xf32> to vector<16xf32>
    %swap3A_540 = vector.shape_cast %broadcast_in_dim3A_536 : vector<16xf32> to vector<16xf32>
    tpu.vector_store %arg7[%swap3A_537], %swap3A_540 {strides = array<i32>} : memref<2048xf32, #tpu.memory_space<vmem>>, vector<16xf32>,
    %broadcast_in_dim3A_541 = arith.constant 1.000000e+00 : f32
    %broadcast_in_dim3A_542 = vector.broadcast %broadcast_in_dim3A_541 : f32 to vector<16xf32>
    %swap3A_543 = arith.constant 1440 : index
    %swap3A_544 = tpu.vector_load %arg7[%swap3A_543] {strides = array<i32>} : memref<2048xf32, #tpu.memory_space<vmem>>, vector<16xf32>,
    %swap3A_545 = vector.shape_cast %swap3A_544 : vector<16xf32> to vector<16xf32>
    %swap3A_546 = vector.shape_cast %broadcast_in_dim3A_542 : vector<16xf32> to vector<16xf32>
    tpu.vector_store %arg7[%swap3A_543], %swap3A_546 {strides = array<i32>} : memref<2048xf32, #tpu.memory_space<vmem>>, vector<16xf32>,
    %broadcast_in_dim3A_547 = arith.constant 1.000000e+00 : f32
    %broadcast_in_dim3A_548 = vector.broadcast %broadcast_in_dim3A_547 : f32 to vector<16xf32>
    %swap3A_549 = arith.constant 1456 : index
    %swap3A_550 = tpu.vector_load %arg7[%swap3A_549] {strides = array<i32>} : memref<2048xf32, #tpu.memory_space<vmem>>, vector<16xf32>,
    %swap3A_551 = vector.shape_cast %swap3A_550 : vector<16xf32> to vector<16xf32>
    %swap3A_552 = vector.shape_cast %broadcast_in_dim3A_548 : vector<16xf32> to vector<16xf32>
    tpu.vector_store %arg7[%swap3A_549], %swap3A_552 {strides = array<i32>} : memref<2048xf32, #tpu.memory_space<vmem>>, vector<16xf32>,
    %broadcast_in_dim3A_553 = arith.constant 1.000000e+00 : f32
    %broadcast_in_dim3A_554 = vector.broadcast %broadcast_in_dim3A_553 : f32 to vector<16xf32>
    %swap3A_555 = arith.constant 1472 : index
    %swap3A_556 = tpu.vector_load %arg7[%swap3A_555] {strides = array<i32>} : memref<2048xf32, #tpu.memory_space<vmem>>, vector<16xf32>,
    %swap3A_557 = vector.shape_cast %swap3A_556 : vector<16xf32> to vector<16xf32>
    %swap3A_558 = vector.shape_cast %broadcast_in_dim3A_554 : vector<16xf32> to vector<16xf32>
    tpu.vector_store %arg7[%swap3A_555], %swap3A_558 {strides = array<i32>} : memref<2048xf32, #tpu.memory_space<vmem>>, vector<16xf32>,
    %broadcast_in_dim3A_559 = arith.constant 1.000000e+00 : f32
    %broadcast_in_dim3A_560 = vector.broadcast %broadcast_in_dim3A_559 : f32 to vector<16xf32>
    %swap3A_561 = arith.constant 1488 : index
    %swap3A_562 = tpu.vector_load %arg7[%swap3A_561] {strides = array<i32>} : memref<2048xf32, #tpu.memory_space<vmem>>, vector<16xf32>,
    %swap3A_563 = vector.shape_cast %swap3A_562 : vector<16xf32> to vector<16xf32>
    %swap3A_564 = vector.shape_cast %broadcast_in_dim3A_560 : vector<16xf32> to vector<16xf32>
    tpu.vector_store %arg7[%swap3A_561], %swap3A_564 {strides = array<i32>} : memref<2048xf32, #tpu.memory_space<vmem>>, vector<16xf32>,
    %broadcast_in_dim3A_565 = arith.constant 1.000000e+00 : f32
    %broadcast_in_dim3A_566 = vector.broadcast %broadcast_in_dim3A_565 : f32 to vector<16xf32>
    %swap3A_567 = arith.constant 1504 : index
    %swap3A_568 = tpu.vector_load %arg7[%swap3A_567] {strides = array<i32>} : memref<2048xf32, #tpu.memory_space<vmem>>, vector<16xf32>,
    %swap3A_569 = vector.shape_cast %swap3A_568 : vector<16xf32> to vector<16xf32>
    %swap3A_570 = vector.shape_cast %broadcast_in_dim3A_566 : vector<16xf32> to vector<16xf32>
    tpu.vector_store %arg7[%swap3A_567], %swap3A_570 {strides = array<i32>} : memref<2048xf32, #tpu.memory_space<vmem>>, vector<16xf32>,
    %broadcast_in_dim3A_571 = arith.constant 1.000000e+00 : f32
    %broadcast_in_dim3A_572 = vector.broadcast %broadcast_in_dim3A_571 : f32 to vector<16xf32>
    %swap3A_573 = arith.constant 1520 : index
    %swap3A_574 = tpu.vector_load %arg7[%swap3A_573] {strides = array<i32>} : memref<2048xf32, #tpu.memory_space<vmem>>, vector<16xf32>,
    %swap3A_575 = vector.shape_cast %swap3A_574 : vector<16xf32> to vector<16xf32>
    %swap3A_576 = vector.shape_cast %broadcast_in_dim3A_572 : vector<16xf32> to vector<16xf32>
    tpu.vector_store %arg7[%swap3A_573], %swap3A_576 {strides = array<i32>} : memref<2048xf32, #tpu.memory_space<vmem>>, vector<16xf32>,
    %broadcast_in_dim3A_577 = arith.constant 1.000000e+00 : f32
    %broadcast_in_dim3A_578 = vector.broadcast %broadcast_in_dim3A_577 : f32 to vector<16xf32>
    %swap3A_579 = arith.constant 1536 : index
    %swap3A_580 = tpu.vector_load %arg7[%swap3A_579] {strides = array<i32>} : memref<2048xf32, #tpu.memory_space<vmem>>, vector<16xf32>,
    %swap3A_581 = vector.shape_cast %swap3A_580 : vector<16xf32> to vector<16xf32>
    %swap3A_582 = vector.shape_cast %broadcast_in_dim3A_578 : vector<16xf32> to vector<16xf32>
    tpu.vector_store %arg7[%swap3A_579], %swap3A_582 {strides = array<i32>} : memref<2048xf32, #tpu.memory_space<vmem>>, vector<16xf32>,
    %broadcast_in_dim3A_583 = arith.constant 1.000000e+00 : f32
    %broadcast_in_dim3A_584 = vector.broadcast %broadcast_in_dim3A_583 : f32 to vector<16xf32>
    %swap3A_585 = arith.constant 1552 : index
    %swap3A_586 = tpu.vector_load %arg7[%swap3A_585] {strides = array<i32>} : memref<2048xf32, #tpu.memory_space<vmem>>, vector<16xf32>,
    %swap3A_587 = vector.shape_cast %swap3A_586 : vector<16xf32> to vector<16xf32>
    %swap3A_588 = vector.shape_cast %broadcast_in_dim3A_584 : vector<16xf32> to vector<16xf32>
    tpu.vector_store %arg7[%swap3A_585], %swap3A_588 {strides = array<i32>} : memref<2048xf32, #tpu.memory_space<vmem>>, vector<16xf32>,
    %broadcast_in_dim3A_589 = arith.constant 1.000000e+00 : f32
    %broadcast_in_dim3A_590 = vector.broadcast %broadcast_in_dim3A_589 : f32 to vector<16xf32>
    %swap3A_591 = arith.constant 1568 : index
    %swap3A_592 = tpu.vector_load %arg7[%swap3A_591] {strides = array<i32>} : memref<2048xf32, #tpu.memory_space<vmem>>, vector<16xf32>,
    %swap3A_593 = vector.shape_cast %swap3A_592 : vector<16xf32> to vector<16xf32>
    %swap3A_594 = vector.shape_cast %broadcast_in_dim3A_590 : vector<16xf32> to vector<16xf32>
    tpu.vector_store %arg7[%swap3A_591], %swap3A_594 {strides = array<i32>} : memref<2048xf32, #tpu.memory_space<vmem>>, vector<16xf32>,
    %broadcast_in_dim3A_595 = arith.constant 1.000000e+00 : f32
    %broadcast_in_dim3A_596 = vector.broadcast %broadcast_in_dim3A_595 : f32 to vector<16xf32>
    %swap3A_597 = arith.constant 1584 : index
    %swap3A_598 = tpu.vector_load %arg7[%swap3A_597] {strides = array<i32>} : memref<2048xf32, #tpu.memory_space<vmem>>, vector<16xf32>,
    %swap3A_599 = vector.shape_cast %swap3A_598 : vector<16xf32> to vector<16xf32>
    %swap3A_600 = vector.shape_cast %broadcast_in_dim3A_596 : vector<16xf32> to vector<16xf32>
    tpu.vector_store %arg7[%swap3A_597], %swap3A_600 {strides = array<i32>} : memref<2048xf32, #tpu.memory_space<vmem>>, vector<16xf32>,
    %broadcast_in_dim3A_601 = arith.constant 1.000000e+00 : f32
    %broadcast_in_dim3A_602 = vector.broadcast %broadcast_in_dim3A_601 : f32 to vector<16xf32>
    %swap3A_603 = arith.constant 1600 : index
    %swap3A_604 = tpu.vector_load %arg7[%swap3A_603] {strides = array<i32>} : memref<2048xf32, #tpu.memory_space<vmem>>, vector<16xf32>,
    %swap3A_605 = vector.shape_cast %swap3A_604 : vector<16xf32> to vector<16xf32>
    %swap3A_606 = vector.shape_cast %broadcast_in_dim3A_602 : vector<16xf32> to vector<16xf32>
    tpu.vector_store %arg7[%swap3A_603], %swap3A_606 {strides = array<i32>} : memref<2048xf32, #tpu.memory_space<vmem>>, vector<16xf32>,
    %broadcast_in_dim3A_607 = arith.constant 1.000000e+00 : f32
    %broadcast_in_dim3A_608 = vector.broadcast %broadcast_in_dim3A_607 : f32 to vector<16xf32>
    %swap3A_609 = arith.constant 1616 : index
    %swap3A_610 = tpu.vector_load %arg7[%swap3A_609] {strides = array<i32>} : memref<2048xf32, #tpu.memory_space<vmem>>, vector<16xf32>,
    %swap3A_611 = vector.shape_cast %swap3A_610 : vector<16xf32> to vector<16xf32>
    %swap3A_612 = vector.shape_cast %broadcast_in_dim3A_608 : vector<16xf32> to vector<16xf32>
    tpu.vector_store %arg7[%swap3A_609], %swap3A_612 {strides = array<i32>} : memref<2048xf32, #tpu.memory_space<vmem>>, vector<16xf32>,
    %broadcast_in_dim3A_613 = arith.constant 1.000000e+00 : f32
    %broadcast_in_dim3A_614 = vector.broadcast %broadcast_in_dim3A_613 : f32 to vector<16xf32>
    %swap3A_615 = arith.constant 1632 : index
    %swap3A_616 = tpu.vector_load %arg7[%swap3A_615] {strides = array<i32>} : memref<2048xf32, #tpu.memory_space<vmem>>, vector<16xf32>,
    %swap3A_617 = vector.shape_cast %swap3A_616 : vector<16xf32> to vector<16xf32>
    %swap3A_618 = vector.shape_cast %broadcast_in_dim3A_614 : vector<16xf32> to vector<16xf32>
    tpu.vector_store %arg7[%swap3A_615], %swap3A_618 {strides = array<i32>} : memref<2048xf32, #tpu.memory_space<vmem>>, vector<16xf32>,
    %broadcast_in_dim3A_619 = arith.constant 1.000000e+00 : f32
    %broadcast_in_dim3A_620 = vector.broadcast %broadcast_in_dim3A_619 : f32 to vector<16xf32>
    %swap3A_621 = arith.constant 1648 : index
    %swap3A_622 = tpu.vector_load %arg7[%swap3A_621] {strides = array<i32>} : memref<2048xf32, #tpu.memory_space<vmem>>, vector<16xf32>,
    %swap3A_623 = vector.shape_cast %swap3A_622 : vector<16xf32> to vector<16xf32>
    %swap3A_624 = vector.shape_cast %broadcast_in_dim3A_620 : vector<16xf32> to vector<16xf32>
    tpu.vector_store %arg7[%swap3A_621], %swap3A_624 {strides = array<i32>} : memref<2048xf32, #tpu.memory_space<vmem>>, vector<16xf32>,
    %broadcast_in_dim3A_625 = arith.constant 1.000000e+00 : f32
    %broadcast_in_dim3A_626 = vector.broadcast %broadcast_in_dim3A_625 : f32 to vector<16xf32>
    %swap3A_627 = arith.constant 1664 : index
    %swap3A_628 = tpu.vector_load %arg7[%swap3A_627] {strides = array<i32>} : memref<2048xf32, #tpu.memory_space<vmem>>, vector<16xf32>,
    %swap3A_629 = vector.shape_cast %swap3A_628 : vector<16xf32> to vector<16xf32>
    %swap3A_630 = vector.shape_cast %broadcast_in_dim3A_626 : vector<16xf32> to vector<16xf32>
    tpu.vector_store %arg7[%swap3A_627], %swap3A_630 {strides = array<i32>} : memref<2048xf32, #tpu.memory_space<vmem>>, vector<16xf32>,
    %broadcast_in_dim3A_631 = arith.constant 1.000000e+00 : f32
    %broadcast_in_dim3A_632 = vector.broadcast %broadcast_in_dim3A_631 : f32 to vector<16xf32>
    %swap3A_633 = arith.constant 1680 : index
    %swap3A_634 = tpu.vector_load %arg7[%swap3A_633] {strides = array<i32>} : memref<2048xf32, #tpu.memory_space<vmem>>, vector<16xf32>,
    %swap3A_635 = vector.shape_cast %swap3A_634 : vector<16xf32> to vector<16xf32>
    %swap3A_636 = vector.shape_cast %broadcast_in_dim3A_632 : vector<16xf32> to vector<16xf32>
    tpu.vector_store %arg7[%swap3A_633], %swap3A_636 {strides = array<i32>} : memref<2048xf32, #tpu.memory_space<vmem>>, vector<16xf32>,
    %broadcast_in_dim3A_637 = arith.constant 1.000000e+00 : f32
    %broadcast_in_dim3A_638 = vector.broadcast %broadcast_in_dim3A_637 : f32 to vector<16xf32>
    %swap3A_639 = arith.constant 1696 : index
    %swap3A_640 = tpu.vector_load %arg7[%swap3A_639] {strides = array<i32>} : memref<2048xf32, #tpu.memory_space<vmem>>, vector<16xf32>,
    %swap3A_641 = vector.shape_cast %swap3A_640 : vector<16xf32> to vector<16xf32>
    %swap3A_642 = vector.shape_cast %broadcast_in_dim3A_638 : vector<16xf32> to vector<16xf32>
    tpu.vector_store %arg7[%swap3A_639], %swap3A_642 {strides = array<i32>} : memref<2048xf32, #tpu.memory_space<vmem>>, vector<16xf32>,
    %broadcast_in_dim3A_643 = arith.constant 1.000000e+00 : f32
    %broadcast_in_dim3A_644 = vector.broadcast %broadcast_in_dim3A_643 : f32 to vector<16xf32>
    %swap3A_645 = arith.constant 1712 : index
    %swap3A_646 = tpu.vector_load %arg7[%swap3A_645] {strides = array<i32>} : memref<2048xf32, #tpu.memory_space<vmem>>, vector<16xf32>,
    %swap3A_647 = vector.shape_cast %swap3A_646 : vector<16xf32> to vector<16xf32>
    %swap3A_648 = vector.shape_cast %broadcast_in_dim3A_644 : vector<16xf32> to vector<16xf32>
    tpu.vector_store %arg7[%swap3A_645], %swap3A_648 {strides = array<i32>} : memref<2048xf32, #tpu.memory_space<vmem>>, vector<16xf32>,
    %broadcast_in_dim3A_649 = arith.constant 1.000000e+00 : f32
    %broadcast_in_dim3A_650 = vector.broadcast %broadcast_in_dim3A_649 : f32 to vector<16xf32>
    %swap3A_651 = arith.constant 1728 : index
    %swap3A_652 = tpu.vector_load %arg7[%swap3A_651] {strides = array<i32>} : memref<2048xf32, #tpu.memory_space<vmem>>, vector<16xf32>,
    %swap3A_653 = vector.shape_cast %swap3A_652 : vector<16xf32> to vector<16xf32>
    %swap3A_654 = vector.shape_cast %broadcast_in_dim3A_650 : vector<16xf32> to vector<16xf32>
    tpu.vector_store %arg7[%swap3A_651], %swap3A_654 {strides = array<i32>} : memref<2048xf32, #tpu.memory_space<vmem>>, vector<16xf32>,
    %broadcast_in_dim3A_655 = arith.constant 1.000000e+00 : f32
    %broadcast_in_dim3A_656 = vector.broadcast %broadcast_in_dim3A_655 : f32 to vector<16xf32>
    %swap3A_657 = arith.constant 1744 : index
    %swap3A_658 = tpu.vector_load %arg7[%swap3A_657] {strides = array<i32>} : memref<2048xf32, #tpu.memory_space<vmem>>, vector<16xf32>,
    %swap3A_659 = vector.shape_cast %swap3A_658 : vector<16xf32> to vector<16xf32>
    %swap3A_660 = vector.shape_cast %broadcast_in_dim3A_656 : vector<16xf32> to vector<16xf32>
    tpu.vector_store %arg7[%swap3A_657], %swap3A_660 {strides = array<i32>} : memref<2048xf32, #tpu.memory_space<vmem>>, vector<16xf32>,
    %broadcast_in_dim3A_661 = arith.constant 1.000000e+00 : f32
    %broadcast_in_dim3A_662 = vector.broadcast %broadcast_in_dim3A_661 : f32 to vector<16xf32>
    %swap3A_663 = arith.constant 1760 : index
    %swap3A_664 = tpu.vector_load %arg7[%swap3A_663] {strides = array<i32>} : memref<2048xf32, #tpu.memory_space<vmem>>, vector<16xf32>,
    %swap3A_665 = vector.shape_cast %swap3A_664 : vector<16xf32> to vector<16xf32>
    %swap3A_666 = vector.shape_cast %broadcast_in_dim3A_662 : vector<16xf32> to vector<16xf32>
    tpu.vector_store %arg7[%swap3A_663], %swap3A_666 {strides = array<i32>} : memref<2048xf32, #tpu.memory_space<vmem>>, vector<16xf32>,
    %broadcast_in_dim3A_667 = arith.constant 1.000000e+00 : f32
    %broadcast_in_dim3A_668 = vector.broadcast %broadcast_in_dim3A_667 : f32 to vector<16xf32>
    %swap3A_669 = arith.constant 1776 : index
    %swap3A_670 = tpu.vector_load %arg7[%swap3A_669] {strides = array<i32>} : memref<2048xf32, #tpu.memory_space<vmem>>, vector<16xf32>,
    %swap3A_671 = vector.shape_cast %swap3A_670 : vector<16xf32> to vector<16xf32>
    %swap3A_672 = vector.shape_cast %broadcast_in_dim3A_668 : vector<16xf32> to vector<16xf32>
    tpu.vector_store %arg7[%swap3A_669], %swap3A_672 {strides = array<i32>} : memref<2048xf32, #tpu.memory_space<vmem>>, vector<16xf32>,
    %broadcast_in_dim3A_673 = arith.constant 1.000000e+00 : f32
    %broadcast_in_dim3A_674 = vector.broadcast %broadcast_in_dim3A_673 : f32 to vector<16xf32>
    %swap3A_675 = arith.constant 1792 : index
    %swap3A_676 = tpu.vector_load %arg7[%swap3A_675] {strides = array<i32>} : memref<2048xf32, #tpu.memory_space<vmem>>, vector<16xf32>,
    %swap3A_677 = vector.shape_cast %swap3A_676 : vector<16xf32> to vector<16xf32>
    %swap3A_678 = vector.shape_cast %broadcast_in_dim3A_674 : vector<16xf32> to vector<16xf32>
    tpu.vector_store %arg7[%swap3A_675], %swap3A_678 {strides = array<i32>} : memref<2048xf32, #tpu.memory_space<vmem>>, vector<16xf32>,
    %broadcast_in_dim3A_679 = arith.constant 1.000000e+00 : f32
    %broadcast_in_dim3A_680 = vector.broadcast %broadcast_in_dim3A_679 : f32 to vector<16xf32>
    %swap3A_681 = arith.constant 1808 : index
    %swap3A_682 = tpu.vector_load %arg7[%swap3A_681] {strides = array<i32>} : memref<2048xf32, #tpu.memory_space<vmem>>, vector<16xf32>,
    %swap3A_683 = vector.shape_cast %swap3A_682 : vector<16xf32> to vector<16xf32>
    %swap3A_684 = vector.shape_cast %broadcast_in_dim3A_680 : vector<16xf32> to vector<16xf32>
    tpu.vector_store %arg7[%swap3A_681], %swap3A_684 {strides = array<i32>} : memref<2048xf32, #tpu.memory_space<vmem>>, vector<16xf32>,
    %broadcast_in_dim3A_685 = arith.constant 1.000000e+00 : f32
    %broadcast_in_dim3A_686 = vector.broadcast %broadcast_in_dim3A_685 : f32 to vector<16xf32>
    %swap3A_687 = arith.constant 1824 : index
    %swap3A_688 = tpu.vector_load %arg7[%swap3A_687] {strides = array<i32>} : memref<2048xf32, #tpu.memory_space<vmem>>, vector<16xf32>,
    %swap3A_689 = vector.shape_cast %swap3A_688 : vector<16xf32> to vector<16xf32>
    %swap3A_690 = vector.shape_cast %broadcast_in_dim3A_686 : vector<16xf32> to vector<16xf32>
    tpu.vector_store %arg7[%swap3A_687], %swap3A_690 {strides = array<i32>} : memref<2048xf32, #tpu.memory_space<vmem>>, vector<16xf32>,
    %broadcast_in_dim3A_691 = arith.constant 1.000000e+00 : f32
    %broadcast_in_dim3A_692 = vector.broadcast %broadcast_in_dim3A_691 : f32 to vector<16xf32>
    %swap3A_693 = arith.constant 1840 : index
    %swap3A_694 = tpu.vector_load %arg7[%swap3A_693] {strides = array<i32>} : memref<2048xf32, #tpu.memory_space<vmem>>, vector<16xf32>,
    %swap3A_695 = vector.shape_cast %swap3A_694 : vector<16xf32> to vector<16xf32>
    %swap3A_696 = vector.shape_cast %broadcast_in_dim3A_692 : vector<16xf32> to vector<16xf32>
    tpu.vector_store %arg7[%swap3A_693], %swap3A_696 {strides = array<i32>} : memref<2048xf32, #tpu.memory_space<vmem>>, vector<16xf32>,
    %broadcast_in_dim3A_697 = arith.constant 1.000000e+00 : f32
    %broadcast_in_dim3A_698 = vector.broadcast %broadcast_in_dim3A_697 : f32 to vector<16xf32>
    %swap3A_699 = arith.constant 1856 : index
    %swap3A_700 = tpu.vector_load %arg7[%swap3A_699] {strides = array<i32>} : memref<2048xf32, #tpu.memory_space<vmem>>, vector<16xf32>,
    %swap3A_701 = vector.shape_cast %swap3A_700 : vector<16xf32> to vector<16xf32>
    %swap3A_702 = vector.shape_cast %broadcast_in_dim3A_698 : vector<16xf32> to vector<16xf32>
    tpu.vector_store %arg7[%swap3A_699], %swap3A_702 {strides = array<i32>} : memref<2048xf32, #tpu.memory_space<vmem>>, vector<16xf32>,
    %broadcast_in_dim3A_703 = arith.constant 1.000000e+00 : f32
    %broadcast_in_dim3A_704 = vector.broadcast %broadcast_in_dim3A_703 : f32 to vector<16xf32>
    %swap3A_705 = arith.constant 1872 : index
    %swap3A_706 = tpu.vector_load %arg7[%swap3A_705] {strides = array<i32>} : memref<2048xf32, #tpu.memory_space<vmem>>, vector<16xf32>,
    %swap3A_707 = vector.shape_cast %swap3A_706 : vector<16xf32> to vector<16xf32>
    %swap3A_708 = vector.shape_cast %broadcast_in_dim3A_704 : vector<16xf32> to vector<16xf32>
    tpu.vector_store %arg7[%swap3A_705], %swap3A_708 {strides = array<i32>} : memref<2048xf32, #tpu.memory_space<vmem>>, vector<16xf32>,
    %broadcast_in_dim3A_709 = arith.constant 1.000000e+00 : f32
    %broadcast_in_dim3A_710 = vector.broadcast %broadcast_in_dim3A_709 : f32 to vector<16xf32>
    %swap3A_711 = arith.constant 1888 : index
    %swap3A_712 = tpu.vector_load %arg7[%swap3A_711] {strides = array<i32>} : memref<2048xf32, #tpu.memory_space<vmem>>, vector<16xf32>,
    %swap3A_713 = vector.shape_cast %swap3A_712 : vector<16xf32> to vector<16xf32>
    %swap3A_714 = vector.shape_cast %broadcast_in_dim3A_710 : vector<16xf32> to vector<16xf32>
    tpu.vector_store %arg7[%swap3A_711], %swap3A_714 {strides = array<i32>} : memref<2048xf32, #tpu.memory_space<vmem>>, vector<16xf32>,
    %broadcast_in_dim3A_715 = arith.constant 1.000000e+00 : f32
    %broadcast_in_dim3A_716 = vector.broadcast %broadcast_in_dim3A_715 : f32 to vector<16xf32>
    %swap3A_717 = arith.constant 1904 : index
    %swap3A_718 = tpu.vector_load %arg7[%swap3A_717] {strides = array<i32>} : memref<2048xf32, #tpu.memory_space<vmem>>, vector<16xf32>,
    %swap3A_719 = vector.shape_cast %swap3A_718 : vector<16xf32> to vector<16xf32>
    %swap3A_720 = vector.shape_cast %broadcast_in_dim3A_716 : vector<16xf32> to vector<16xf32>
    tpu.vector_store %arg7[%swap3A_717], %swap3A_720 {strides = array<i32>} : memref<2048xf32, #tpu.memory_space<vmem>>, vector<16xf32>,
    %broadcast_in_dim3A_721 = arith.constant 1.000000e+00 : f32
    %broadcast_in_dim3A_722 = vector.broadcast %broadcast_in_dim3A_721 : f32 to vector<16xf32>
    %swap3A_723 = arith.constant 1920 : index
    %swap3A_724 = tpu.vector_load %arg7[%swap3A_723] {strides = array<i32>} : memref<2048xf32, #tpu.memory_space<vmem>>, vector<16xf32>,
    %swap3A_725 = vector.shape_cast %swap3A_724 : vector<16xf32> to vector<16xf32>
    %swap3A_726 = vector.shape_cast %broadcast_in_dim3A_722 : vector<16xf32> to vector<16xf32>
    tpu.vector_store %arg7[%swap3A_723], %swap3A_726 {strides = array<i32>} : memref<2048xf32, #tpu.memory_space<vmem>>, vector<16xf32>,
    %broadcast_in_dim3A_727 = arith.constant 1.000000e+00 : f32
    %broadcast_in_dim3A_728 = vector.broadcast %broadcast_in_dim3A_727 : f32 to vector<16xf32>
    %swap3A_729 = arith.constant 1936 : index
    %swap3A_730 = tpu.vector_load %arg7[%swap3A_729] {strides = array<i32>} : memref<2048xf32, #tpu.memory_space<vmem>>, vector<16xf32>,
    %swap3A_731 = vector.shape_cast %swap3A_730 : vector<16xf32> to vector<16xf32>
    %swap3A_732 = vector.shape_cast %broadcast_in_dim3A_728 : vector<16xf32> to vector<16xf32>
    tpu.vector_store %arg7[%swap3A_729], %swap3A_732 {strides = array<i32>} : memref<2048xf32, #tpu.memory_space<vmem>>, vector<16xf32>,
    %broadcast_in_dim3A_733 = arith.constant 1.000000e+00 : f32
    %broadcast_in_dim3A_734 = vector.broadcast %broadcast_in_dim3A_733 : f32 to vector<16xf32>
    %swap3A_735 = arith.constant 1952 : index
    %swap3A_736 = tpu.vector_load %arg7[%swap3A_735] {strides = array<i32>} : memref<2048xf32, #tpu.memory_space<vmem>>, vector<16xf32>,
    %swap3A_737 = vector.shape_cast %swap3A_736 : vector<16xf32> to vector<16xf32>
    %swap3A_738 = vector.shape_cast %broadcast_in_dim3A_734 : vector<16xf32> to vector<16xf32>
    tpu.vector_store %arg7[%swap3A_735], %swap3A_738 {strides = array<i32>} : memref<2048xf32, #tpu.memory_space<vmem>>, vector<16xf32>,
    %broadcast_in_dim3A_739 = arith.constant 1.000000e+00 : f32
    %broadcast_in_dim3A_740 = vector.broadcast %broadcast_in_dim3A_739 : f32 to vector<16xf32>
    %swap3A_741 = arith.constant 1968 : index
    %swap3A_742 = tpu.vector_load %arg7[%swap3A_741] {strides = array<i32>} : memref<2048xf32, #tpu.memory_space<vmem>>, vector<16xf32>,
    %swap3A_743 = vector.shape_cast %swap3A_742 : vector<16xf32> to vector<16xf32>
    %swap3A_744 = vector.shape_cast %broadcast_in_dim3A_740 : vector<16xf32> to vector<16xf32>
    tpu.vector_store %arg7[%swap3A_741], %swap3A_744 {strides = array<i32>} : memref<2048xf32, #tpu.memory_space<vmem>>, vector<16xf32>,
    %broadcast_in_dim3A_745 = arith.constant 1.000000e+00 : f32
    %broadcast_in_dim3A_746 = vector.broadcast %broadcast_in_dim3A_745 : f32 to vector<16xf32>
    %swap3A_747 = arith.constant 1984 : index
    %swap3A_748 = tpu.vector_load %arg7[%swap3A_747] {strides = array<i32>} : memref<2048xf32, #tpu.memory_space<vmem>>, vector<16xf32>,
    %swap3A_749 = vector.shape_cast %swap3A_748 : vector<16xf32> to vector<16xf32>
    %swap3A_750 = vector.shape_cast %broadcast_in_dim3A_746 : vector<16xf32> to vector<16xf32>
    tpu.vector_store %arg7[%swap3A_747], %swap3A_750 {strides = array<i32>} : memref<2048xf32, #tpu.memory_space<vmem>>, vector<16xf32>,
    %broadcast_in_dim3A_751 = arith.constant 1.000000e+00 : f32
    %broadcast_in_dim3A_752 = vector.broadcast %broadcast_in_dim3A_751 : f32 to vector<16xf32>
    %swap3A_753 = arith.constant 2000 : index
    %swap3A_754 = tpu.vector_load %arg7[%swap3A_753] {strides = array<i32>} : memref<2048xf32, #tpu.memory_space<vmem>>, vector<16xf32>,
    %swap3A_755 = vector.shape_cast %swap3A_754 : vector<16xf32> to vector<16xf32>
    %swap3A_756 = vector.shape_cast %broadcast_in_dim3A_752 : vector<16xf32> to vector<16xf32>
    tpu.vector_store %arg7[%swap3A_753], %swap3A_756 {strides = array<i32>} : memref<2048xf32, #tpu.memory_space<vmem>>, vector<16xf32>,
    %broadcast_in_dim3A_757 = arith.constant 1.000000e+00 : f32
    %broadcast_in_dim3A_758 = vector.broadcast %broadcast_in_dim3A_757 : f32 to vector<16xf32>
    %swap3A_759 = arith.constant 2016 : index
    %swap3A_760 = tpu.vector_load %arg7[%swap3A_759] {strides = array<i32>} : memref<2048xf32, #tpu.memory_space<vmem>>, vector<16xf32>,
    %swap3A_761 = vector.shape_cast %swap3A_760 : vector<16xf32> to vector<16xf32>
    %swap3A_762 = vector.shape_cast %broadcast_in_dim3A_758 : vector<16xf32> to vector<16xf32>
    tpu.vector_store %arg7[%swap3A_759], %swap3A_762 {strides = array<i32>} : memref<2048xf32, #tpu.memory_space<vmem>>, vector<16xf32>,
    %broadcast_in_dim3A_763 = arith.constant 1.000000e+00 : f32
    %broadcast_in_dim3A_764 = vector.broadcast %broadcast_in_dim3A_763 : f32 to vector<16xf32>
    %swap3A_765 = arith.constant 2032 : index
    %swap3A_766 = tpu.vector_load %arg7[%swap3A_765] {strides = array<i32>} : memref<2048xf32, #tpu.memory_space<vmem>>, vector<16xf32>,
    %swap3A_767 = vector.shape_cast %swap3A_766 : vector<16xf32> to vector<16xf32>
    %swap3A_768 = vector.shape_cast %broadcast_in_dim3A_764 : vector<16xf32> to vector<16xf32>
    tpu.vector_store %arg7[%swap3A_765], %swap3A_768 {strides = array<i32>} : memref<2048xf32, #tpu.memory_space<vmem>>, vector<16xf32>,
    %barrier3A = arith.constant 0 : index
    tpu.barrier barrier_id(%barrier3A)
    %scan3A = arith.constant 0 : i32
    %scan3A_769 = arith.constant 0 : i32
    %scan3A_770 = arith.constant 49 : i32
    %scan3A_771 = arith.addi %scan3A_769, %scan3A_770 : i32
    %scan3A_772 = arith.constant 1 : i32
    scf.for %scan3A_780 = %scan3A_769 to %scan3A_771 step %scan3A_772  : i32 {
      "tpu.region"() ({
        %run_scoped3A_781 = tpu.sem_alloc : memref<!tpu.dma_semaphore, #tpu.memory_space<semaphore_mem>>
        %dma_start3A = arith.constant 0 : i32
        %dma_start3A_782 = arith.constant 0 : i32
        %dma_start3A_783 = tpu.memref_slice %arg2[%add3A, %scan3A_780, %dma_start3A, %dma_start3A_782] : memref<32x49x1x2048xi32, #tpu.memory_space<hbm>> -> memref<1x1x1x2048xi32, #tpu.memory_space<hbm>>
        %dma_start3A_784 = tpu.memref_squeeze %dma_start3A_783 : memref<1x1x1x2048xi32, #tpu.memory_space<hbm>> -> memref<1x2048xi32, #tpu.memory_space<hbm>>
        %dma_start3A_785 = arith.constant 0 : i32
        %dma_start3A_786 = arith.constant 0 : i32
        %dma_start3A_787 = tpu.memref_slice %arg2[%add3A, %scan3A_780, %dma_start3A_785, %dma_start3A_786] : memref<32x49x1x2048xi32, #tpu.memory_space<hbm>> -> memref<1x1x1x2048xi32, #tpu.memory_space<hbm>>
        %dma_start3A_788 = tpu.memref_squeeze %dma_start3A_787 : memref<1x1x1x2048xi32, #tpu.memory_space<hbm>> -> memref<1x2048xi32, #tpu.memory_space<hbm>>
        tpu.enqueue_dma source(%dma_start3A_788 : memref<1x2048xi32, #tpu.memory_space<hbm>>) target(%arg6 : memref<1x2048xi32, #tpu.memory_space<vmem>>) target_semaphore(%run_scoped3A_781 : memref<!tpu.dma_semaphore, #tpu.memory_space<semaphore_mem>>)
        %dma_wait3A = arith.constant 0 : i32
        %dma_wait3A_789 = arith.constant 0 : i32
        %dma_wait3A_790 = tpu.memref_slice %arg2[%add3A, %scan3A_780, %dma_wait3A, %dma_wait3A_789] : memref<32x49x1x2048xi32, #tpu.memory_space<hbm>> -> memref<1x1x1x2048xi32, #tpu.memory_space<hbm>>
        %dma_wait3A_791 = tpu.memref_squeeze %dma_wait3A_790 : memref<1x1x1x2048xi32, #tpu.memory_space<hbm>> -> memref<1x2048xi32, #tpu.memory_space<hbm>>
        %dma_wait3A_792 = arith.constant 0 : i32
        %dma_wait3A_793 = arith.constant 0 : i32
        %dma_wait3A_794 = tpu.memref_slice %arg2[%add3A, %scan3A_780, %dma_wait3A_792, %dma_wait3A_793] : memref<32x49x1x2048xi32, #tpu.memory_space<hbm>> -> memref<1x1x1x2048xi32, #tpu.memory_space<hbm>>
        %dma_wait3A_795 = tpu.memref_squeeze %dma_wait3A_794 : memref<1x1x1x2048xi32, #tpu.memory_space<hbm>> -> memref<1x2048xi32, #tpu.memory_space<hbm>>
        tpu.wait_dma2 semaphore(%run_scoped3A_781 : memref<!tpu.dma_semaphore, #tpu.memory_space<semaphore_mem>>) src(%dma_wait3A_795 : memref<1x2048xi32, #tpu.memory_space<hbm>>) dst(%arg6 : memref<1x2048xi32, #tpu.memory_space<vmem>>)
        tpu.yield
      }) : () -> ()
      %run_scoped3A = arith.constant 0 : i32
      "tpu.region"() ({
        %run_scoped3A_781 = tpu.sem_alloc : memref<!tpu.dma_semaphore, #tpu.memory_space<semaphore_mem>>
        %dma_start3A = arith.constant 0 : i32
        %dma_start3A_782 = tpu.memref_slice %arg6[%run_scoped3A, %dma_start3A] : memref<1x2048xi32, #tpu.memory_space<vmem>> -> memref<1x2048xi32, #tpu.memory_space<vmem>>
        %dma_start3A_783 = tpu.memref_squeeze %dma_start3A_782 : memref<1x2048xi32, #tpu.memory_space<vmem>> -> memref<2048xi32, #tpu.memory_space<vmem>>
        %dma_start3A_784 = arith.constant 0 : i32
        %dma_start3A_785 = tpu.memref_slice %arg5[%dma_start3A_784] : memref<100096xf32, #tpu.memory_space<vmem_shared>> -> memref<100096xf32, #tpu.memory_space<vmem_shared>>
        tpu.enqueue_indirect_dma source(%arg7 : memref<2048xf32, #tpu.memory_space<vmem>>) target(%dma_start3A_785 : memref<100096xf32, #tpu.memory_space<vmem_shared>>) offsets(%dma_start3A_783 : memref<2048xi32, #tpu.memory_space<vmem>>) semaphore(%run_scoped3A_781 : memref<!tpu.dma_semaphore, #tpu.memory_space<semaphore_mem>>) {add = true}
        %dma_wait3A = arith.constant 0 : i32
        %dma_wait3A_786 = tpu.memref_slice %arg6[%run_scoped3A, %dma_wait3A] : memref<1x2048xi32, #tpu.memory_space<vmem>> -> memref<1x2048xi32, #tpu.memory_space<vmem>>
        %dma_wait3A_787 = tpu.memref_squeeze %dma_wait3A_786 : memref<1x2048xi32, #tpu.memory_space<vmem>> -> memref<2048xi32, #tpu.memory_space<vmem>>
        %dma_wait3A_788 = arith.constant 0 : i32
        %dma_wait3A_789 = tpu.memref_slice %arg5[%dma_wait3A_788] : memref<100096xf32, #tpu.memory_space<vmem_shared>> -> memref<100096xf32, #tpu.memory_space<vmem_shared>>
        tpu.wait_indirect_dma semaphore(%run_scoped3A_781 : memref<!tpu.dma_semaphore, #tpu.memory_space<semaphore_mem>>) src(%arg7 : memref<2048xf32, #tpu.memory_space<vmem>>) dst(%dma_wait3A_789 : memref<100096xf32, #tpu.memory_space<vmem_shared>>)
        tpu.yield
      }) : () -> ()
    }
    %scan3A_773 = arith.constant 49 : i32
    %barrier3A_774 = arith.constant 0 : index
    tpu.barrier barrier_id(%barrier3A_774)
    "tpu.region"() ({
      %run_scoped3A = tpu.sem_alloc : memref<!tpu.dma_semaphore, #tpu.memory_space<semaphore_mem>>
      %dma_start3A = tpu.memref_slice %arg5[%mul3A_2] : memref<100096xf32, #tpu.memory_space<vmem_shared>> -> memref<6256xf32, #tpu.memory_space<vmem_shared>>
      %dma_start3A_780 = tpu.memref_slice %arg5[%mul3A_2] : memref<100096xf32, #tpu.memory_space<vmem_shared>> -> memref<6256xf32, #tpu.memory_space<vmem_shared>>
      tpu.enqueue_dma source(%dma_start3A_780 : memref<6256xf32, #tpu.memory_space<vmem_shared>>) target(%arg8 : memref<6256xf32, #tpu.memory_space<vmem>>) target_semaphore(%run_scoped3A : memref<!tpu.dma_semaphore, #tpu.memory_space<semaphore_mem>>)
      %dma_wait3A = tpu.memref_slice %arg5[%mul3A_2] : memref<100096xf32, #tpu.memory_space<vmem_shared>> -> memref<6256xf32, #tpu.memory_space<vmem_shared>>
      %dma_wait3A_781 = tpu.memref_slice %arg5[%mul3A_2] : memref<100096xf32, #tpu.memory_space<vmem_shared>> -> memref<6256xf32, #tpu.memory_space<vmem_shared>>
      tpu.wait_dma2 semaphore(%run_scoped3A : memref<!tpu.dma_semaphore, #tpu.memory_space<semaphore_mem>>) src(%dma_wait3A_781 : memref<6256xf32, #tpu.memory_space<vmem_shared>>) dst(%arg8 : memref<6256xf32, #tpu.memory_space<vmem>>)
      tpu.yield
    }) : () -> ()
    %mul3A_775 = arith.constant 100096 : i32
    %mul3A_776 = arith.muli %arg0, %mul3A_775 : i32
    %mul3A_777 = arith.constant 6256 : i32
    %mul3A_778 = arith.muli %arg1, %mul3A_777 : i32
    %add3A_779 = arith.addi %mul3A_776, %mul3A_778 : i32
    "tpu.region"() ({
      %run_scoped3A = tpu.sem_alloc : memref<!tpu.dma_semaphore, #tpu.memory_space<semaphore_mem>>
      %dma_start3A = tpu.memref_slice %arg4[%add3A_779] : memref<200192xf32, #tpu.memory_space<hbm>> -> memref<6256xf32, #tpu.memory_space<hbm>>
      %dma_start3A_780 = tpu.memref_slice %arg4[%add3A_779] : memref<200192xf32, #tpu.memory_space<hbm>> -> memref<6256xf32, #tpu.memory_space<hbm>>
      tpu.enqueue_dma source(%arg8 : memref<6256xf32, #tpu.memory_space<vmem>>) target(%dma_start3A_780 : memref<6256xf32, #tpu.memory_space<hbm>>) target_semaphore(%run_scoped3A : memref<!tpu.dma_semaphore, #tpu.memory_space<semaphore_mem>>)
      %dma_wait3A = tpu.memref_slice %arg4[%add3A_779] : memref<200192xf32, #tpu.memory_space<hbm>> -> memref<6256xf32, #tpu.memory_space<hbm>>
      %dma_wait3A_781 = tpu.memref_slice %arg4[%add3A_779] : memref<200192xf32, #tpu.memory_space<hbm>> -> memref<6256xf32, #tpu.memory_space<hbm>>
      tpu.wait_dma2 semaphore(%run_scoped3A : memref<!tpu.dma_semaphore, #tpu.memory_space<semaphore_mem>>) src(%arg8 : memref<6256xf32, #tpu.memory_space<vmem>>) dst(%dma_wait3A_781 : memref<6256xf32, #tpu.memory_space<hbm>>)
      tpu.yield
    }) : () -> ()
    return
  }
}

module attributes {stable_mosaic.version = 14 : i64} {
  func.func @_tc1_body(%arg0: memref<2x782x128xf32, #tpu.memory_space<vmem>>, %arg1: memref<782x128xf32, #tpu.memory_space<vmem>>, %arg2: memref<782x128xf32, #tpu.memory_space<vmem>>, %arg3: memref<782x128xf32, #tpu.memory_space<vmem>>, %arg4: memref<782x128xf32, #tpu.memory_space<vmem>>, %arg5: memref<782x128xf32, #tpu.memory_space<vmem>>) attributes {dimension_semantics = [], scalar_prefetch = 0 : i64, scratch_operands = 0 : i64, tpu.core_type = #tpu.core_type<tc>} {
    %get3A = arith.constant 0 : index
    %get3A_0 = arith.constant 0 : index
    %get3A_1 = arith.constant 0 : index
    %get3A_2 = vector.load %arg0[%get3A, %get3A_0, %get3A_1] : memref<2x782x128xf32, #tpu.memory_space<vmem>>, vector<1x782x128xf32>
    %get3A_3 = vector.shape_cast %get3A_2 : vector<1x782x128xf32> to vector<782x128xf32>
    %get3A_4 = arith.constant 1 : index
    %get3A_5 = arith.constant 0 : index
    %get3A_6 = arith.constant 0 : index
    %get3A_7 = vector.load %arg0[%get3A_4, %get3A_5, %get3A_6] : memref<2x782x128xf32, #tpu.memory_space<vmem>>, vector<1x782x128xf32>
    %get3A_8 = vector.shape_cast %get3A_7 : vector<1x782x128xf32> to vector<782x128xf32>
    %add3A = arith.addf %get3A_3, %get3A_8 : vector<782x128xf32>
    %add3A_9 = arith.constant 1.000000e+00 : f32
    %add3A_10 = vector.broadcast %add3A_9 : f32 to vector<782x128xf32>
    %add3A_11 = arith.addf %add3A, %add3A_10 : vector<782x128xf32>
    %rsqrt3A = math.rsqrt %add3A_11 : vector<782x128xf32>
    %swap3A = arith.constant 0 : index
    %swap3A_12 = arith.constant 0 : index
    %swap3A_13 = vector.load %arg3[%swap3A, %swap3A_12] : memref<782x128xf32, #tpu.memory_space<vmem>>, vector<782x128xf32>
    tpu.vector_store %arg3[%swap3A, %swap3A_12], %rsqrt3A {strides = array<i32>} : memref<782x128xf32, #tpu.memory_space<vmem>>, vector<782x128xf32>,
    %get3A_14 = arith.constant 0 : index
    %get3A_15 = arith.constant 0 : index
    %get3A_16 = vector.load %arg1[%get3A_14, %get3A_15] : memref<782x128xf32, #tpu.memory_space<vmem>>, vector<782x128xf32>
    %mul3A = arith.mulf %get3A_16, %rsqrt3A : vector<782x128xf32>
    %swap3A_17 = arith.constant 0 : index
    %swap3A_18 = arith.constant 0 : index
    %swap3A_19 = vector.load %arg4[%swap3A_17, %swap3A_18] : memref<782x128xf32, #tpu.memory_space<vmem>>, vector<782x128xf32>
    tpu.vector_store %arg4[%swap3A_17, %swap3A_18], %mul3A {strides = array<i32>} : memref<782x128xf32, #tpu.memory_space<vmem>>, vector<782x128xf32>,
    %get3A_20 = arith.constant 0 : index
    %get3A_21 = arith.constant 0 : index
    %get3A_22 = vector.load %arg2[%get3A_20, %get3A_21] : memref<782x128xf32, #tpu.memory_space<vmem>>, vector<782x128xf32>
    %mul3A_23 = arith.mulf %get3A_22, %rsqrt3A : vector<782x128xf32>
    %swap3A_24 = arith.constant 0 : index
    %swap3A_25 = arith.constant 0 : index
    %swap3A_26 = vector.load %arg5[%swap3A_24, %swap3A_25] : memref<782x128xf32, #tpu.memory_space<vmem>>, vector<782x128xf32>
    tpu.vector_store %arg5[%swap3A_24, %swap3A_25], %mul3A_23 {strides = array<i32>} : memref<782x128xf32, #tpu.memory_space<vmem>>, vector<782x128xf32>,
    return
  }
}

module attributes {stable_mosaic.version = 14 : i64} {
  func.func @_tc2_body(%arg0: memref<2x782x128xf32, #tpu.memory_space<vmem>>, %arg1: memref<2x782x128xf32, #tpu.memory_space<vmem>>, %arg2: memref<782x128xf32, #tpu.memory_space<vmem>>, %arg3: memref<782x128xf32, #tpu.memory_space<vmem>>, %arg4: memref<782x128xf32, #tpu.memory_space<vmem>>, %arg5: memref<2x16xf32, #tpu.memory_space<smem>>, %arg6: memref<16xf32, #tpu.memory_space<smem>>, %arg7: memref<16x1xf32, #tpu.memory_space<smem>>, %arg8: memref<782x128xf32, #tpu.memory_space<vmem>>) attributes {dimension_semantics = [], scalar_prefetch = 0 : i64, scratch_operands = 0 : i64, tpu.core_type = #tpu.core_type<tc>} {
    %get3A = arith.constant 0 : index
    %get3A_0 = arith.constant 0 : index
    %get3A_1 = vector.load %arg4[%get3A, %get3A_0] : memref<782x128xf32, #tpu.memory_space<vmem>>, vector<782x128xf32>
    %get3A_2 = arith.constant 0 : index
    %get3A_3 = arith.constant 0 : index
    %get3A_4 = arith.constant 0 : index
    %get3A_5 = vector.load %arg0[%get3A_2, %get3A_3, %get3A_4] : memref<2x782x128xf32, #tpu.memory_space<vmem>>, vector<1x782x128xf32>
    %get3A_6 = vector.shape_cast %get3A_5 : vector<1x782x128xf32> to vector<782x128xf32>
    %get3A_7 = arith.constant 1 : index
    %get3A_8 = arith.constant 0 : index
    %get3A_9 = arith.constant 0 : index
    %get3A_10 = vector.load %arg0[%get3A_7, %get3A_8, %get3A_9] : memref<2x782x128xf32, #tpu.memory_space<vmem>>, vector<1x782x128xf32>
    %get3A_11 = vector.shape_cast %get3A_10 : vector<1x782x128xf32> to vector<782x128xf32>
    %add3A = arith.addf %get3A_6, %get3A_11 : vector<782x128xf32>
    %get3A_12 = arith.constant 0 : index
    %get3A_13 = arith.constant 0 : index
    %get3A_14 = vector.load %arg2[%get3A_12, %get3A_13] : memref<782x128xf32, #tpu.memory_space<vmem>>, vector<782x128xf32>
    %add3A_15 = arith.addf %add3A, %get3A_14 : vector<782x128xf32>
    %mul3A = arith.mulf %add3A_15, %get3A_1 : vector<782x128xf32>
    %get3A_16 = arith.constant 0 : index
    %get3A_17 = arith.constant 0 : index
    %get3A_18 = arith.constant 0 : index
    %get3A_19 = vector.load %arg1[%get3A_16, %get3A_17, %get3A_18] : memref<2x782x128xf32, #tpu.memory_space<vmem>>, vector<1x782x128xf32>
    %get3A_20 = vector.shape_cast %get3A_19 : vector<1x782x128xf32> to vector<782x128xf32>
    %get3A_21 = arith.constant 1 : index
    %get3A_22 = arith.constant 0 : index
    %get3A_23 = arith.constant 0 : index
    %get3A_24 = vector.load %arg1[%get3A_21, %get3A_22, %get3A_23] : memref<2x782x128xf32, #tpu.memory_space<vmem>>, vector<1x782x128xf32>
    %get3A_25 = vector.shape_cast %get3A_24 : vector<1x782x128xf32> to vector<782x128xf32>
    %add3A_26 = arith.addf %get3A_20, %get3A_25 : vector<782x128xf32>
    %get3A_27 = arith.constant 0 : index
    %get3A_28 = arith.constant 0 : index
    %get3A_29 = vector.load %arg3[%get3A_27, %get3A_28] : memref<782x128xf32, #tpu.memory_space<vmem>>, vector<782x128xf32>
    %add3A_30 = arith.addf %add3A_26, %get3A_29 : vector<782x128xf32>
    %mul3A_31 = arith.mulf %add3A_30, %get3A_1 : vector<782x128xf32>
    %broadcast_in_dim3A = arith.constant 0.000000e+00 : f32
    %broadcast_in_dim3A_32 = vector.broadcast %broadcast_in_dim3A : f32 to vector<782x128xf32>
    %get3A_33 = arith.constant 0 : index
    %get3A_34 = arith.constant 0 : index
    %get3A_35 = memref.load %arg5[%get3A_33, %get3A_34] : memref<2x16xf32, #tpu.memory_space<smem>>
    %mul3A_36 = vector.broadcast %get3A_35 : f32 to vector<782x128xf32>
    %mul3A_37 = arith.mulf %mul3A, %mul3A_36 : vector<782x128xf32>
    %get3A_38 = arith.constant 1 : index
    %get3A_39 = arith.constant 0 : index
    %get3A_40 = memref.load %arg5[%get3A_38, %get3A_39] : memref<2x16xf32, #tpu.memory_space<smem>>
    %mul3A_41 = vector.broadcast %get3A_40 : f32 to vector<782x128xf32>
    %mul3A_42 = arith.mulf %mul3A_31, %mul3A_41 : vector<782x128xf32>
    %add3A_43 = arith.addf %mul3A_37, %mul3A_42 : vector<782x128xf32>
    %get3A_44 = arith.constant 0 : index
    %get3A_45 = memref.load %arg6[%get3A_44] : memref<16xf32, #tpu.memory_space<smem>>
    %add3A_46 = vector.broadcast %get3A_45 : f32 to vector<782x128xf32>
    %add3A_47 = arith.addf %add3A_43, %add3A_46 : vector<782x128xf32>
    %max3A = arith.constant 0.000000e+00 : f32
    %max3A_48 = vector.broadcast %max3A : f32 to vector<782x128xf32>
    %max3A_49 = arith.maximumf %add3A_47, %max3A_48 : vector<782x128xf32>
    %get3A_50 = arith.constant 0 : index
    %get3A_51 = arith.constant 0 : index
    %get3A_52 = memref.load %arg7[%get3A_50, %get3A_51] : memref<16x1xf32, #tpu.memory_space<smem>>
    %mul3A_53 = vector.broadcast %get3A_52 : f32 to vector<782x128xf32>
    %mul3A_54 = arith.mulf %max3A_49, %mul3A_53 : vector<782x128xf32>
    %add3A_55 = arith.addf %broadcast_in_dim3A_32, %mul3A_54 : vector<782x128xf32>
    %get3A_56 = arith.constant 0 : index
    %get3A_57 = arith.constant 1 : index
    %get3A_58 = memref.load %arg5[%get3A_56, %get3A_57] : memref<2x16xf32, #tpu.memory_space<smem>>
    %mul3A_59 = vector.broadcast %get3A_58 : f32 to vector<782x128xf32>
    %mul3A_60 = arith.mulf %mul3A, %mul3A_59 : vector<782x128xf32>
    %get3A_61 = arith.constant 1 : index
    %get3A_62 = arith.constant 1 : index
    %get3A_63 = memref.load %arg5[%get3A_61, %get3A_62] : memref<2x16xf32, #tpu.memory_space<smem>>
    %mul3A_64 = vector.broadcast %get3A_63 : f32 to vector<782x128xf32>
    %mul3A_65 = arith.mulf %mul3A_31, %mul3A_64 : vector<782x128xf32>
    %add3A_66 = arith.addf %mul3A_60, %mul3A_65 : vector<782x128xf32>
    %get3A_67 = arith.constant 1 : index
    %get3A_68 = memref.load %arg6[%get3A_67] : memref<16xf32, #tpu.memory_space<smem>>
    %add3A_69 = vector.broadcast %get3A_68 : f32 to vector<782x128xf32>
    %add3A_70 = arith.addf %add3A_66, %add3A_69 : vector<782x128xf32>
    %max3A_71 = arith.constant 0.000000e+00 : f32
    %max3A_72 = vector.broadcast %max3A_71 : f32 to vector<782x128xf32>
    %max3A_73 = arith.maximumf %add3A_70, %max3A_72 : vector<782x128xf32>
    %get3A_74 = arith.constant 1 : index
    %get3A_75 = arith.constant 0 : index
    %get3A_76 = memref.load %arg7[%get3A_74, %get3A_75] : memref<16x1xf32, #tpu.memory_space<smem>>
    %mul3A_77 = vector.broadcast %get3A_76 : f32 to vector<782x128xf32>
    %mul3A_78 = arith.mulf %max3A_73, %mul3A_77 : vector<782x128xf32>
    %add3A_79 = arith.addf %add3A_55, %mul3A_78 : vector<782x128xf32>
    %get3A_80 = arith.constant 0 : index
    %get3A_81 = arith.constant 2 : index
    %get3A_82 = memref.load %arg5[%get3A_80, %get3A_81] : memref<2x16xf32, #tpu.memory_space<smem>>
    %mul3A_83 = vector.broadcast %get3A_82 : f32 to vector<782x128xf32>
    %mul3A_84 = arith.mulf %mul3A, %mul3A_83 : vector<782x128xf32>
    %get3A_85 = arith.constant 1 : index
    %get3A_86 = arith.constant 2 : index
    %get3A_87 = memref.load %arg5[%get3A_85, %get3A_86] : memref<2x16xf32, #tpu.memory_space<smem>>
    %mul3A_88 = vector.broadcast %get3A_87 : f32 to vector<782x128xf32>
    %mul3A_89 = arith.mulf %mul3A_31, %mul3A_88 : vector<782x128xf32>
    %add3A_90 = arith.addf %mul3A_84, %mul3A_89 : vector<782x128xf32>
    %get3A_91 = arith.constant 2 : index
    %get3A_92 = memref.load %arg6[%get3A_91] : memref<16xf32, #tpu.memory_space<smem>>
    %add3A_93 = vector.broadcast %get3A_92 : f32 to vector<782x128xf32>
    %add3A_94 = arith.addf %add3A_90, %add3A_93 : vector<782x128xf32>
    %max3A_95 = arith.constant 0.000000e+00 : f32
    %max3A_96 = vector.broadcast %max3A_95 : f32 to vector<782x128xf32>
    %max3A_97 = arith.maximumf %add3A_94, %max3A_96 : vector<782x128xf32>
    %get3A_98 = arith.constant 2 : index
    %get3A_99 = arith.constant 0 : index
    %get3A_100 = memref.load %arg7[%get3A_98, %get3A_99] : memref<16x1xf32, #tpu.memory_space<smem>>
    %mul3A_101 = vector.broadcast %get3A_100 : f32 to vector<782x128xf32>
    %mul3A_102 = arith.mulf %max3A_97, %mul3A_101 : vector<782x128xf32>
    %add3A_103 = arith.addf %add3A_79, %mul3A_102 : vector<782x128xf32>
    %get3A_104 = arith.constant 0 : index
    %get3A_105 = arith.constant 3 : index
    %get3A_106 = memref.load %arg5[%get3A_104, %get3A_105] : memref<2x16xf32, #tpu.memory_space<smem>>
    %mul3A_107 = vector.broadcast %get3A_106 : f32 to vector<782x128xf32>
    %mul3A_108 = arith.mulf %mul3A, %mul3A_107 : vector<782x128xf32>
    %get3A_109 = arith.constant 1 : index
    %get3A_110 = arith.constant 3 : index
    %get3A_111 = memref.load %arg5[%get3A_109, %get3A_110] : memref<2x16xf32, #tpu.memory_space<smem>>
    %mul3A_112 = vector.broadcast %get3A_111 : f32 to vector<782x128xf32>
    %mul3A_113 = arith.mulf %mul3A_31, %mul3A_112 : vector<782x128xf32>
    %add3A_114 = arith.addf %mul3A_108, %mul3A_113 : vector<782x128xf32>
    %get3A_115 = arith.constant 3 : index
    %get3A_116 = memref.load %arg6[%get3A_115] : memref<16xf32, #tpu.memory_space<smem>>
    %add3A_117 = vector.broadcast %get3A_116 : f32 to vector<782x128xf32>
    %add3A_118 = arith.addf %add3A_114, %add3A_117 : vector<782x128xf32>
    %max3A_119 = arith.constant 0.000000e+00 : f32
    %max3A_120 = vector.broadcast %max3A_119 : f32 to vector<782x128xf32>
    %max3A_121 = arith.maximumf %add3A_118, %max3A_120 : vector<782x128xf32>
    %get3A_122 = arith.constant 3 : index
    %get3A_123 = arith.constant 0 : index
    %get3A_124 = memref.load %arg7[%get3A_122, %get3A_123] : memref<16x1xf32, #tpu.memory_space<smem>>
    %mul3A_125 = vector.broadcast %get3A_124 : f32 to vector<782x128xf32>
    %mul3A_126 = arith.mulf %max3A_121, %mul3A_125 : vector<782x128xf32>
    %add3A_127 = arith.addf %add3A_103, %mul3A_126 : vector<782x128xf32>
    %get3A_128 = arith.constant 0 : index
    %get3A_129 = arith.constant 4 : index
    %get3A_130 = memref.load %arg5[%get3A_128, %get3A_129] : memref<2x16xf32, #tpu.memory_space<smem>>
    %mul3A_131 = vector.broadcast %get3A_130 : f32 to vector<782x128xf32>
    %mul3A_132 = arith.mulf %mul3A, %mul3A_131 : vector<782x128xf32>
    %get3A_133 = arith.constant 1 : index
    %get3A_134 = arith.constant 4 : index
    %get3A_135 = memref.load %arg5[%get3A_133, %get3A_134] : memref<2x16xf32, #tpu.memory_space<smem>>
    %mul3A_136 = vector.broadcast %get3A_135 : f32 to vector<782x128xf32>
    %mul3A_137 = arith.mulf %mul3A_31, %mul3A_136 : vector<782x128xf32>
    %add3A_138 = arith.addf %mul3A_132, %mul3A_137 : vector<782x128xf32>
    %get3A_139 = arith.constant 4 : index
    %get3A_140 = memref.load %arg6[%get3A_139] : memref<16xf32, #tpu.memory_space<smem>>
    %add3A_141 = vector.broadcast %get3A_140 : f32 to vector<782x128xf32>
    %add3A_142 = arith.addf %add3A_138, %add3A_141 : vector<782x128xf32>
    %max3A_143 = arith.constant 0.000000e+00 : f32
    %max3A_144 = vector.broadcast %max3A_143 : f32 to vector<782x128xf32>
    %max3A_145 = arith.maximumf %add3A_142, %max3A_144 : vector<782x128xf32>
    %get3A_146 = arith.constant 4 : index
    %get3A_147 = arith.constant 0 : index
    %get3A_148 = memref.load %arg7[%get3A_146, %get3A_147] : memref<16x1xf32, #tpu.memory_space<smem>>
    %mul3A_149 = vector.broadcast %get3A_148 : f32 to vector<782x128xf32>
    %mul3A_150 = arith.mulf %max3A_145, %mul3A_149 : vector<782x128xf32>
    %add3A_151 = arith.addf %add3A_127, %mul3A_150 : vector<782x128xf32>
    %get3A_152 = arith.constant 0 : index
    %get3A_153 = arith.constant 5 : index
    %get3A_154 = memref.load %arg5[%get3A_152, %get3A_153] : memref<2x16xf32, #tpu.memory_space<smem>>
    %mul3A_155 = vector.broadcast %get3A_154 : f32 to vector<782x128xf32>
    %mul3A_156 = arith.mulf %mul3A, %mul3A_155 : vector<782x128xf32>
    %get3A_157 = arith.constant 1 : index
    %get3A_158 = arith.constant 5 : index
    %get3A_159 = memref.load %arg5[%get3A_157, %get3A_158] : memref<2x16xf32, #tpu.memory_space<smem>>
    %mul3A_160 = vector.broadcast %get3A_159 : f32 to vector<782x128xf32>
    %mul3A_161 = arith.mulf %mul3A_31, %mul3A_160 : vector<782x128xf32>
    %add3A_162 = arith.addf %mul3A_156, %mul3A_161 : vector<782x128xf32>
    %get3A_163 = arith.constant 5 : index
    %get3A_164 = memref.load %arg6[%get3A_163] : memref<16xf32, #tpu.memory_space<smem>>
    %add3A_165 = vector.broadcast %get3A_164 : f32 to vector<782x128xf32>
    %add3A_166 = arith.addf %add3A_162, %add3A_165 : vector<782x128xf32>
    %max3A_167 = arith.constant 0.000000e+00 : f32
    %max3A_168 = vector.broadcast %max3A_167 : f32 to vector<782x128xf32>
    %max3A_169 = arith.maximumf %add3A_166, %max3A_168 : vector<782x128xf32>
    %get3A_170 = arith.constant 5 : index
    %get3A_171 = arith.constant 0 : index
    %get3A_172 = memref.load %arg7[%get3A_170, %get3A_171] : memref<16x1xf32, #tpu.memory_space<smem>>
    %mul3A_173 = vector.broadcast %get3A_172 : f32 to vector<782x128xf32>
    %mul3A_174 = arith.mulf %max3A_169, %mul3A_173 : vector<782x128xf32>
    %add3A_175 = arith.addf %add3A_151, %mul3A_174 : vector<782x128xf32>
    %get3A_176 = arith.constant 0 : index
    %get3A_177 = arith.constant 6 : index
    %get3A_178 = memref.load %arg5[%get3A_176, %get3A_177] : memref<2x16xf32, #tpu.memory_space<smem>>
    %mul3A_179 = vector.broadcast %get3A_178 : f32 to vector<782x128xf32>
    %mul3A_180 = arith.mulf %mul3A, %mul3A_179 : vector<782x128xf32>
    %get3A_181 = arith.constant 1 : index
    %get3A_182 = arith.constant 6 : index
    %get3A_183 = memref.load %arg5[%get3A_181, %get3A_182] : memref<2x16xf32, #tpu.memory_space<smem>>
    %mul3A_184 = vector.broadcast %get3A_183 : f32 to vector<782x128xf32>
    %mul3A_185 = arith.mulf %mul3A_31, %mul3A_184 : vector<782x128xf32>
    %add3A_186 = arith.addf %mul3A_180, %mul3A_185 : vector<782x128xf32>
    %get3A_187 = arith.constant 6 : index
    %get3A_188 = memref.load %arg6[%get3A_187] : memref<16xf32, #tpu.memory_space<smem>>
    %add3A_189 = vector.broadcast %get3A_188 : f32 to vector<782x128xf32>
    %add3A_190 = arith.addf %add3A_186, %add3A_189 : vector<782x128xf32>
    %max3A_191 = arith.constant 0.000000e+00 : f32
    %max3A_192 = vector.broadcast %max3A_191 : f32 to vector<782x128xf32>
    %max3A_193 = arith.maximumf %add3A_190, %max3A_192 : vector<782x128xf32>
    %get3A_194 = arith.constant 6 : index
    %get3A_195 = arith.constant 0 : index
    %get3A_196 = memref.load %arg7[%get3A_194, %get3A_195] : memref<16x1xf32, #tpu.memory_space<smem>>
    %mul3A_197 = vector.broadcast %get3A_196 : f32 to vector<782x128xf32>
    %mul3A_198 = arith.mulf %max3A_193, %mul3A_197 : vector<782x128xf32>
    %add3A_199 = arith.addf %add3A_175, %mul3A_198 : vector<782x128xf32>
    %get3A_200 = arith.constant 0 : index
    %get3A_201 = arith.constant 7 : index
    %get3A_202 = memref.load %arg5[%get3A_200, %get3A_201] : memref<2x16xf32, #tpu.memory_space<smem>>
    %mul3A_203 = vector.broadcast %get3A_202 : f32 to vector<782x128xf32>
    %mul3A_204 = arith.mulf %mul3A, %mul3A_203 : vector<782x128xf32>
    %get3A_205 = arith.constant 1 : index
    %get3A_206 = arith.constant 7 : index
    %get3A_207 = memref.load %arg5[%get3A_205, %get3A_206] : memref<2x16xf32, #tpu.memory_space<smem>>
    %mul3A_208 = vector.broadcast %get3A_207 : f32 to vector<782x128xf32>
    %mul3A_209 = arith.mulf %mul3A_31, %mul3A_208 : vector<782x128xf32>
    %add3A_210 = arith.addf %mul3A_204, %mul3A_209 : vector<782x128xf32>
    %get3A_211 = arith.constant 7 : index
    %get3A_212 = memref.load %arg6[%get3A_211] : memref<16xf32, #tpu.memory_space<smem>>
    %add3A_213 = vector.broadcast %get3A_212 : f32 to vector<782x128xf32>
    %add3A_214 = arith.addf %add3A_210, %add3A_213 : vector<782x128xf32>
    %max3A_215 = arith.constant 0.000000e+00 : f32
    %max3A_216 = vector.broadcast %max3A_215 : f32 to vector<782x128xf32>
    %max3A_217 = arith.maximumf %add3A_214, %max3A_216 : vector<782x128xf32>
    %get3A_218 = arith.constant 7 : index
    %get3A_219 = arith.constant 0 : index
    %get3A_220 = memref.load %arg7[%get3A_218, %get3A_219] : memref<16x1xf32, #tpu.memory_space<smem>>
    %mul3A_221 = vector.broadcast %get3A_220 : f32 to vector<782x128xf32>
    %mul3A_222 = arith.mulf %max3A_217, %mul3A_221 : vector<782x128xf32>
    %add3A_223 = arith.addf %add3A_199, %mul3A_222 : vector<782x128xf32>
    %get3A_224 = arith.constant 0 : index
    %get3A_225 = arith.constant 8 : index
    %get3A_226 = memref.load %arg5[%get3A_224, %get3A_225] : memref<2x16xf32, #tpu.memory_space<smem>>
    %mul3A_227 = vector.broadcast %get3A_226 : f32 to vector<782x128xf32>
    %mul3A_228 = arith.mulf %mul3A, %mul3A_227 : vector<782x128xf32>
    %get3A_229 = arith.constant 1 : index
    %get3A_230 = arith.constant 8 : index
    %get3A_231 = memref.load %arg5[%get3A_229, %get3A_230] : memref<2x16xf32, #tpu.memory_space<smem>>
    %mul3A_232 = vector.broadcast %get3A_231 : f32 to vector<782x128xf32>
    %mul3A_233 = arith.mulf %mul3A_31, %mul3A_232 : vector<782x128xf32>
    %add3A_234 = arith.addf %mul3A_228, %mul3A_233 : vector<782x128xf32>
    %get3A_235 = arith.constant 8 : index
    %get3A_236 = memref.load %arg6[%get3A_235] : memref<16xf32, #tpu.memory_space<smem>>
    %add3A_237 = vector.broadcast %get3A_236 : f32 to vector<782x128xf32>
    %add3A_238 = arith.addf %add3A_234, %add3A_237 : vector<782x128xf32>
    %max3A_239 = arith.constant 0.000000e+00 : f32
    %max3A_240 = vector.broadcast %max3A_239 : f32 to vector<782x128xf32>
    %max3A_241 = arith.maximumf %add3A_238, %max3A_240 : vector<782x128xf32>
    %get3A_242 = arith.constant 8 : index
    %get3A_243 = arith.constant 0 : index
    %get3A_244 = memref.load %arg7[%get3A_242, %get3A_243] : memref<16x1xf32, #tpu.memory_space<smem>>
    %mul3A_245 = vector.broadcast %get3A_244 : f32 to vector<782x128xf32>
    %mul3A_246 = arith.mulf %max3A_241, %mul3A_245 : vector<782x128xf32>
    %add3A_247 = arith.addf %add3A_223, %mul3A_246 : vector<782x128xf32>
    %get3A_248 = arith.constant 0 : index
    %get3A_249 = arith.constant 9 : index
    %get3A_250 = memref.load %arg5[%get3A_248, %get3A_249] : memref<2x16xf32, #tpu.memory_space<smem>>
    %mul3A_251 = vector.broadcast %get3A_250 : f32 to vector<782x128xf32>
    %mul3A_252 = arith.mulf %mul3A, %mul3A_251 : vector<782x128xf32>
    %get3A_253 = arith.constant 1 : index
    %get3A_254 = arith.constant 9 : index
    %get3A_255 = memref.load %arg5[%get3A_253, %get3A_254] : memref<2x16xf32, #tpu.memory_space<smem>>
    %mul3A_256 = vector.broadcast %get3A_255 : f32 to vector<782x128xf32>
    %mul3A_257 = arith.mulf %mul3A_31, %mul3A_256 : vector<782x128xf32>
    %add3A_258 = arith.addf %mul3A_252, %mul3A_257 : vector<782x128xf32>
    %get3A_259 = arith.constant 9 : index
    %get3A_260 = memref.load %arg6[%get3A_259] : memref<16xf32, #tpu.memory_space<smem>>
    %add3A_261 = vector.broadcast %get3A_260 : f32 to vector<782x128xf32>
    %add3A_262 = arith.addf %add3A_258, %add3A_261 : vector<782x128xf32>
    %max3A_263 = arith.constant 0.000000e+00 : f32
    %max3A_264 = vector.broadcast %max3A_263 : f32 to vector<782x128xf32>
    %max3A_265 = arith.maximumf %add3A_262, %max3A_264 : vector<782x128xf32>
    %get3A_266 = arith.constant 9 : index
    %get3A_267 = arith.constant 0 : index
    %get3A_268 = memref.load %arg7[%get3A_266, %get3A_267] : memref<16x1xf32, #tpu.memory_space<smem>>
    %mul3A_269 = vector.broadcast %get3A_268 : f32 to vector<782x128xf32>
    %mul3A_270 = arith.mulf %max3A_265, %mul3A_269 : vector<782x128xf32>
    %add3A_271 = arith.addf %add3A_247, %mul3A_270 : vector<782x128xf32>
    %get3A_272 = arith.constant 0 : index
    %get3A_273 = arith.constant 10 : index
    %get3A_274 = memref.load %arg5[%get3A_272, %get3A_273] : memref<2x16xf32, #tpu.memory_space<smem>>
    %mul3A_275 = vector.broadcast %get3A_274 : f32 to vector<782x128xf32>
    %mul3A_276 = arith.mulf %mul3A, %mul3A_275 : vector<782x128xf32>
    %get3A_277 = arith.constant 1 : index
    %get3A_278 = arith.constant 10 : index
    %get3A_279 = memref.load %arg5[%get3A_277, %get3A_278] : memref<2x16xf32, #tpu.memory_space<smem>>
    %mul3A_280 = vector.broadcast %get3A_279 : f32 to vector<782x128xf32>
    %mul3A_281 = arith.mulf %mul3A_31, %mul3A_280 : vector<782x128xf32>
    %add3A_282 = arith.addf %mul3A_276, %mul3A_281 : vector<782x128xf32>
    %get3A_283 = arith.constant 10 : index
    %get3A_284 = memref.load %arg6[%get3A_283] : memref<16xf32, #tpu.memory_space<smem>>
    %add3A_285 = vector.broadcast %get3A_284 : f32 to vector<782x128xf32>
    %add3A_286 = arith.addf %add3A_282, %add3A_285 : vector<782x128xf32>
    %max3A_287 = arith.constant 0.000000e+00 : f32
    %max3A_288 = vector.broadcast %max3A_287 : f32 to vector<782x128xf32>
    %max3A_289 = arith.maximumf %add3A_286, %max3A_288 : vector<782x128xf32>
    %get3A_290 = arith.constant 10 : index
    %get3A_291 = arith.constant 0 : index
    %get3A_292 = memref.load %arg7[%get3A_290, %get3A_291] : memref<16x1xf32, #tpu.memory_space<smem>>
    %mul3A_293 = vector.broadcast %get3A_292 : f32 to vector<782x128xf32>
    %mul3A_294 = arith.mulf %max3A_289, %mul3A_293 : vector<782x128xf32>
    %add3A_295 = arith.addf %add3A_271, %mul3A_294 : vector<782x128xf32>
    %get3A_296 = arith.constant 0 : index
    %get3A_297 = arith.constant 11 : index
    %get3A_298 = memref.load %arg5[%get3A_296, %get3A_297] : memref<2x16xf32, #tpu.memory_space<smem>>
    %mul3A_299 = vector.broadcast %get3A_298 : f32 to vector<782x128xf32>
    %mul3A_300 = arith.mulf %mul3A, %mul3A_299 : vector<782x128xf32>
    %get3A_301 = arith.constant 1 : index
    %get3A_302 = arith.constant 11 : index
    %get3A_303 = memref.load %arg5[%get3A_301, %get3A_302] : memref<2x16xf32, #tpu.memory_space<smem>>
    %mul3A_304 = vector.broadcast %get3A_303 : f32 to vector<782x128xf32>
    %mul3A_305 = arith.mulf %mul3A_31, %mul3A_304 : vector<782x128xf32>
    %add3A_306 = arith.addf %mul3A_300, %mul3A_305 : vector<782x128xf32>
    %get3A_307 = arith.constant 11 : index
    %get3A_308 = memref.load %arg6[%get3A_307] : memref<16xf32, #tpu.memory_space<smem>>
    %add3A_309 = vector.broadcast %get3A_308 : f32 to vector<782x128xf32>
    %add3A_310 = arith.addf %add3A_306, %add3A_309 : vector<782x128xf32>
    %max3A_311 = arith.constant 0.000000e+00 : f32
    %max3A_312 = vector.broadcast %max3A_311 : f32 to vector<782x128xf32>
    %max3A_313 = arith.maximumf %add3A_310, %max3A_312 : vector<782x128xf32>
    %get3A_314 = arith.constant 11 : index
    %get3A_315 = arith.constant 0 : index
    %get3A_316 = memref.load %arg7[%get3A_314, %get3A_315] : memref<16x1xf32, #tpu.memory_space<smem>>
    %mul3A_317 = vector.broadcast %get3A_316 : f32 to vector<782x128xf32>
    %mul3A_318 = arith.mulf %max3A_313, %mul3A_317 : vector<782x128xf32>
    %add3A_319 = arith.addf %add3A_295, %mul3A_318 : vector<782x128xf32>
    %get3A_320 = arith.constant 0 : index
    %get3A_321 = arith.constant 12 : index
    %get3A_322 = memref.load %arg5[%get3A_320, %get3A_321] : memref<2x16xf32, #tpu.memory_space<smem>>
    %mul3A_323 = vector.broadcast %get3A_322 : f32 to vector<782x128xf32>
    %mul3A_324 = arith.mulf %mul3A, %mul3A_323 : vector<782x128xf32>
    %get3A_325 = arith.constant 1 : index
    %get3A_326 = arith.constant 12 : index
    %get3A_327 = memref.load %arg5[%get3A_325, %get3A_326] : memref<2x16xf32, #tpu.memory_space<smem>>
    %mul3A_328 = vector.broadcast %get3A_327 : f32 to vector<782x128xf32>
    %mul3A_329 = arith.mulf %mul3A_31, %mul3A_328 : vector<782x128xf32>
    %add3A_330 = arith.addf %mul3A_324, %mul3A_329 : vector<782x128xf32>
    %get3A_331 = arith.constant 12 : index
    %get3A_332 = memref.load %arg6[%get3A_331] : memref<16xf32, #tpu.memory_space<smem>>
    %add3A_333 = vector.broadcast %get3A_332 : f32 to vector<782x128xf32>
    %add3A_334 = arith.addf %add3A_330, %add3A_333 : vector<782x128xf32>
    %max3A_335 = arith.constant 0.000000e+00 : f32
    %max3A_336 = vector.broadcast %max3A_335 : f32 to vector<782x128xf32>
    %max3A_337 = arith.maximumf %add3A_334, %max3A_336 : vector<782x128xf32>
    %get3A_338 = arith.constant 12 : index
    %get3A_339 = arith.constant 0 : index
    %get3A_340 = memref.load %arg7[%get3A_338, %get3A_339] : memref<16x1xf32, #tpu.memory_space<smem>>
    %mul3A_341 = vector.broadcast %get3A_340 : f32 to vector<782x128xf32>
    %mul3A_342 = arith.mulf %max3A_337, %mul3A_341 : vector<782x128xf32>
    %add3A_343 = arith.addf %add3A_319, %mul3A_342 : vector<782x128xf32>
    %get3A_344 = arith.constant 0 : index
    %get3A_345 = arith.constant 13 : index
    %get3A_346 = memref.load %arg5[%get3A_344, %get3A_345] : memref<2x16xf32, #tpu.memory_space<smem>>
    %mul3A_347 = vector.broadcast %get3A_346 : f32 to vector<782x128xf32>
    %mul3A_348 = arith.mulf %mul3A, %mul3A_347 : vector<782x128xf32>
    %get3A_349 = arith.constant 1 : index
    %get3A_350 = arith.constant 13 : index
    %get3A_351 = memref.load %arg5[%get3A_349, %get3A_350] : memref<2x16xf32, #tpu.memory_space<smem>>
    %mul3A_352 = vector.broadcast %get3A_351 : f32 to vector<782x128xf32>
    %mul3A_353 = arith.mulf %mul3A_31, %mul3A_352 : vector<782x128xf32>
    %add3A_354 = arith.addf %mul3A_348, %mul3A_353 : vector<782x128xf32>
    %get3A_355 = arith.constant 13 : index
    %get3A_356 = memref.load %arg6[%get3A_355] : memref<16xf32, #tpu.memory_space<smem>>
    %add3A_357 = vector.broadcast %get3A_356 : f32 to vector<782x128xf32>
    %add3A_358 = arith.addf %add3A_354, %add3A_357 : vector<782x128xf32>
    %max3A_359 = arith.constant 0.000000e+00 : f32
    %max3A_360 = vector.broadcast %max3A_359 : f32 to vector<782x128xf32>
    %max3A_361 = arith.maximumf %add3A_358, %max3A_360 : vector<782x128xf32>
    %get3A_362 = arith.constant 13 : index
    %get3A_363 = arith.constant 0 : index
    %get3A_364 = memref.load %arg7[%get3A_362, %get3A_363] : memref<16x1xf32, #tpu.memory_space<smem>>
    %mul3A_365 = vector.broadcast %get3A_364 : f32 to vector<782x128xf32>
    %mul3A_366 = arith.mulf %max3A_361, %mul3A_365 : vector<782x128xf32>
    %add3A_367 = arith.addf %add3A_343, %mul3A_366 : vector<782x128xf32>
    %get3A_368 = arith.constant 0 : index
    %get3A_369 = arith.constant 14 : index
    %get3A_370 = memref.load %arg5[%get3A_368, %get3A_369] : memref<2x16xf32, #tpu.memory_space<smem>>
    %mul3A_371 = vector.broadcast %get3A_370 : f32 to vector<782x128xf32>
    %mul3A_372 = arith.mulf %mul3A, %mul3A_371 : vector<782x128xf32>
    %get3A_373 = arith.constant 1 : index
    %get3A_374 = arith.constant 14 : index
    %get3A_375 = memref.load %arg5[%get3A_373, %get3A_374] : memref<2x16xf32, #tpu.memory_space<smem>>
    %mul3A_376 = vector.broadcast %get3A_375 : f32 to vector<782x128xf32>
    %mul3A_377 = arith.mulf %mul3A_31, %mul3A_376 : vector<782x128xf32>
    %add3A_378 = arith.addf %mul3A_372, %mul3A_377 : vector<782x128xf32>
    %get3A_379 = arith.constant 14 : index
    %get3A_380 = memref.load %arg6[%get3A_379] : memref<16xf32, #tpu.memory_space<smem>>
    %add3A_381 = vector.broadcast %get3A_380 : f32 to vector<782x128xf32>
    %add3A_382 = arith.addf %add3A_378, %add3A_381 : vector<782x128xf32>
    %max3A_383 = arith.constant 0.000000e+00 : f32
    %max3A_384 = vector.broadcast %max3A_383 : f32 to vector<782x128xf32>
    %max3A_385 = arith.maximumf %add3A_382, %max3A_384 : vector<782x128xf32>
    %get3A_386 = arith.constant 14 : index
    %get3A_387 = arith.constant 0 : index
    %get3A_388 = memref.load %arg7[%get3A_386, %get3A_387] : memref<16x1xf32, #tpu.memory_space<smem>>
    %mul3A_389 = vector.broadcast %get3A_388 : f32 to vector<782x128xf32>
    %mul3A_390 = arith.mulf %max3A_385, %mul3A_389 : vector<782x128xf32>
    %add3A_391 = arith.addf %add3A_367, %mul3A_390 : vector<782x128xf32>
    %get3A_392 = arith.constant 0 : index
    %get3A_393 = arith.constant 15 : index
    %get3A_394 = memref.load %arg5[%get3A_392, %get3A_393] : memref<2x16xf32, #tpu.memory_space<smem>>
    %mul3A_395 = vector.broadcast %get3A_394 : f32 to vector<782x128xf32>
    %mul3A_396 = arith.mulf %mul3A, %mul3A_395 : vector<782x128xf32>
    %get3A_397 = arith.constant 1 : index
    %get3A_398 = arith.constant 15 : index
    %get3A_399 = memref.load %arg5[%get3A_397, %get3A_398] : memref<2x16xf32, #tpu.memory_space<smem>>
    %mul3A_400 = vector.broadcast %get3A_399 : f32 to vector<782x128xf32>
    %mul3A_401 = arith.mulf %mul3A_31, %mul3A_400 : vector<782x128xf32>
    %add3A_402 = arith.addf %mul3A_396, %mul3A_401 : vector<782x128xf32>
    %get3A_403 = arith.constant 15 : index
    %get3A_404 = memref.load %arg6[%get3A_403] : memref<16xf32, #tpu.memory_space<smem>>
    %add3A_405 = vector.broadcast %get3A_404 : f32 to vector<782x128xf32>
    %add3A_406 = arith.addf %add3A_402, %add3A_405 : vector<782x128xf32>
    %max3A_407 = arith.constant 0.000000e+00 : f32
    %max3A_408 = vector.broadcast %max3A_407 : f32 to vector<782x128xf32>
    %max3A_409 = arith.maximumf %add3A_406, %max3A_408 : vector<782x128xf32>
    %get3A_410 = arith.constant 15 : index
    %get3A_411 = arith.constant 0 : index
    %get3A_412 = memref.load %arg7[%get3A_410, %get3A_411] : memref<16x1xf32, #tpu.memory_space<smem>>
    %mul3A_413 = vector.broadcast %get3A_412 : f32 to vector<782x128xf32>
    %mul3A_414 = arith.mulf %max3A_409, %mul3A_413 : vector<782x128xf32>
    %add3A_415 = arith.addf %add3A_391, %mul3A_414 : vector<782x128xf32>
    %mul3A_416 = arith.mulf %add3A_415, %get3A_1 : vector<782x128xf32>
    %swap3A = arith.constant 0 : index
    %swap3A_417 = arith.constant 0 : index
    %swap3A_418 = vector.load %arg8[%swap3A, %swap3A_417] : memref<782x128xf32, #tpu.memory_space<vmem>>, vector<782x128xf32>
    tpu.vector_store %arg8[%swap3A, %swap3A_417], %mul3A_416 {strides = array<i32>} : memref<782x128xf32, #tpu.memory_space<vmem>>, vector<782x128xf32>,
    return
  }
}

module attributes {stable_mosaic.version = 14 : i64} {
  func.func @_tc3_body(%arg0: memref<2x782x128xf32, #tpu.memory_space<vmem>>, %arg1: memref<782x128xf32, #tpu.memory_space<vmem>>, %arg2: memref<782x128xf32, #tpu.memory_space<vmem>>, %arg3: memref<1xf32, #tpu.memory_space<smem>>, %arg4: memref<782x128xf32, #tpu.memory_space<vmem>>) attributes {dimension_semantics = [], scalar_prefetch = 0 : i64, scratch_operands = 0 : i64, tpu.core_type = #tpu.core_type<tc>} {
    %get3A = arith.constant 0 : index
    %get3A_0 = arith.constant 0 : index
    %get3A_1 = arith.constant 0 : index
    %get3A_2 = vector.load %arg0[%get3A, %get3A_0, %get3A_1] : memref<2x782x128xf32, #tpu.memory_space<vmem>>, vector<1x782x128xf32>
    %get3A_3 = vector.shape_cast %get3A_2 : vector<1x782x128xf32> to vector<782x128xf32>
    %get3A_4 = arith.constant 1 : index
    %get3A_5 = arith.constant 0 : index
    %get3A_6 = arith.constant 0 : index
    %get3A_7 = vector.load %arg0[%get3A_4, %get3A_5, %get3A_6] : memref<2x782x128xf32, #tpu.memory_space<vmem>>, vector<1x782x128xf32>
    %get3A_8 = vector.shape_cast %get3A_7 : vector<1x782x128xf32> to vector<782x128xf32>
    %add3A = arith.addf %get3A_3, %get3A_8 : vector<782x128xf32>
    %get3A_9 = arith.constant 0 : index
    %get3A_10 = arith.constant 0 : index
    %get3A_11 = vector.load %arg1[%get3A_9, %get3A_10] : memref<782x128xf32, #tpu.memory_space<vmem>>, vector<782x128xf32>
    %add3A_12 = arith.addf %add3A, %get3A_11 : vector<782x128xf32>
    %get3A_13 = arith.constant 0 : index
    %get3A_14 = arith.constant 0 : index
    %get3A_15 = vector.load %arg2[%get3A_13, %get3A_14] : memref<782x128xf32, #tpu.memory_space<vmem>>, vector<782x128xf32>
    %mul3A = arith.mulf %add3A_12, %get3A_15 : vector<782x128xf32>
    %get3A_16 = arith.constant 0 : index
    %get3A_17 = memref.load %arg3[%get3A_16] : memref<1xf32, #tpu.memory_space<smem>>
    %add3A_18 = vector.broadcast %get3A_17 : f32 to vector<782x128xf32>
    %add3A_19 = arith.addf %mul3A, %add3A_18 : vector<782x128xf32>
    %neg3A = arith.constant 0.000000e+00 : f32
    %neg3A_20 = vector.broadcast %neg3A : f32 to vector<782x128xf32>
    %neg3A_21 = arith.subf %neg3A_20, %add3A_19 : vector<782x128xf32>
    %exp3A = math.exp %neg3A_21 : vector<782x128xf32>
    %add3A_22 = arith.constant 1.000000e+00 : f32
    %add3A_23 = vector.broadcast %add3A_22 : f32 to vector<782x128xf32>
    %add3A_24 = arith.addf %add3A_23, %exp3A : vector<782x128xf32>
    %div3A = arith.constant 1.000000e+00 : f32
    %div3A_25 = vector.broadcast %div3A : f32 to vector<782x128xf32>
    %div3A_26 = arith.divf %div3A_25, %add3A_24 : vector<782x128xf32>
    %swap3A = arith.constant 0 : index
    %swap3A_27 = arith.constant 0 : index
    %swap3A_28 = vector.load %arg4[%swap3A, %swap3A_27] : memref<782x128xf32, #tpu.memory_space<vmem>>, vector<782x128xf32>
    tpu.vector_store %arg4[%swap3A, %swap3A_27], %div3A_26 {strides = array<i32>} : memref<782x128xf32, #tpu.memory_space<vmem>>, vector<782x128xf32>,
    return
  }
}

</mosaic_0001>

<sc_bundles>
// kernel: kernel.12.cloned.1.call-start
scs
__scs_entry_jumppad:
0x0: {  	(pc) =	sbr.rel $0x88, $3  }
0x1: {  	(tag) =	ssettag $0x0;
	lr =	simm.s32 $0x1  }
0x2: {  	[smem:$0x3F9B] =	sst lr;
	_ =	strace $0xD0000000  }
0x3: {  	_ = 	snop  }
0x4: {  	_ = 	snop  }
0x5: {  	_ = 	snop  }
0x6: {  	_ = 	snop  }
0x7: {  	_ = 	snop  }
__scs_overlays_trampoline_lowered:
0x8: {  	[smem:$0x3FAA] =	sst s0  }
0x9: {  	[smem:$0x3FAB] =	sst s1  }
0xa: {  	[smem:$0x3FAC] =	sst s2  }
0xb: {  	[smem:$0x3FAD] =	sst s3  }
0xc: {  	[smem:$0x3FAE] =	sst s4  }
0xd: {  	[smem:$0x3FAF] =	sst s5  }
0xe: {  	[smem:$0x3FB0] =	sst s6  }
0xf: {  	[smem:$0x3FB1] =	sst s7  }
0x10: {  	[smem:$0x3FB2] =	sst s8  }
0x11: {  	[smem:$0x3FB3] =	sst s9;
	s0 =	simm.s32 @!p0 $0x0  }
0x12: {  	s1 =	sld [smem:$0x3F99];
	s0 =	simm.s32 @p0 $0x1  }
0x13: {  	[smem:$0x3FB4] =	sst s0;
	s0 =	simm.s32 @!p1 $0x0  }
0x14: {  	s2 =	sld [smem:$0x3F98];
	s0 =	simm.s32 @p1 $0x1  }
0x15: {  	[smem:$0x3FB5] =	sst s0;
	s0 =	simm.s32 @!p2 $0x0  }
0x16: {  	s3 =	sld [smem:$0x3FDB];
	s0 =	simm.s32 @p2 $0x1  }
0x17: {  	s4 =	simm.s32 $0x1BF5;
	[smem:$0x3FB7] =	sst s0  }
0x18: {  	s0 =	sld [smem:$0x3F9A];
	_ =	swait.ge [sflag:s4], $0x0  }
0x19: {  	s7 =	sld [smem:$0x3F9B]  }
0x1a: {  	s8 =	sadd.s32 $0xFFFFE003, lr  }
0x1b: {  	s9 =	sadd.s32 $0xFFFFFEF7, lr;
	s5 =	simm.s32 $0xFFFFFFFF;
	p2 =	slt.u32 s8, $0xFFFFF086  }
0x1c: {  	p1 =	slt.u32 s9, $0xF7A;
	s5 =	simm.s32 @!p2 $0x0  }
0x1d: {  	s5 =	simm.s32 @p1 $0x1;
	p0 =	seq.s32 s7, s2  }
0x1e: {  	s7 =	smul.u32 @!p0 $0xF7A, s2;
	p2 =	seq.s32 @!p0 s5, $0x0  }
0x1f: {  	s9 =	smul.u32 $0xF7A, s1;
	s8 =	simm.s32 @!p0 $0x1BF5;
	p2 =	por !p2, p0  }
0x20: {  	[sflag:s8] =	ssyncset.s32 @!p0 $0xFFFFF086;
	s6 =	sadd.s32 @!p0 s3, s7;
	s7 =	simm.s32 @!p0 $0x108  }
0x21: {  	s3 =	sadd.s32 s3, s9;
	s6 =	sadd.s32 @!p0 $0x88, s6;
	s7 =	simm.s32 @p2 $0x1082  }
0x22: {  	[simem:s7], [sflag:s8] =	dma.local @!p0 [hbm:s6], $0xF7A  }
0x23: {  	s9 =	sor.u32 $0xD0000000, s2;
	s6 =	simm.s32 $0x108;
	_ =	swait.ge @!p0 [sflag:s8], $0x0  }
0x24: {  	s3 =	sadd.s32 $0x88, s3;
	s6 =	simm.s32 @!p1 $0x1082;
	[sflag:s4] =	ssyncset.s32 $0xFFFFF086  }
0x25: {  	[simem:s6], [sflag:s4] =	dma.local [hbm:s3], $0xF7A  }
0x26: {  	[smem:$0x3F9B] =	sst s1;
	(tag) =	ssettag s2;
	_ =	strace s9  }
0x27: {  	s1 =	sld [smem:$0x3FAB]  }
0x28: {  	s2 =	sld [smem:$0x3FAC]  }
0x29: {  	s4 =	sld [smem:$0x3FAE]  }
0x2a: {  	p0 =	seq.s32 s5, $0x0;
	s5 =	sld [smem:$0x3FAF]  }
0x2b: {  	s6 =	sld [smem:$0x3FB0]  }
0x2c: {  	s7 =	sld [smem:$0x3FB1]  }
0x2d: {  	s3 =	simm.s32 $0x108;
	s8 =	sld [smem:$0x3FB2]  }
0x2e: {  	s3 =	simm.s32 @!p0 $0x1082;
	s9 =	sld [smem:$0x3FB3]  }
0x2f: {  	lr =	sadd.s32 s0, s3;
	s0 =	sld [smem:$0x3FAA]  }
0x30: {  	s3 =	sld [smem:$0x3FAD]  }
0x31: {  	[smem:$0x3FB6] =	sst s10  }
0x32: {  	s10 =	sld [smem:$0x3FB4];
	_ =	sdelay $0x3  }
0x33: {  	p0 =	seq.s32 s10, $0x1;
	s10 =	sld [smem:$0x3FB6];
	_ =	sdelay $0x3  }
0x34: {  	[smem:$0x3FB6] =	sst s10  }
0x35: {  	s10 =	sld [smem:$0x3FB5];
	_ =	sdelay $0x3  }
0x36: {  	p1 =	seq.s32 s10, $0x1;
	s10 =	sld [smem:$0x3FB6];
	_ =	sdelay $0x3  }
0x37: {  	[smem:$0x3FB6] =	sst s10  }
0x38: {  	s10 =	sld [smem:$0x3FB7]  }
0x39: {  	_ = 	snop;
	(pc) =	sbr.ind lr, $3  }
0x3a: {  	_ = 	snop  }
0x3b: {  	_ = 	snop  }
0x3c: {  	p2 =	seq.s32 s10, $0x1;
	s10 =	sld [smem:$0x3FB6]  }
0x3d: {  	_ =	shalt  }
0x3e: {  	_ =	shalt  }
0x3f: {  	_ =	shalt  }
0x40: {  	_ =	shalt  }
0x41: {  	_ =	shalt  }
0x42: {  	_ =	shalt  }
0x43: {  	_ =	shalt  }
0x44: {  	_ =	shalt  }
0x45: {  	_ =	shalt  }
0x46: {  	_ =	shalt  }
0x47: {  	_ =	shalt  }
0x48: {  	_ =	shalt  }
0x49: {  	_ =	shalt  }
0x4a: {  	_ =	shalt  }
0x4b: {  	_ =	shalt  }
0x4c: {  	_ =	shalt  }
0x4d: {  	_ =	shalt  }
0x4e: {  	_ =	shalt  }
0x4f: {  	_ =	shalt  }
0x50: {  	_ =	shalt  }
0x51: {  	_ =	shalt  }
0x52: {  	_ =	shalt  }
0x53: {  	_ =	shalt  }
0x54: {  	_ =	shalt  }
0x55: {  	_ =	shalt  }
0x56: {  	_ =	shalt  }
0x57: {  	_ =	shalt  }
0x58: {  	_ =	shalt  }
0x59: {  	_ =	shalt  }
0x5a: {  	_ =	shalt  }
0x5b: {  	_ =	shalt  }
0x5c: {  	_ =	shalt  }
0x5d: {  	_ =	shalt  }
0x5e: {  	_ =	shalt  }
0x5f: {  	_ =	shalt  }
0x60: {  	_ =	shalt  }
0x61: {  	_ =	shalt  }
0x62: {  	_ =	shalt  }
0x63: {  	_ =	shalt  }
0x64: {  	_ =	shalt  }
0x65: {  	_ =	shalt  }
0x66: {  	_ =	shalt  }
0x67: {  	_ =	shalt  }
0x68: {  	_ =	shalt  }
0x69: {  	_ =	shalt  }
0x6a: {  	_ =	shalt  }
0x6b: {  	_ =	shalt  }
0x6c: {  	_ =	shalt  }
0x6d: {  	_ =	shalt  }
0x6e: {  	_ =	shalt  }
0x6f: {  	_ =	shalt  }
0x70: {  	_ =	shalt  }
0x71: {  	_ =	shalt  }
0x72: {  	_ =	shalt  }
0x73: {  	_ =	shalt  }
0x74: {  	_ =	shalt  }
0x75: {  	_ =	shalt  }
0x76: {  	_ =	shalt  }
0x77: {  	_ =	shalt  }
0x78: {  	_ =	shalt  }
0x79: {  	_ =	shalt  }
0x7a: {  	_ =	shalt  }
0x7b: {  	_ =	shalt  }
0x7c: {  	_ =	shalt  }
0x7d: {  	_ =	shalt  }
0x7e: {  	_ =	shalt  }
0x7f: {  	_ =	shalt  }
0x80: {  	_ =	shalt  }
0x81: {  	_ =	shalt  }
0x82: {  	_ =	shalt  }
0x83: {  	_ =	shalt  }
0x84: {  	_ =	shalt  }
0x85: {  	_ =	shalt  }
0x86: {  	_ =	shalt  }
0x87: {  	_ =	shalt  }
.Lfunc_end0:
.L_simem_size_0:
called_computation.1_lowered:
.L_overlay_start_0:
0x88: {  	s2 =	sld [smem:$0x3FD9]  }
0x89: {  	s3 =	sld [smem:$0x3FFE];
	_ =	sdelay $0x1  }
0x8a: {  	s1 =	srdreg.scid  }
0x8b: {  	s0 =	sand.u32 $0x1, s1  }
0x8c: {  	s17 =	sshll.u32 s0, $0xA;
	s2 =	sadd.s32 s3, s2  }
0x8d: {  	s2 =	sadd.s32 s2, s17  }
0x8e: {  	[smem:$0x3FC2] =	sst s2  }
0x8f: {  	_ = 	snop  }
0x90: {  	s2 =	sld [smem:$0x3FD0];
	(tm) =	ssettm $0x1  }
0x91: {  	s18 =	sld [smem:$0x3FFB];
	_ =	sdelay $0x3  }
0x92: {  	_ =	strace s18  }
0x93: {  	s3 =	sld [smem:$0x3FFC];
	_ =	sdelay $0x3  }
0x94: {  	_ =	strace s3  }
0x95: {  	s3 =	sld [smem:$0x3FFD];
	_ =	sdelay $0x3  }
0x96: {  	_ =	strace s3  }
0x97: {  	_ =	strace $0x8FFFFFFF  }
0x98: {  	s19 =	sld [smem:$0x3FDB];
	_ =	sdelay $0x1  }
0x99: {  	s4 =	simm.s32 $_scs_section_size  }
0x9a: {  	s5 =	simm.s32 $_size__tile_overlayer_lowered;
	s6 =	simm.s32 $_tile_overlayer_lowered  }
0x9b: {  	s22 =	simm.s32 $0x1BFF;
	s21 =	sshll.u32 s6, $0x1;
	s3 =	sadd.s32 s4, s19  }
0x9c: {  	s7 =	simm.s32 $0x0;
	s20 =	sshll.u32 s5, $0x1;
	s5 =	sadd.s32 s21, s3  }
0x9d: {  	[timem:s7], [sflag:s22] =	dma.local [hbm:s5], s20  }
0x9e: {  	_ =	swait.ge [sflag:s22], s20  }
0x9f: {  	s4 =	ssub.s32 $0x0, s20;
	[sflag:s22] =	ssyncset.done $0x0  }
0xa0: {  	[sflag:s22] =	ssyncadd.s32 s4;
	_ =	sdelay $0x1  }
0xa1: {  	s23 =	simm.s32 $0x1B8B  }
0xa2: {  	_ =	swait.ge [sflag:s23], $0x1  }
0xa3: {  	[sflag:s23] =	ssyncset.done $0x0  }
0xa4: {  	s25 =	simm.s32 $0x1B8E;
	s24 =	sld [smem:$0x3FFE];
	[sflag:s23] =	ssyncadd.s32 $0xFFFFFFFF  }
0xa5: {  	s26 =	simm.s32 $execute0_lowered;
	[smem:$0x3FD2] =	sst s25  }
0xa6: {  	s5 =	sshll.u32 s26, $0x1;
	_ =	strace $0x80000049;
	[dreg:$0x1] =	wrdreg $0xFFFFFFFF  }
0xa7: {  	s28 =	simm.s32 $_size_execute0_lowered;
	s3 =	sadd.s32 s3, s5;
	[dreg:$0x0] =	wrdreg $0x0  }
0xa8: {  	s5 =	sshll.u32 s28, $0x1;
	[dreg:$0x2] =	wrdreg s3  }
0xa9: {  	[dreg:$0x3] =	wrdreg s5  }
0xaa: {  	[dreg:$0x4] =	wrdreg $0xC0  }
0xab: {  	_ =	task [dreg:s7], $0x5FFFF  }
0xac: {  	[dreg:$0x1] =	wrdreg $0xFFFFFFFF  }
0xad: {  	[dreg:$0x0] =	wrdreg $0x60  }
0xae: {  	[dreg:$0x2] =	wrdreg s24  }
0xaf: {  	[dreg:$0x3] =	wrdreg s2  }
0xb0: {  	[dreg:$0x4] =	wrdreg $0x0  }
0xb1: {  	[dreg:$0x5] =	wrdreg $0x18700  }
0xb2: {  	[dreg:$0x6] =	wrdreg $0x30E00  }
0xb3: {  	[dreg:$0x7] =	wrdreg $0x49500  }
0xb4: {  	[dreg:$0x8] =	wrdreg $0x9  }
0xb5: {  	_ =	task.clear_ibuf [dreg:s7], $0x9FFFF;
	_ =	strace $0x90000049  }
0xb6: {  	s29 =	simm.s32 $0x9;
	_ =	strace $0x8000004B  }
0xb7: {  	_ =	swait.ge [sflag:s29], $0x1  }
0xb8: {  	[sflag:s29] =	ssyncadd.s32 $0xFFFFFFFF  }
0xb9: {  	_ =	strace $0x9000004B  }
0xba: {  	_ =	sfence  }
0xbb: {  	s30 =	sld [smem:$0x0];
	_ =	sdelay $0x2  }
0xbc: {  	s31 =	sshll.u32 s1, $0xD;
	s1 =	sshrl.u32 s1, $0x2  }
0xbd: {  	s3 =	sand.u32 $0x4000, s31;
	s1 =	sadd.s32 s1, s30  }
0xbe: {  	s0 =	sor.u32 s3, s0;
	s1 =	sshll.u32 s1, $0x11  }
0xbf: {  	s0 =	sor.u32 s1, s0  }
0xc0: {  	s0 =	sadd.s32 $0x8F2B, s0  }
0xc1: {  	[sflag:s0] =	ssyncadd.remote.s32 $0x1  }
0xc2: {  	_ =	sfence.sel $0xFFFF  }
0xc3: {  	[dreg:$0x0] =	wrdreg $0xFFFFFFFF;
	(pc) =	sbr.abs _section_cstart, $3  }
0xc4: {  	[dreg:$0x1] =	wrdreg $0xFFFFFFFF  }
0xc5: {  	_ =	task.clear_ibuf [dreg:s7], $0x2FFFF;
	_ =	strace $0x9FFFFFFF  }
0xc6: {  	(tm) =	ssettm $0x7FFFFFFF  }
0xc7: {  	_ =	shalt  }
tec
execute0_lowered:
.L_overlay_start_1:
0x0: {  	(tag) =	ssettag $0x1  }
0x1: {  	s7 =	rddreg [dreg:$0x0]  }
0x2: {  	s14 =	rddreg [dreg:$0x1]  }
0x3: {  	s1 =	rddreg [dreg:$0x2]  }
0x4: {  	s2 =	rddreg [dreg:$0x3]  }
0x5: {  	s3 =	srdreg.scid;
	s4 =	rddreg [dreg:$0x4]  }
0x6: {  	s0 =	stileid.u32;
	s5 =	rddreg [dreg:$0x5]  }
0x7: {  	s6 =	simm.s32 $0x0;
	s19 =	simm.s32 $0x81C0;
	s20 =	simm.s32 $0x1  }
0x8: {  	s21 =	simm.s32 $0x61C0;
	s22 =	simm.s32 $0x69C0;
	s9 =	smul.u32 $0x31000, s0  }
0x9: {  	s23 =	simm.s32 $0x800;
	s8 =	sand.u32 $0x1, s3;
	s13 =	smul.u32 $0x1870, s0  }
0xa: {  	s24 =	simm.s32 $0x71C0;
	s25 =	simm.s32 $0x79C0;
	s10 =	smul.u32 $0x18800, s8  }
0xb: {  	s26 =	simm.s32 $0x0;
	[smem:$0x7FF] =	sst s6;
	s28 =	smul.u32 $0x18700, s8  }
0xc: {  	_ =	strace $0x8000004A;
	s8 =	ssub.s32 $0x2, s8;
	s30 =	sshrl.u32 s13, $0x3  }
0xd: {  	s31 =	sshrl.u32 s8, $0x1;
	s12 =	sadd.s32 s13, s4;
	s9 =	sadd.s32 s10, s9  }
0xe: {  	s29 =	sadd.s32 s13, s28;
	s11 =	sadd.s32 s30, s7;
	s17 =	ssub.s32 s8, s31  }
0xf: {  	s8 =	sadd.s32 s13, s1;
	s10 =	sadd.s32 s13, s2;
	s9 =	sshrl.u32 s9, $0x3  }
0x10: {  	s13 =	sadd.s32 s13, s5;
	s15 =	sshrl.u32 s29, $0x3;
	s18 =	sadd.s32 s9, s7  }
0x11: {  	s16 =	sadd.s32 s15, s7;
	s7 =	sadd.s32 $0xC9800, s11;
	s9 =	sadd.s32 $0xCCA00, s11  }
0x12: {  	s11 =	sadd.s32 $0x64600, s11;
	s14 =	sadd.s32 s14, s15;
	s15 =	sadd.s32 $0xCFC00, s16  }
0x13: {  	s16 =	smax.u32 s17, $0x1;
	s17 =	sadd.s32 $0x2600, s18;
	s18 =	sadd.s32 $0x67800, s18  }
.LBB2_1:
0x14: {  	[tilespmem:s19], [sflag:$0x1] =	stream.linear.gather [hbm4b:s7+s6], $0x1870, $0x38;
	[tilespmem:$0x9A40] =	vst v63  }
0x15: {  	_ =	swait.ge [sflag:s20], $0x1870  }
0x16: {  	[sflag:s20] =	ssyncset.done $0x0  }
0x17: {  	[sflag:s20] =	ssyncadd.s32 $0xFFFFE790  }
0x18: {  	[spmem:s8] =	stream.linear.scatter [tilespmem:s19], [sflag:$0x1], $0x1870, $0x38;
	[tilespmem:$0x9A40] =	vst v63  }
0x19: {  	_ =	swait.ge [sflag:s20], $0x1870  }
0x1a: {  	[sflag:s20] =	ssyncset.done $0x0  }
0x1b: {  	[sflag:s20] =	ssyncadd.s32 $0xFFFFE790  }
0x1c: {  	[tilespmem:s19], [sflag:$0x1] =	stream.linear.gather [hbm4b:s9+s6], $0x1870, $0x38;
	[tilespmem:$0x9A40] =	vst v63  }
0x1d: {  	_ =	swait.ge [sflag:s20], $0x1870  }
0x1e: {  	[sflag:s20] =	ssyncset.done $0x0  }
0x1f: {  	[sflag:s20] =	ssyncadd.s32 $0xFFFFE790  }
0x20: {  	[spmem:s10] =	stream.linear.scatter [tilespmem:s19], [sflag:$0x1], $0x1870, $0x38;
	[tilespmem:$0x9A40] =	vst v63  }
0x21: {  	_ =	swait.ge [sflag:s20], $0x1870  }
0x22: {  	[sflag:s20] =	ssyncset.done $0x0  }
0x23: {  	[sflag:s20] =	ssyncadd.s32 $0xFFFFE790  }
0x24: {  	[tilespmem:s19], [sflag:$0x1] =	stream.linear.gather [hbm4b:s11+s6], $0x1870, $0x38;
	[tilespmem:$0x9A40] =	vst v63  }
0x25: {  	_ =	swait.ge [sflag:s20], $0x1870  }
0x26: {  	[sflag:s20] =	ssyncset.done $0x0  }
0x27: {  	[sflag:s20] =	ssyncadd.s32 $0xFFFFE790  }
0x28: {  	[spmem:s12] =	stream.linear.scatter [tilespmem:s19], [sflag:$0x1], $0x1870, $0x38;
	[tilespmem:$0x9A40] =	vst v63  }
0x29: {  	_ =	swait.ge [sflag:s20], $0x1870  }
0x2a: {  	[sflag:s20] =	ssyncset.done $0x0  }
0x2b: {  	[sflag:s20] =	ssyncadd.s32 $0xFFFFE790  }
0x2c: {  	[spmem:s13] =	stream.linear.scatter [tilespmem:s19], [sflag:$0x1], $0x1870, $0x38;
	[tilespmem:$0x9A40] =	vst v63  }
0x2d: {  	_ =	swait.ge [sflag:s20], $0x1870  }
0x2e: {  	[sflag:s20] =	ssyncset.done $0x0  }
0x2f: {  	[sflag:s20] =	ssyncadd.s32 $0xFFFFE790  }
0x30: {  	s28 =	sadd.s32 $0x0, s18;
	[bflag:$0x0] =	sbarrier.arrive $0xFFFF  }
0x31: {  	[tilespmem:s21], [sflag:$0x1] =	stream.linear.gather [hbm4b:s28+s6], $0x800, $0x38;
	[tilespmem:$0x9A40] =	vst v63  }
0x32: {  	_ =	swait.ge [sflag:s20], $0x800  }
0x33: {  	[sflag:s20] =	ssyncset.done $0x0  }
0x34: {  	s28 =	sadd.s32 $0x0, s17;
	[sflag:s20] =	ssyncadd.s32 $0xFFFFF800  }
0x35: {  	[tilespmem:s22], [sflag:$0x1] =	stream.linear.gather [hbm4b:s28+s6], $0x800, $0x38;
	[tilespmem:$0x9A40] =	vst v63  }
0x36: {  	_ =	swait.ge [sflag:s20], $0x800  }
0x37: {  	[sflag:s20] =	ssyncset.done $0x0  }
0x38: {  	[sflag:s20] =	ssyncadd.s32 $0xFFFFF800  }
0x39: {  	[tilespmem:s24], [sflag:$0x1] =	stream.indirect.gather [spmem:s1], $0x1, s21, s23, $0xb8;
	[tilespmem:$0x9A40] =	vst v63  }
0x3a: {  	_ =	swait.ge [sflag:s20], $0x800  }
0x3b: {  	[sflag:s20] =	ssyncset.done $0x0  }
0x3c: {  	[sflag:s20] =	ssyncadd.s32 $0xFFFFF800  }
0x3d: {  	[tilespmem:s25], [sflag:$0x1] =	stream.indirect.gather [spmem:s2], $0x1, s21, s23, $0xb8;
	[tilespmem:$0x9A40] =	vst v63  }
0x3e: {  	_ =	swait.ge [sflag:s20], $0x800  }
0x3f: {  	[sflag:s20] =	ssyncset.done $0x0  }
0x40: {  	[sflag:s20] =	ssyncadd.s32 $0xFFFFF800  }
0x41: {  	[spmem:s4] =	stream.indirect.scatter.add.f32 [tilespmem:s24], [sflag:$0x1], $0x1, s22, s23, $0xb8;
	[tilespmem:$0x9A40] =	vst v63  }
0x42: {  	_ =	swait.ge [sflag:s20], $0x800  }
0x43: {  	[sflag:s20] =	ssyncset.done $0x0  }
0x44: {  	[sflag:s20] =	ssyncadd.s32 $0xFFFFF800  }
0x45: {  	[spmem:s5] =	stream.indirect.scatter.add.f32 [tilespmem:s25], [sflag:$0x1], $0x1, s22, s23, $0xb8;
	[tilespmem:$0x9A40] =	vst v63  }
0x46: {  	_ =	swait.ge [sflag:s20], $0x800  }
0x47: {  	s29 =	simm.s32 $0x200;
	s28 =	simm.s32 $0x100;
	[sflag:s20] =	ssyncset.done $0x0  }
.LBB2_2:
0x48: {  	s30 =	sadd.s32 s28, s18  }
0x49: {  	[sflag:s20] =	ssyncadd.s32 $0xFFFFF800;
	s31 =	smov.u32 s29;
	s3 =	sadd.s32 $0x100, s29  }
0x4a: {  	[tilespmem:s21], [sflag:$0x1] =	stream.linear.gather [hbm4b:s30+s6], $0x800, $0x38;
	[tilespmem:$0x9A40] =	vst v63  }
0x4b: {  	p0 =	sne.s32 s29, $0x3000;
	_ =	swait.ge [sflag:s20], $0x800  }
0x4c: {  	[sflag:s20] =	ssyncset.done $0x0  }
0x4d: {  	s29 =	sadd.s32 s28, s17;
	s28 =	smov.u32 s31;
	[sflag:s20] =	ssyncadd.s32 $0xFFFFF800  }
0x4e: {  	[tilespmem:s22], [sflag:$0x1] =	stream.linear.gather [hbm4b:s29+s6], $0x800, $0x38;
	[tilespmem:$0x9A40] =	vst v63  }
0x4f: {  	_ =	swait.ge [sflag:s20], $0x800  }
0x50: {  	[sflag:s20] =	ssyncset.done $0x0  }
0x51: {  	[sflag:s20] =	ssyncadd.s32 $0xFFFFF800  }
0x52: {  	[tilespmem:s24], [sflag:$0x1] =	stream.indirect.gather [spmem:s1], $0x1, s21, s23, $0xb8;
	[tilespmem:$0x9A40] =	vst v63  }
0x53: {  	_ =	swait.ge [sflag:s20], $0x800  }
0x54: {  	[sflag:s20] =	ssyncset.done $0x0  }
0x55: {  	[sflag:s20] =	ssyncadd.s32 $0xFFFFF800  }
0x56: {  	[tilespmem:s25], [sflag:$0x1] =	stream.indirect.gather [spmem:s2], $0x1, s21, s23, $0xb8;
	[tilespmem:$0x9A40] =	vst v63  }
0x57: {  	_ =	swait.ge [sflag:s20], $0x800  }
0x58: {  	[sflag:s20] =	ssyncset.done $0x0  }
0x59: {  	[sflag:s20] =	ssyncadd.s32 $0xFFFFF800  }
0x5a: {  	[spmem:s4] =	stream.indirect.scatter.add.f32 [tilespmem:s24], [sflag:$0x1], $0x1, s22, s23, $0xb8;
	[tilespmem:$0x9A40] =	vst v63  }
0x5b: {  	_ =	swait.ge [sflag:s20], $0x800  }
.Ltmp0:
0x5c: {  	[sflag:s20] =	ssyncset.done $0x0;
	(pc) =	sbr.rel @p0 .LBB2_2-.Ltmp0, $4  }
0x5d: {  	[sflag:s20] =	ssyncadd.s32 $0xFFFFF800  }
0x5e: {  	[spmem:s5] =	stream.indirect.scatter.add.f32 [tilespmem:s25], [sflag:$0x1], $0x1, s22, s23, $0xb8;
	[tilespmem:$0x9A40] =	vst v63  }
0x5f: {  	_ =	swait.ge [sflag:s20], $0x800  }
0x60: {  	s29 =	smov.u32 s3;
	[sflag:s20] =	ssyncset.done $0x0  }
0x61: {  	s3 =	sadd.s32 s28, s18;
	[sflag:s20] =	ssyncadd.s32 $0xFFFFF800  }
0x62: {  	[tilespmem:s21], [sflag:$0x1] =	stream.linear.gather [hbm4b:s3+s6], $0x800, $0x38;
	[tilespmem:$0x9A40] =	vst v63  }
0x63: {  	_ =	swait.ge [sflag:s20], $0x800  }
0x64: {  	[sflag:s20] =	ssyncset.done $0x0  }
0x65: {  	s31 =	sadd.s32 s28, s17;
	[sflag:s20] =	ssyncadd.s32 $0xFFFFF800  }
0x66: {  	[tilespmem:s22], [sflag:$0x1] =	stream.linear.gather [hbm4b:s31+s6], $0x800, $0x38;
	[tilespmem:$0x9A40] =	vst v63  }
0x67: {  	_ =	swait.ge [sflag:s20], $0x800  }
0x68: {  	[sflag:s20] =	ssyncset.done $0x0  }
0x69: {  	[sflag:s20] =	ssyncadd.s32 $0xFFFFF800  }
0x6a: {  	[tilespmem:s24], [sflag:$0x1] =	stream.indirect.gather [spmem:s1], $0x1, s21, s23, $0xb8;
	[tilespmem:$0x9A40] =	vst v63  }
0x6b: {  	_ =	swait.ge [sflag:s20], $0x800  }
0x6c: {  	[sflag:s20] =	ssyncset.done $0x0  }
0x6d: {  	[sflag:s20] =	ssyncadd.s32 $0xFFFFF800  }
0x6e: {  	[tilespmem:s25], [sflag:$0x1] =	stream.indirect.gather [spmem:s2], $0x1, s21, s23, $0xb8;
	[tilespmem:$0x9A40] =	vst v63  }
0x6f: {  	_ =	swait.ge [sflag:s20], $0x800  }
0x70: {  	[sflag:s20] =	ssyncset.done $0x0  }
0x71: {  	[sflag:s20] =	ssyncadd.s32 $0xFFFFF800  }
0x72: {  	[spmem:s4] =	stream.indirect.scatter.add.f32 [tilespmem:s24], [sflag:$0x1], $0x1, s22, s23, $0xb8;
	[tilespmem:$0x9A40] =	vst v63  }
0x73: {  	_ =	swait.ge [sflag:s20], $0x800  }
0x74: {  	[sflag:s20] =	ssyncset.done $0x0  }
0x75: {  	[sflag:s20] =	ssyncadd.s32 $0xFFFFF800  }
0x76: {  	[spmem:s5] =	stream.indirect.scatter.add.f32 [tilespmem:s25], [sflag:$0x1], $0x1, s22, s23, $0xb8;
	[tilespmem:$0x9A40] =	vst v63  }
0x77: {  	_ =	swait.ge [sflag:s20], $0x800  }
0x78: {  	[sflag:s20] =	ssyncset.done $0x0  }
0x79: {  	[sflag:s20] =	ssyncadd.s32 $0xFFFFF800  }
0x7a: {  	[bflag:$0x0] =	sbarrier.arrive $0xFFFF  }
0x7b: {  	[tilespmem:s19], [sflag:$0x1] =	stream.linear.gather [spmem:s12], $0x1870, $0x38;
	[tilespmem:$0x9A40] =	vst v63  }
0x7c: {  	_ =	swait.ge [sflag:s20], $0x1870  }
0x7d: {  	[sflag:s20] =	ssyncset.done $0x0  }
0x7e: {  	[sflag:s20] =	ssyncadd.s32 $0xFFFFE790  }
0x7f: {  	[hbm4b:s14+s6] =	stream.linear.scatter [tilespmem:s19], [sflag:$0x1], $0x1870, $0x38;
	[tilespmem:$0x9A40] =	vst v63  }
0x80: {  	_ =	swait.ge [sflag:s20], $0x1870  }
0x81: {  	[sflag:s20] =	ssyncset.done $0x0  }
0x82: {  	[sflag:s20] =	ssyncadd.s32 $0xFFFFE790  }
0x83: {  	[tilespmem:s19], [sflag:$0x1] =	stream.linear.gather [spmem:s13], $0x1870, $0x38;
	[tilespmem:$0x9A40] =	vst v63  }
0x84: {  	s26 =	sadd.s32 $0x1, s26;
	_ =	swait.ge [sflag:s20], $0x1870  }
0x85: {  	p0 =	sne.s32 s26, s16;
	[sflag:s20] =	ssyncset.done $0x0  }
.Ltmp1:
0x86: {  	[sflag:s20] =	ssyncadd.s32 $0xFFFFE790;
	(pc) =	sbr.rel @p0 .LBB2_1-.Ltmp1, $4  }
0x87: {  	[hbm4b:s15+s6] =	stream.linear.scatter [tilespmem:s19], [sflag:$0x1], $0x1870, $0x38;
	[tilespmem:$0x9A40] =	vst v63  }
0x88: {  	_ =	swait.ge [sflag:s20], $0x1870  }
0x89: {  	[sflag:s20] =	ssyncset.done $0x0  }
0x8a: {  	[sflag:s20] =	ssyncadd.s32 $0xFFFFE790  }
0x8b: {  	_ =	sfence.sel $0x180000  }
0x8c: {  	[bflag:$0x0] =	sbarrier.arrive $0xFFFF  }
0x8d: {  	_ =	strace $0x9000004A  }
0x8e: {  	[bflag:$0x2] =	sbarrier.arrive $0xFFFF  }
0x8f: {  	p0 =	sne.s32 s0, $0x0;
	s0 =	rddreg [dreg:$0x6]  }
0x90: {  	s0 =	sadd.s32 @!p0 $0x100000, s0  }
0x91: {  	[sflag:s0] =	ssyncadd.tile.s32 @!p0 $0x1;
	_ =	shalt  }
.Lfunc_end2:
_tile_overlayer_lowered:
.L_overlay_start_2:
0x92: {  	(tag) =	ssettag $0x2  }
0x93: {  	s0 =	rddreg [dreg:$0x0];
	s2 =	stileid.u32  }
0x94: {  	s1 =	rddreg [dreg:$0x1];
	p0 =	sne.s32 s2, $0x0  }
0x95: {  	s3 =	rddreg [dreg:$0x2];
	[bflag:$0x3] =	sbarrier.arrive $0xFFFF;
	s2 =	simm.s32 @!p0 $0x1C01  }
0x96: {  	[timem:s3], [sflag:s2] =	dma.local @!p0 [hbm:s0], s1  }
0x97: {  	s0 =	simm.s32 @!p0 $0x1  }
0x98: {  	_ =	swait.ge @!p0 [sflag:s0], s1  }
0x99: {  	s1 =	ssub.s32 @!p0 $0x0, s1;
	[sflag:s0] =	ssyncset.done @!p0 $0x0  }
0x9a: {  	[sflag:s0] =	ssyncadd.s32 @!p0 s1  }
0x9b: {  	[bflag:$0x3] =	sbarrier.arrive $0xFFFF  }
0x9c: {  	_ =	shalt  }

// kernel: kernel.15.cloned.1.call-start
scs
__scs_entry_jumppad:
0x0: {  	(pc) =	sbr.rel $0x88, $3  }
0x1: {  	(tag) =	ssettag $0x0;
	lr =	simm.s32 $0x1  }
0x2: {  	[smem:$0x3F9B] =	sst lr;
	_ =	strace $0xD0000000  }
0x3: {  	_ = 	snop  }
0x4: {  	_ = 	snop  }
0x5: {  	_ = 	snop  }
0x6: {  	_ = 	snop  }
0x7: {  	_ = 	snop  }
__scs_overlays_trampoline_lowered:
0x8: {  	[smem:$0x3FAA] =	sst s0  }
0x9: {  	[smem:$0x3FAB] =	sst s1  }
0xa: {  	[smem:$0x3FAC] =	sst s2  }
0xb: {  	[smem:$0x3FAD] =	sst s3  }
0xc: {  	[smem:$0x3FAE] =	sst s4  }
0xd: {  	[smem:$0x3FAF] =	sst s5  }
0xe: {  	[smem:$0x3FB0] =	sst s6  }
0xf: {  	[smem:$0x3FB1] =	sst s7  }
0x10: {  	[smem:$0x3FB2] =	sst s8  }
0x11: {  	[smem:$0x3FB3] =	sst s9;
	s0 =	simm.s32 @!p0 $0x0  }
0x12: {  	s1 =	sld [smem:$0x3F99];
	s0 =	simm.s32 @p0 $0x1  }
0x13: {  	[smem:$0x3FB4] =	sst s0;
	s0 =	simm.s32 @!p1 $0x0  }
0x14: {  	s2 =	sld [smem:$0x3F98];
	s0 =	simm.s32 @p1 $0x1  }
0x15: {  	[smem:$0x3FB5] =	sst s0;
	s0 =	simm.s32 @!p2 $0x0  }
0x16: {  	s3 =	sld [smem:$0x3FDB];
	s0 =	simm.s32 @p2 $0x1  }
0x17: {  	s4 =	simm.s32 $0x1BF5;
	[smem:$0x3FB7] =	sst s0  }
0x18: {  	s0 =	sld [smem:$0x3F9A];
	_ =	swait.ge [sflag:s4], $0x0  }
0x19: {  	s7 =	sld [smem:$0x3F9B]  }
0x1a: {  	s8 =	sadd.s32 $0xFFFFE003, lr  }
0x1b: {  	s9 =	sadd.s32 $0xFFFFFEF7, lr;
	s5 =	simm.s32 $0xFFFFFFFF;
	p2 =	slt.u32 s8, $0xFFFFF086  }
0x1c: {  	p1 =	slt.u32 s9, $0xF7A;
	s5 =	simm.s32 @!p2 $0x0  }
0x1d: {  	s5 =	simm.s32 @p1 $0x1;
	p0 =	seq.s32 s7, s2  }
0x1e: {  	s7 =	smul.u32 @!p0 $0xF7A, s2;
	p2 =	seq.s32 @!p0 s5, $0x0  }
0x1f: {  	s9 =	smul.u32 $0xF7A, s1;
	s8 =	simm.s32 @!p0 $0x1BF5;
	p2 =	por !p2, p0  }
0x20: {  	[sflag:s8] =	ssyncset.s32 @!p0 $0xFFFFF086;
	s6 =	sadd.s32 @!p0 s3, s7;
	s7 =	simm.s32 @!p0 $0x108  }
0x21: {  	s3 =	sadd.s32 s3, s9;
	s6 =	sadd.s32 @!p0 $0x88, s6;
	s7 =	simm.s32 @p2 $0x1082  }
0x22: {  	[simem:s7], [sflag:s8] =	dma.local @!p0 [hbm:s6], $0xF7A  }
0x23: {  	s9 =	sor.u32 $0xD0000000, s2;
	s6 =	simm.s32 $0x108;
	_ =	swait.ge @!p0 [sflag:s8], $0x0  }
0x24: {  	s3 =	sadd.s32 $0x88, s3;
	s6 =	simm.s32 @!p1 $0x1082;
	[sflag:s4] =	ssyncset.s32 $0xFFFFF086  }
0x25: {  	[simem:s6], [sflag:s4] =	dma.local [hbm:s3], $0xF7A  }
0x26: {  	[smem:$0x3F9B] =	sst s1;
	(tag) =	ssettag s2;
	_ =	strace s9  }
0x27: {  	s1 =	sld [smem:$0x3FAB]  }
0x28: {  	s2 =	sld [smem:$0x3FAC]  }
0x29: {  	s4 =	sld [smem:$0x3FAE]  }
0x2a: {  	p0 =	seq.s32 s5, $0x0;
	s5 =	sld [smem:$0x3FAF]  }
0x2b: {  	s6 =	sld [smem:$0x3FB0]  }
0x2c: {  	s7 =	sld [smem:$0x3FB1]  }
0x2d: {  	s3 =	simm.s32 $0x108;
	s8 =	sld [smem:$0x3FB2]  }
0x2e: {  	s3 =	simm.s32 @!p0 $0x1082;
	s9 =	sld [smem:$0x3FB3]  }
0x2f: {  	lr =	sadd.s32 s0, s3;
	s0 =	sld [smem:$0x3FAA]  }
0x30: {  	s3 =	sld [smem:$0x3FAD]  }
0x31: {  	[smem:$0x3FB6] =	sst s10  }
0x32: {  	s10 =	sld [smem:$0x3FB4];
	_ =	sdelay $0x3  }
0x33: {  	p0 =	seq.s32 s10, $0x1;
	s10 =	sld [smem:$0x3FB6];
	_ =	sdelay $0x3  }
0x34: {  	[smem:$0x3FB6] =	sst s10  }
0x35: {  	s10 =	sld [smem:$0x3FB5];
	_ =	sdelay $0x3  }
0x36: {  	p1 =	seq.s32 s10, $0x1;
	s10 =	sld [smem:$0x3FB6];
	_ =	sdelay $0x3  }
0x37: {  	[smem:$0x3FB6] =	sst s10  }
0x38: {  	s10 =	sld [smem:$0x3FB7]  }
0x39: {  	_ = 	snop;
	(pc) =	sbr.ind lr, $3  }
0x3a: {  	_ = 	snop  }
0x3b: {  	_ = 	snop  }
0x3c: {  	p2 =	seq.s32 s10, $0x1;
	s10 =	sld [smem:$0x3FB6]  }
0x3d: {  	_ =	shalt  }
0x3e: {  	_ =	shalt  }
0x3f: {  	_ =	shalt  }
0x40: {  	_ =	shalt  }
0x41: {  	_ =	shalt  }
0x42: {  	_ =	shalt  }
0x43: {  	_ =	shalt  }
0x44: {  	_ =	shalt  }
0x45: {  	_ =	shalt  }
0x46: {  	_ =	shalt  }
0x47: {  	_ =	shalt  }
0x48: {  	_ =	shalt  }
0x49: {  	_ =	shalt  }
0x4a: {  	_ =	shalt  }
0x4b: {  	_ =	shalt  }
0x4c: {  	_ =	shalt  }
0x4d: {  	_ =	shalt  }
0x4e: {  	_ =	shalt  }
0x4f: {  	_ =	shalt  }
0x50: {  	_ =	shalt  }
0x51: {  	_ =	shalt  }
0x52: {  	_ =	shalt  }
0x53: {  	_ =	shalt  }
0x54: {  	_ =	shalt  }
0x55: {  	_ =	shalt  }
0x56: {  	_ =	shalt  }
0x57: {  	_ =	shalt  }
0x58: {  	_ =	shalt  }
0x59: {  	_ =	shalt  }
0x5a: {  	_ =	shalt  }
0x5b: {  	_ =	shalt  }
0x5c: {  	_ =	shalt  }
0x5d: {  	_ =	shalt  }
0x5e: {  	_ =	shalt  }
0x5f: {  	_ =	shalt  }
0x60: {  	_ =	shalt  }
0x61: {  	_ =	shalt  }
0x62: {  	_ =	shalt  }
0x63: {  	_ =	shalt  }
0x64: {  	_ =	shalt  }
0x65: {  	_ =	shalt  }
0x66: {  	_ =	shalt  }
0x67: {  	_ =	shalt  }
0x68: {  	_ =	shalt  }
0x69: {  	_ =	shalt  }
0x6a: {  	_ =	shalt  }
0x6b: {  	_ =	shalt  }
0x6c: {  	_ =	shalt  }
0x6d: {  	_ =	shalt  }
0x6e: {  	_ =	shalt  }
0x6f: {  	_ =	shalt  }
0x70: {  	_ =	shalt  }
0x71: {  	_ =	shalt  }
0x72: {  	_ =	shalt  }
0x73: {  	_ =	shalt  }
0x74: {  	_ =	shalt  }
0x75: {  	_ =	shalt  }
0x76: {  	_ =	shalt  }
0x77: {  	_ =	shalt  }
0x78: {  	_ =	shalt  }
0x79: {  	_ =	shalt  }
0x7a: {  	_ =	shalt  }
0x7b: {  	_ =	shalt  }
0x7c: {  	_ =	shalt  }
0x7d: {  	_ =	shalt  }
0x7e: {  	_ =	shalt  }
0x7f: {  	_ =	shalt  }
0x80: {  	_ =	shalt  }
0x81: {  	_ =	shalt  }
0x82: {  	_ =	shalt  }
0x83: {  	_ =	shalt  }
0x84: {  	_ =	shalt  }
0x85: {  	_ =	shalt  }
0x86: {  	_ =	shalt  }
0x87: {  	_ =	shalt  }
.Lfunc_end0:
.L_simem_size_0:
called_computation.2_lowered:
.L_overlay_start_0:
0x88: {  	s2 =	sld [smem:$0x3FD9]  }
0x89: {  	s3 =	sld [smem:$0x3FFE];
	_ =	sdelay $0x1  }
0x8a: {  	s1 =	srdreg.scid  }
0x8b: {  	s0 =	sand.u32 $0x1, s1  }
0x8c: {  	s17 =	sshll.u32 s0, $0xA;
	s2 =	sadd.s32 s3, s2  }
0x8d: {  	s2 =	sadd.s32 s2, s17  }
0x8e: {  	[smem:$0x3FC2] =	sst s2  }
0x8f: {  	_ = 	snop  }
0x90: {  	s2 =	sld [smem:$0x3FD0];
	(tm) =	ssettm $0x1  }
0x91: {  	s18 =	sld [smem:$0x3FFB];
	_ =	sdelay $0x3  }
0x92: {  	_ =	strace s18  }
0x93: {  	s3 =	sld [smem:$0x3FFC];
	_ =	sdelay $0x3  }
0x94: {  	_ =	strace s3  }
0x95: {  	s3 =	sld [smem:$0x3FFD];
	_ =	sdelay $0x3  }
0x96: {  	_ =	strace s3  }
0x97: {  	_ =	strace $0x8FFFFFFF  }
0x98: {  	s19 =	sld [smem:$0x3FDB];
	_ =	sdelay $0x1  }
0x99: {  	s4 =	simm.s32 $_scs_section_size  }
0x9a: {  	s5 =	simm.s32 $_size__tile_overlayer_lowered;
	s6 =	simm.s32 $_tile_overlayer_lowered  }
0x9b: {  	s22 =	simm.s32 $0x1BFF;
	s21 =	sshll.u32 s6, $0x1;
	s3 =	sadd.s32 s4, s19  }
0x9c: {  	s7 =	simm.s32 $0x0;
	s20 =	sshll.u32 s5, $0x1;
	s5 =	sadd.s32 s21, s3  }
0x9d: {  	[timem:s7], [sflag:s22] =	dma.local [hbm:s5], s20  }
0x9e: {  	_ =	swait.ge [sflag:s22], s20  }
0x9f: {  	s4 =	ssub.s32 $0x0, s20;
	[sflag:s22] =	ssyncset.done $0x0  }
0xa0: {  	[sflag:s22] =	ssyncadd.s32 s4;
	_ =	sdelay $0x1  }
0xa1: {  	s23 =	simm.s32 $0x1B8B  }
0xa2: {  	_ =	swait.ge [sflag:s23], $0x1  }
0xa3: {  	[sflag:s23] =	ssyncset.done $0x0  }
0xa4: {  	s25 =	simm.s32 $0x1B8E;
	s24 =	sld [smem:$0x3FFE];
	[sflag:s23] =	ssyncadd.s32 $0xFFFFFFFF  }
0xa5: {  	s26 =	simm.s32 $execute0_lowered;
	[smem:$0x3FD2] =	sst s25  }
0xa6: {  	s5 =	sshll.u32 s26, $0x1;
	_ =	strace $0x8000004C;
	[dreg:$0x1] =	wrdreg $0xFFFFFFFF  }
0xa7: {  	s28 =	simm.s32 $_size_execute0_lowered;
	s3 =	sadd.s32 s3, s5;
	[dreg:$0x0] =	wrdreg $0x0  }
0xa8: {  	s5 =	sshll.u32 s28, $0x1;
	[dreg:$0x2] =	wrdreg s3  }
0xa9: {  	[dreg:$0x3] =	wrdreg s5  }
0xaa: {  	[dreg:$0x4] =	wrdreg $0xC0  }
0xab: {  	_ =	task [dreg:s7], $0x5FFFF  }
0xac: {  	[dreg:$0x1] =	wrdreg $0xFFFFFFFF  }
0xad: {  	[dreg:$0x0] =	wrdreg $0x60  }
0xae: {  	[dreg:$0x2] =	wrdreg s24  }
0xaf: {  	[dreg:$0x3] =	wrdreg s2  }
0xb0: {  	[dreg:$0x4] =	wrdreg $0x0  }
0xb1: {  	[dreg:$0x5] =	wrdreg $0x18700  }
0xb2: {  	[dreg:$0x6] =	wrdreg $0x9  }
0xb3: {  	_ =	task.clear_ibuf [dreg:s7], $0x7FFFF;
	_ =	strace $0x9000004C  }
0xb4: {  	s29 =	simm.s32 $0x9;
	_ =	strace $0x8000004E  }
0xb5: {  	_ =	swait.ge [sflag:s29], $0x1  }
0xb6: {  	[sflag:s29] =	ssyncadd.s32 $0xFFFFFFFF  }
0xb7: {  	_ =	strace $0x9000004E  }
0xb8: {  	_ =	sfence  }
0xb9: {  	s30 =	sld [smem:$0x0];
	_ =	sdelay $0x2  }
0xba: {  	s31 =	sshll.u32 s1, $0xD;
	s1 =	sshrl.u32 s1, $0x2  }
0xbb: {  	s3 =	sand.u32 $0x4000, s31;
	s1 =	sadd.s32 s1, s30  }
0xbc: {  	s0 =	sor.u32 s3, s0;
	s1 =	sshll.u32 s1, $0x11  }
0xbd: {  	s0 =	sor.u32 s1, s0  }
0xbe: {  	s0 =	sadd.s32 $0x8F2B, s0  }
0xbf: {  	[sflag:s0] =	ssyncadd.remote.s32 $0x1  }
0xc0: {  	_ =	sfence.sel $0xFFFF  }
0xc1: {  	[dreg:$0x0] =	wrdreg $0xFFFFFFFF;
	(pc) =	sbr.abs _section_cstart, $3  }
0xc2: {  	[dreg:$0x1] =	wrdreg $0xFFFFFFFF  }
0xc3: {  	_ =	task.clear_ibuf [dreg:s7], $0x2FFFF;
	_ =	strace $0x9FFFFFFF  }
0xc4: {  	(tm) =	ssettm $0x7FFFFFFF  }
0xc5: {  	_ =	shalt  }
tec
execute0_lowered:
.L_overlay_start_1:
0x0: {  	(tag) =	ssettag $0x1  }
0x1: {  	s5 =	rddreg [dreg:$0x0]  }
0x2: {  	s9 =	rddreg [dreg:$0x1]  }
0x3: {  	s1 =	srdreg.scid;
	s2 =	rddreg [dreg:$0x2]  }
0x4: {  	s0 =	stileid.u32;
	s3 =	rddreg [dreg:$0x3];
	s4 =	simm.s32 $0x0  }
0x5: {  	s13 =	simm.s32 $0x48E0;
	s14 =	simm.s32 $0x1;
	s15 =	simm.s32 $0x30E0  }
0x6: {  	s16 =	simm.s32 $0x38E0;
	s17 =	simm.s32 $0x800;
	s18 =	simm.s32 $0x40E0  }
0x7: {  	s6 =	sand.u32 $0x1, s1;
	s7 =	smul.u32 $0x31000, s0;
	s1 =	rddreg [dreg:$0x4]  }
0x8: {  	s19 =	simm.s32 $0x0;
	[smem:$0x7FF] =	sst s4;
	s26 =	smul.u32 $0x1870, s0  }
0x9: {  	s8 =	smul.u32 $0x18800, s6;
	_ =	strace $0x8000004D;
	s11 =	ssub.s32 $0x2, s6  }
0xa: {  	s6 =	smul.u32 $0x18700, s6;
	s10 =	sshrl.u32 s26, $0x3;
	s29 =	sshrl.u32 s11, $0x1  }
0xb: {  	s7 =	sadd.s32 s8, s7;
	s28 =	sadd.s32 s10, s5;
	s30 =	ssub.s32 s11, s29  }
0xc: {  	s31 =	sadd.s32 s26, s6;
	s6 =	sadd.s32 s26, s2;
	s8 =	sadd.s32 s26, s3  }
0xd: {  	s7 =	sshrl.u32 s7, $0x3;
	s11 =	sshrl.u32 s31, $0x3;
	s10 =	smax.u32 s30, $0x1  }
0xe: {  	s12 =	sadd.s32 s7, s5;
	s5 =	sadd.s32 $0xC9800, s28;
	s7 =	sadd.s32 $0x64600, s28  }
0xf: {  	s9 =	sadd.s32 s9, s11;
	s11 =	sadd.s32 $0x2600, s12;
	s12 =	sadd.s32 $0x67800, s12  }
.LBB2_1:
0x10: {  	[tilespmem:s13], [sflag:$0x1] =	stream.linear.gather [hbm4b:s5+s4], $0x1870, $0x38;
	[tilespmem:$0x6160] =	vst v63  }
0x11: {  	_ =	swait.ge [sflag:s14], $0x1870  }
0x12: {  	[sflag:s14] =	ssyncset.done $0x0  }
0x13: {  	[sflag:s14] =	ssyncadd.s32 $0xFFFFE790  }
0x14: {  	[spmem:s6] =	stream.linear.scatter [tilespmem:s13], [sflag:$0x1], $0x1870, $0x38;
	[tilespmem:$0x6160] =	vst v63  }
0x15: {  	_ =	swait.ge [sflag:s14], $0x1870  }
0x16: {  	[sflag:s14] =	ssyncset.done $0x0  }
0x17: {  	[sflag:s14] =	ssyncadd.s32 $0xFFFFE790  }
0x18: {  	[tilespmem:s13], [sflag:$0x1] =	stream.linear.gather [hbm4b:s7+s4], $0x1870, $0x38;
	[tilespmem:$0x6160] =	vst v63  }
0x19: {  	_ =	swait.ge [sflag:s14], $0x1870  }
0x1a: {  	[sflag:s14] =	ssyncset.done $0x0  }
0x1b: {  	[sflag:s14] =	ssyncadd.s32 $0xFFFFE790  }
0x1c: {  	[spmem:s8] =	stream.linear.scatter [tilespmem:s13], [sflag:$0x1], $0x1870, $0x38;
	[tilespmem:$0x6160] =	vst v63  }
0x1d: {  	_ =	swait.ge [sflag:s14], $0x1870  }
0x1e: {  	[sflag:s14] =	ssyncset.done $0x0  }
0x1f: {  	[sflag:s14] =	ssyncadd.s32 $0xFFFFE790  }
0x20: {  	s20 =	sadd.s32 $0x0, s12;
	[bflag:$0x0] =	sbarrier.arrive $0xFFFF  }
0x21: {  	[tilespmem:s15], [sflag:$0x1] =	stream.linear.gather [hbm4b:s20+s4], $0x800, $0x38;
	[tilespmem:$0x6160] =	vst v63  }
0x22: {  	_ =	swait.ge [sflag:s14], $0x800  }
0x23: {  	[sflag:s14] =	ssyncset.done $0x0  }
0x24: {  	s31 =	sadd.s32 $0x0, s11;
	[sflag:s14] =	ssyncadd.s32 $0xFFFFF800  }
0x25: {  	[tilespmem:s16], [sflag:$0x1] =	stream.linear.gather [hbm4b:s31+s4], $0x800, $0x38;
	[tilespmem:$0x6160] =	vst v63  }
0x26: {  	_ =	swait.ge [sflag:s14], $0x800  }
0x27: {  	[sflag:s14] =	ssyncset.done $0x0  }
0x28: {  	[sflag:s14] =	ssyncadd.s32 $0xFFFFF800  }
0x29: {  	[tilespmem:s18], [sflag:$0x1] =	stream.indirect.gather [spmem:s2], $0x1, s15, s17, $0xb8;
	[tilespmem:$0x6160] =	vst v63  }
0x2a: {  	_ =	swait.ge [sflag:s14], $0x800  }
0x2b: {  	[sflag:s14] =	ssyncset.done $0x0  }
0x2c: {  	[sflag:s14] =	ssyncadd.s32 $0xFFFFF800  }
0x2d: {  	[spmem:s3] =	stream.indirect.scatter.add.f32 [tilespmem:s18], [sflag:$0x1], $0x1, s16, s17, $0xb8;
	[tilespmem:$0x6160] =	vst v63  }
0x2e: {  	_ =	swait.ge [sflag:s14], $0x800  }
0x2f: {  	s21 =	simm.s32 $0x200;
	s20 =	simm.s32 $0x100;
	[sflag:s14] =	ssyncset.done $0x0  }
.LBB2_2:
0x30: {  	s22 =	sadd.s32 s20, s12  }
0x31: {  	[sflag:s14] =	ssyncadd.s32 $0xFFFFF800;
	s23 =	smov.u32 s21;
	s24 =	sadd.s32 $0x100, s21  }
0x32: {  	[tilespmem:s15], [sflag:$0x1] =	stream.linear.gather [hbm4b:s22+s4], $0x800, $0x38;
	[tilespmem:$0x6160] =	vst v63  }
0x33: {  	p0 =	sne.s32 s21, $0x3000;
	_ =	swait.ge [sflag:s14], $0x800  }
0x34: {  	[sflag:s14] =	ssyncset.done $0x0  }
0x35: {  	s21 =	sadd.s32 s20, s11;
	s20 =	smov.u32 s23;
	[sflag:s14] =	ssyncadd.s32 $0xFFFFF800  }
0x36: {  	[tilespmem:s16], [sflag:$0x1] =	stream.linear.gather [hbm4b:s21+s4], $0x800, $0x38;
	[tilespmem:$0x6160] =	vst v63  }
0x37: {  	_ =	swait.ge [sflag:s14], $0x800  }
0x38: {  	[sflag:s14] =	ssyncset.done $0x0  }
0x39: {  	[sflag:s14] =	ssyncadd.s32 $0xFFFFF800  }
0x3a: {  	[tilespmem:s18], [sflag:$0x1] =	stream.indirect.gather [spmem:s2], $0x1, s15, s17, $0xb8;
	[tilespmem:$0x6160] =	vst v63  }
0x3b: {  	_ =	swait.ge [sflag:s14], $0x800  }
.Ltmp0:
0x3c: {  	[sflag:s14] =	ssyncset.done $0x0;
	(pc) =	sbr.rel @p0 .LBB2_2-.Ltmp0, $4  }
0x3d: {  	[sflag:s14] =	ssyncadd.s32 $0xFFFFF800  }
0x3e: {  	[spmem:s3] =	stream.indirect.scatter.add.f32 [tilespmem:s18], [sflag:$0x1], $0x1, s16, s17, $0xb8;
	[tilespmem:$0x6160] =	vst v63  }
0x3f: {  	_ =	swait.ge [sflag:s14], $0x800  }
0x40: {  	s21 =	smov.u32 s24;
	[sflag:s14] =	ssyncset.done $0x0  }
0x41: {  	s21 =	sadd.s32 s20, s12;
	[sflag:s14] =	ssyncadd.s32 $0xFFFFF800  }
0x42: {  	[tilespmem:s15], [sflag:$0x1] =	stream.linear.gather [hbm4b:s21+s4], $0x800, $0x38;
	[tilespmem:$0x6160] =	vst v63  }
0x43: {  	_ =	swait.ge [sflag:s14], $0x800  }
0x44: {  	[sflag:s14] =	ssyncset.done $0x0  }
0x45: {  	s31 =	sadd.s32 s20, s11;
	[sflag:s14] =	ssyncadd.s32 $0xFFFFF800  }
0x46: {  	[tilespmem:s16], [sflag:$0x1] =	stream.linear.gather [hbm4b:s31+s4], $0x800, $0x38;
	[tilespmem:$0x6160] =	vst v63  }
0x47: {  	_ =	swait.ge [sflag:s14], $0x800  }
0x48: {  	[sflag:s14] =	ssyncset.done $0x0  }
0x49: {  	[sflag:s14] =	ssyncadd.s32 $0xFFFFF800  }
0x4a: {  	[tilespmem:s18], [sflag:$0x1] =	stream.indirect.gather [spmem:s2], $0x1, s15, s17, $0xb8;
	[tilespmem:$0x6160] =	vst v63  }
0x4b: {  	_ =	swait.ge [sflag:s14], $0x800  }
0x4c: {  	[sflag:s14] =	ssyncset.done $0x0  }
0x4d: {  	[sflag:s14] =	ssyncadd.s32 $0xFFFFF800  }
0x4e: {  	[spmem:s3] =	stream.indirect.scatter.add.f32 [tilespmem:s18], [sflag:$0x1], $0x1, s16, s17, $0xb8;
	[tilespmem:$0x6160] =	vst v63  }
0x4f: {  	_ =	swait.ge [sflag:s14], $0x800  }
0x50: {  	[sflag:s14] =	ssyncset.done $0x0  }
0x51: {  	[sflag:s14] =	ssyncadd.s32 $0xFFFFF800  }
0x52: {  	[bflag:$0x0] =	sbarrier.arrive $0xFFFF  }
0x53: {  	[tilespmem:s13], [sflag:$0x1] =	stream.linear.gather [spmem:s8], $0x1870, $0x38;
	[tilespmem:$0x6160] =	vst v63  }
0x54: {  	s19 =	sadd.s32 $0x1, s19;
	_ =	swait.ge [sflag:s14], $0x1870  }
0x55: {  	p0 =	sne.s32 s19, s10;
	[sflag:s14] =	ssyncset.done $0x0  }
.Ltmp1:
0x56: {  	[sflag:s14] =	ssyncadd.s32 $0xFFFFE790;
	(pc) =	sbr.rel @p0 .LBB2_1-.Ltmp1, $4  }
0x57: {  	[hbm4b:s9+s4] =	stream.linear.scatter [tilespmem:s13], [sflag:$0x1], $0x1870, $0x38;
	[tilespmem:$0x6160] =	vst v63  }
0x58: {  	_ =	swait.ge [sflag:s14], $0x1870  }
0x59: {  	[sflag:s14] =	ssyncset.done $0x0  }
0x5a: {  	[sflag:s14] =	ssyncadd.s32 $0xFFFFE790  }
0x5b: {  	_ =	sfence.sel $0x180000  }
0x5c: {  	[bflag:$0x0] =	sbarrier.arrive $0xFFFF  }
0x5d: {  	p0 =	sne.s32 s0, $0x0;
	_ =	strace $0x9000004D  }
0x5e: {  	s0 =	sadd.s32 @!p0 $0x100000, s1;
	[bflag:$0x2] =	sbarrier.arrive $0xFFFF  }
0x5f: {  	[sflag:s0] =	ssyncadd.tile.s32 @!p0 $0x1;
	_ =	shalt  }
.Lfunc_end2:
_tile_overlayer_lowered:
.L_overlay_start_2:
0x60: {  	(tag) =	ssettag $0x2  }
0x61: {  	s0 =	rddreg [dreg:$0x0];
	s2 =	stileid.u32  }
0x62: {  	s1 =	rddreg [dreg:$0x1];
	p0 =	sne.s32 s2, $0x0  }
0x63: {  	s3 =	rddreg [dreg:$0x2];
	[bflag:$0x3] =	sbarrier.arrive $0xFFFF;
	s2 =	simm.s32 @!p0 $0x1C01  }
0x64: {  	[timem:s3], [sflag:s2] =	dma.local @!p0 [hbm:s0], s1  }
0x65: {  	s0 =	simm.s32 @!p0 $0x1  }
0x66: {  	_ =	swait.ge @!p0 [sflag:s0], s1  }
0x67: {  	s1 =	ssub.s32 @!p0 $0x0, s1;
	[sflag:s0] =	ssyncset.done @!p0 $0x0  }
0x68: {  	[sflag:s0] =	ssyncadd.s32 @!p0 s1  }
0x69: {  	[bflag:$0x3] =	sbarrier.arrive $0xFFFF  }
0x6a: {  	_ =	shalt  }

// kernel: kernel.18.cloned.1.call-start
scs
__scs_entry_jumppad:
0x0: {  	(pc) =	sbr.rel $0x88, $3  }
0x1: {  	(tag) =	ssettag $0x0;
	lr =	simm.s32 $0x1  }
0x2: {  	[smem:$0x3F9B] =	sst lr;
	_ =	strace $0xD0000000  }
0x3: {  	_ = 	snop  }
0x4: {  	_ = 	snop  }
0x5: {  	_ = 	snop  }
0x6: {  	_ = 	snop  }
0x7: {  	_ = 	snop  }
__scs_overlays_trampoline_lowered:
0x8: {  	[smem:$0x3FAA] =	sst s0  }
0x9: {  	[smem:$0x3FAB] =	sst s1  }
0xa: {  	[smem:$0x3FAC] =	sst s2  }
0xb: {  	[smem:$0x3FAD] =	sst s3  }
0xc: {  	[smem:$0x3FAE] =	sst s4  }
0xd: {  	[smem:$0x3FAF] =	sst s5  }
0xe: {  	[smem:$0x3FB0] =	sst s6  }
0xf: {  	[smem:$0x3FB1] =	sst s7  }
0x10: {  	[smem:$0x3FB2] =	sst s8  }
0x11: {  	[smem:$0x3FB3] =	sst s9;
	s0 =	simm.s32 @!p0 $0x0  }
0x12: {  	s1 =	sld [smem:$0x3F99];
	s0 =	simm.s32 @p0 $0x1  }
0x13: {  	[smem:$0x3FB4] =	sst s0;
	s0 =	simm.s32 @!p1 $0x0  }
0x14: {  	s2 =	sld [smem:$0x3F98];
	s0 =	simm.s32 @p1 $0x1  }
0x15: {  	[smem:$0x3FB5] =	sst s0;
	s0 =	simm.s32 @!p2 $0x0  }
0x16: {  	s3 =	sld [smem:$0x3FDB];
	s0 =	simm.s32 @p2 $0x1  }
0x17: {  	s4 =	simm.s32 $0x1BF5;
	[smem:$0x3FB7] =	sst s0  }
0x18: {  	s0 =	sld [smem:$0x3F9A];
	_ =	swait.ge [sflag:s4], $0x0  }
0x19: {  	s7 =	sld [smem:$0x3F9B]  }
0x1a: {  	s8 =	sadd.s32 $0xFFFFE003, lr  }
0x1b: {  	s9 =	sadd.s32 $0xFFFFFEF7, lr;
	s5 =	simm.s32 $0xFFFFFFFF;
	p2 =	slt.u32 s8, $0xFFFFF086  }
0x1c: {  	p1 =	slt.u32 s9, $0xF7A;
	s5 =	simm.s32 @!p2 $0x0  }
0x1d: {  	s5 =	simm.s32 @p1 $0x1;
	p0 =	seq.s32 s7, s2  }
0x1e: {  	s7 =	smul.u32 @!p0 $0xF7A, s2;
	p2 =	seq.s32 @!p0 s5, $0x0  }
0x1f: {  	s9 =	smul.u32 $0xF7A, s1;
	s8 =	simm.s32 @!p0 $0x1BF5;
	p2 =	por !p2, p0  }
0x20: {  	[sflag:s8] =	ssyncset.s32 @!p0 $0xFFFFF086;
	s6 =	sadd.s32 @!p0 s3, s7;
	s7 =	simm.s32 @!p0 $0x108  }
0x21: {  	s3 =	sadd.s32 s3, s9;
	s6 =	sadd.s32 @!p0 $0x88, s6;
	s7 =	simm.s32 @p2 $0x1082  }
0x22: {  	[simem:s7], [sflag:s8] =	dma.local @!p0 [hbm:s6], $0xF7A  }
0x23: {  	s9 =	sor.u32 $0xD0000000, s2;
	s6 =	simm.s32 $0x108;
	_ =	swait.ge @!p0 [sflag:s8], $0x0  }
0x24: {  	s3 =	sadd.s32 $0x88, s3;
	s6 =	simm.s32 @!p1 $0x1082;
	[sflag:s4] =	ssyncset.s32 $0xFFFFF086  }
0x25: {  	[simem:s6], [sflag:s4] =	dma.local [hbm:s3], $0xF7A  }
0x26: {  	[smem:$0x3F9B] =	sst s1;
	(tag) =	ssettag s2;
	_ =	strace s9  }
0x27: {  	s1 =	sld [smem:$0x3FAB]  }
0x28: {  	s2 =	sld [smem:$0x3FAC]  }
0x29: {  	s4 =	sld [smem:$0x3FAE]  }
0x2a: {  	p0 =	seq.s32 s5, $0x0;
	s5 =	sld [smem:$0x3FAF]  }
0x2b: {  	s6 =	sld [smem:$0x3FB0]  }
0x2c: {  	s7 =	sld [smem:$0x3FB1]  }
0x2d: {  	s3 =	simm.s32 $0x108;
	s8 =	sld [smem:$0x3FB2]  }
0x2e: {  	s3 =	simm.s32 @!p0 $0x1082;
	s9 =	sld [smem:$0x3FB3]  }
0x2f: {  	lr =	sadd.s32 s0, s3;
	s0 =	sld [smem:$0x3FAA]  }
0x30: {  	s3 =	sld [smem:$0x3FAD]  }
0x31: {  	[smem:$0x3FB6] =	sst s10  }
0x32: {  	s10 =	sld [smem:$0x3FB4];
	_ =	sdelay $0x3  }
0x33: {  	p0 =	seq.s32 s10, $0x1;
	s10 =	sld [smem:$0x3FB6];
	_ =	sdelay $0x3  }
0x34: {  	[smem:$0x3FB6] =	sst s10  }
0x35: {  	s10 =	sld [smem:$0x3FB5];
	_ =	sdelay $0x3  }
0x36: {  	p1 =	seq.s32 s10, $0x1;
	s10 =	sld [smem:$0x3FB6];
	_ =	sdelay $0x3  }
0x37: {  	[smem:$0x3FB6] =	sst s10  }
0x38: {  	s10 =	sld [smem:$0x3FB7]  }
0x39: {  	_ = 	snop;
	(pc) =	sbr.ind lr, $3  }
0x3a: {  	_ = 	snop  }
0x3b: {  	_ = 	snop  }
0x3c: {  	p2 =	seq.s32 s10, $0x1;
	s10 =	sld [smem:$0x3FB6]  }
0x3d: {  	_ =	shalt  }
0x3e: {  	_ =	shalt  }
0x3f: {  	_ =	shalt  }
0x40: {  	_ =	shalt  }
0x41: {  	_ =	shalt  }
0x42: {  	_ =	shalt  }
0x43: {  	_ =	shalt  }
0x44: {  	_ =	shalt  }
0x45: {  	_ =	shalt  }
0x46: {  	_ =	shalt  }
0x47: {  	_ =	shalt  }
0x48: {  	_ =	shalt  }
0x49: {  	_ =	shalt  }
0x4a: {  	_ =	shalt  }
0x4b: {  	_ =	shalt  }
0x4c: {  	_ =	shalt  }
0x4d: {  	_ =	shalt  }
0x4e: {  	_ =	shalt  }
0x4f: {  	_ =	shalt  }
0x50: {  	_ =	shalt  }
0x51: {  	_ =	shalt  }
0x52: {  	_ =	shalt  }
0x53: {  	_ =	shalt  }
0x54: {  	_ =	shalt  }
0x55: {  	_ =	shalt  }
0x56: {  	_ =	shalt  }
0x57: {  	_ =	shalt  }
0x58: {  	_ =	shalt  }
0x59: {  	_ =	shalt  }
0x5a: {  	_ =	shalt  }
0x5b: {  	_ =	shalt  }
0x5c: {  	_ =	shalt  }
0x5d: {  	_ =	shalt  }
0x5e: {  	_ =	shalt  }
0x5f: {  	_ =	shalt  }
0x60: {  	_ =	shalt  }
0x61: {  	_ =	shalt  }
0x62: {  	_ =	shalt  }
0x63: {  	_ =	shalt  }
0x64: {  	_ =	shalt  }
0x65: {  	_ =	shalt  }
0x66: {  	_ =	shalt  }
0x67: {  	_ =	shalt  }
0x68: {  	_ =	shalt  }
0x69: {  	_ =	shalt  }
0x6a: {  	_ =	shalt  }
0x6b: {  	_ =	shalt  }
0x6c: {  	_ =	shalt  }
0x6d: {  	_ =	shalt  }
0x6e: {  	_ =	shalt  }
0x6f: {  	_ =	shalt  }
0x70: {  	_ =	shalt  }
0x71: {  	_ =	shalt  }
0x72: {  	_ =	shalt  }
0x73: {  	_ =	shalt  }
0x74: {  	_ =	shalt  }
0x75: {  	_ =	shalt  }
0x76: {  	_ =	shalt  }
0x77: {  	_ =	shalt  }
0x78: {  	_ =	shalt  }
0x79: {  	_ =	shalt  }
0x7a: {  	_ =	shalt  }
0x7b: {  	_ =	shalt  }
0x7c: {  	_ =	shalt  }
0x7d: {  	_ =	shalt  }
0x7e: {  	_ =	shalt  }
0x7f: {  	_ =	shalt  }
0x80: {  	_ =	shalt  }
0x81: {  	_ =	shalt  }
0x82: {  	_ =	shalt  }
0x83: {  	_ =	shalt  }
0x84: {  	_ =	shalt  }
0x85: {  	_ =	shalt  }
0x86: {  	_ =	shalt  }
0x87: {  	_ =	shalt  }
.Lfunc_end0:
.L_simem_size_0:
called_computation.3_lowered:
.L_overlay_start_0:
0x88: {  	s2 =	sld [smem:$0x3FD9]  }
0x89: {  	s3 =	sld [smem:$0x3FFE];
	_ =	sdelay $0x1  }
0x8a: {  	s1 =	srdreg.scid  }
0x8b: {  	s0 =	sand.u32 $0x1, s1  }
0x8c: {  	s17 =	sshll.u32 s0, $0xA;
	s2 =	sadd.s32 s3, s2  }
0x8d: {  	s2 =	sadd.s32 s2, s17  }
0x8e: {  	[smem:$0x3FC2] =	sst s2  }
0x8f: {  	_ = 	snop  }
0x90: {  	s2 =	sld [smem:$0x3FD0];
	(tm) =	ssettm $0x1  }
0x91: {  	s18 =	sld [smem:$0x3FFB];
	_ =	sdelay $0x3  }
0x92: {  	_ =	strace s18  }
0x93: {  	s3 =	sld [smem:$0x3FFC];
	_ =	sdelay $0x3  }
0x94: {  	_ =	strace s3  }
0x95: {  	s3 =	sld [smem:$0x3FFD];
	_ =	sdelay $0x3  }
0x96: {  	_ =	strace s3  }
0x97: {  	_ =	strace $0x8FFFFFFF  }
0x98: {  	s19 =	sld [smem:$0x3FDB];
	_ =	sdelay $0x1  }
0x99: {  	s4 =	simm.s32 $_scs_section_size  }
0x9a: {  	s5 =	simm.s32 $_size__tile_overlayer_lowered;
	s6 =	simm.s32 $_tile_overlayer_lowered  }
0x9b: {  	s22 =	simm.s32 $0x1BFF;
	s21 =	sshll.u32 s6, $0x1;
	s3 =	sadd.s32 s4, s19  }
0x9c: {  	s7 =	simm.s32 $0x0;
	s20 =	sshll.u32 s5, $0x1;
	s5 =	sadd.s32 s21, s3  }
0x9d: {  	[timem:s7], [sflag:s22] =	dma.local [hbm:s5], s20  }
0x9e: {  	_ =	swait.ge [sflag:s22], s20  }
0x9f: {  	s4 =	ssub.s32 $0x0, s20;
	[sflag:s22] =	ssyncset.done $0x0  }
0xa0: {  	[sflag:s22] =	ssyncadd.s32 s4;
	_ =	sdelay $0x1  }
0xa1: {  	s23 =	simm.s32 $0x1B8B  }
0xa2: {  	_ =	swait.ge [sflag:s23], $0x1  }
0xa3: {  	[sflag:s23] =	ssyncset.done $0x0  }
0xa4: {  	s25 =	simm.s32 $0x1B8E;
	s24 =	sld [smem:$0x3FFE];
	[sflag:s23] =	ssyncadd.s32 $0xFFFFFFFF  }
0xa5: {  	s26 =	simm.s32 $execute0_lowered;
	[smem:$0x3FD2] =	sst s25  }
0xa6: {  	s5 =	sshll.u32 s26, $0x1;
	_ =	strace $0x8000004F;
	[dreg:$0x1] =	wrdreg $0xFFFFFFFF  }
0xa7: {  	s28 =	simm.s32 $_size_execute0_lowered;
	s3 =	sadd.s32 s3, s5;
	[dreg:$0x0] =	wrdreg $0x0  }
0xa8: {  	s5 =	sshll.u32 s28, $0x1;
	[dreg:$0x2] =	wrdreg s3  }
0xa9: {  	[dreg:$0x3] =	wrdreg s5  }
0xaa: {  	[dreg:$0x4] =	wrdreg $0xC0  }
0xab: {  	_ =	task [dreg:s7], $0x5FFFF  }
0xac: {  	[dreg:$0x1] =	wrdreg $0xFFFFFFFF  }
0xad: {  	[dreg:$0x0] =	wrdreg $0x60  }
0xae: {  	[dreg:$0x2] =	wrdreg s24  }
0xaf: {  	[dreg:$0x3] =	wrdreg s2  }
0xb0: {  	[dreg:$0x4] =	wrdreg $0x0  }
0xb1: {  	[dreg:$0x5] =	wrdreg $0x9  }
0xb2: {  	_ =	task.clear_ibuf [dreg:s7], $0x6FFFF;
	_ =	strace $0x9000004F  }
0xb3: {  	s29 =	simm.s32 $0x9;
	_ =	strace $0x80000051  }
0xb4: {  	_ =	swait.ge [sflag:s29], $0x1  }
0xb5: {  	[sflag:s29] =	ssyncadd.s32 $0xFFFFFFFF  }
0xb6: {  	_ =	strace $0x90000051  }
0xb7: {  	_ =	sfence  }
0xb8: {  	s30 =	sld [smem:$0x0];
	_ =	sdelay $0x2  }
0xb9: {  	s31 =	sshll.u32 s1, $0xD;
	s1 =	sshrl.u32 s1, $0x2  }
0xba: {  	s3 =	sand.u32 $0x4000, s31;
	s1 =	sadd.s32 s1, s30  }
0xbb: {  	s0 =	sor.u32 s3, s0;
	s1 =	sshll.u32 s1, $0x11  }
0xbc: {  	s0 =	sor.u32 s1, s0  }
0xbd: {  	s0 =	sadd.s32 $0x8F2B, s0  }
0xbe: {  	[sflag:s0] =	ssyncadd.remote.s32 $0x1  }
0xbf: {  	_ =	sfence.sel $0xFFFF  }
0xc0: {  	[dreg:$0x0] =	wrdreg $0xFFFFFFFF;
	(pc) =	sbr.abs _section_cstart, $3  }
0xc1: {  	[dreg:$0x1] =	wrdreg $0xFFFFFFFF  }
0xc2: {  	_ =	task.clear_ibuf [dreg:s7], $0x2FFFF;
	_ =	strace $0x9FFFFFFF  }
0xc3: {  	(tm) =	ssettm $0x7FFFFFFF  }
tec
execute0_lowered:
.L_overlay_start_1:
0x0: {  	(tag) =	ssettag $0x1  }
0x1: {  	s4 =	rddreg [dreg:$0x0];
	s1 =	srdreg.scid  }
0x2: {  	s0 =	stileid.u32;
	s5 =	rddreg [dreg:$0x1]  }
0x3: {  	s2 =	rddreg [dreg:$0x2];
	s3 =	simm.s32 $0x0;
	s10 =	simm.s32 $0x1  }
0x4: {  	s11 =	simm.s32 $0x1870;
	s12 =	simm.s32 $0x800;
	s13 =	simm.s32 $0x2070  }
0x5: {  	s14 =	simm.s32 $0x0;
	s6 =	sand.u32 $0x1, s1;
	s7 =	smul.u32 $0x31000, s0  }
0x6: {  	s1 =	rddreg [dreg:$0x3];
	s8 =	smul.u32 $0x18800, s6;
	s6 =	ssub.s32 $0x2, s6  }
0x7: {  	[smem:$0x7FF] =	sst s3;
	s29 =	smul.u32 $0x1870, s0;
	s30 =	sshrl.u32 s6, $0x1  }
0x8: {  	_ =	strace $0x80000050;
	s7 =	sadd.s32 s8, s7;
	s6 =	ssub.s32 s6, s30  }
0x9: {  	s31 =	sshrl.u32 s29, $0x3;
	s7 =	sshrl.u32 s7, $0x3;
	s6 =	smax.u32 s6, $0x1  }
0xa: {  	s9 =	sadd.s32 s7, s4;
	s4 =	sadd.s32 s5, s31;
	s5 =	sadd.s32 s29, s2  }
0xb: {  	s7 =	sadd.s32 $0x2600, s9;
	s8 =	sadd.s32 $0x67800, s9;
	s9 =	simm.s32 $0x2870  }
.LBB2_1:
0xc: {  	[tilespmem:s9], [sflag:$0x1] =	stream.linear.gather [hbm4b:s4+s3], $0x1870, $0x38;
	[tilespmem:$0x40F0] =	vst v63  }
0xd: {  	_ =	swait.ge [sflag:s10], $0x1870  }
0xe: {  	[sflag:s10] =	ssyncset.done $0x0  }
0xf: {  	[sflag:s10] =	ssyncadd.s32 $0xFFFFE790  }
0x10: {  	[spmem:s5] =	stream.linear.scatter [tilespmem:s9], [sflag:$0x1], $0x1870, $0x38;
	[tilespmem:$0x40F0] =	vst v63  }
0x11: {  	_ =	swait.ge [sflag:s10], $0x1870  }
0x12: {  	[sflag:s10] =	ssyncset.done $0x0  }
0x13: {  	[sflag:s10] =	ssyncadd.s32 $0xFFFFE790  }
0x14: {  	s15 =	sadd.s32 $0x0, s8;
	[bflag:$0x0] =	sbarrier.arrive $0xFFFF  }
0x15: {  	[tilespmem:s11], [sflag:$0x1] =	stream.linear.gather [hbm4b:s15+s3], $0x800, $0x38;
	[tilespmem:$0x40F0] =	vst v63  }
0x16: {  	_ =	swait.ge [sflag:s10], $0x800  }
0x17: {  	[sflag:s10] =	ssyncset.done $0x0  }
0x18: {  	[sflag:s10] =	ssyncadd.s32 $0xFFFFF800  }
0x19: {  	[tilespmem:s13], [sflag:$0x1] =	stream.indirect.gather [spmem:s2], $0x1, s11, s12, $0xb8;
	[tilespmem:$0x40F0] =	vst v63  }
0x1a: {  	_ =	swait.ge [sflag:s10], $0x800  }
0x1b: {  	[sflag:s10] =	ssyncset.done $0x0  }
0x1c: {  	s31 =	sadd.s32 $0x0, s7;
	[sflag:s10] =	ssyncadd.s32 $0xFFFFF800  }
0x1d: {  	[hbm4b:s31+s3] =	stream.linear.scatter [tilespmem:s13], [sflag:$0x1], $0x800, $0x38;
	[tilespmem:$0x40F0] =	vst v63  }
0x1e: {  	_ =	swait.ge [sflag:s10], $0x800  }
0x1f: {  	s16 =	simm.s32 $0x200;
	s15 =	simm.s32 $0x100;
	[sflag:s10] =	ssyncset.done $0x0  }
.LBB2_2:
0x20: {  	s17 =	sadd.s32 s15, s8  }
0x21: {  	[sflag:s10] =	ssyncadd.s32 $0xFFFFF800;
	s18 =	smov.u32 s16;
	s19 =	sadd.s32 $0x100, s16  }
0x22: {  	[tilespmem:s11], [sflag:$0x1] =	stream.linear.gather [hbm4b:s17+s3], $0x800, $0x38;
	[tilespmem:$0x40F0] =	vst v63  }
0x23: {  	p0 =	sne.s32 s16, $0x3000;
	_ =	swait.ge [sflag:s10], $0x800  }
0x24: {  	[sflag:s10] =	ssyncset.done $0x0  }
0x25: {  	[sflag:s10] =	ssyncadd.s32 $0xFFFFF800  }
0x26: {  	[tilespmem:s13], [sflag:$0x1] =	stream.indirect.gather [spmem:s2], $0x1, s11, s12, $0xb8;
	[tilespmem:$0x40F0] =	vst v63  }
0x27: {  	_ =	swait.ge [sflag:s10], $0x800  }
.Ltmp0:
0x28: {  	[sflag:s10] =	ssyncset.done $0x0;
	(pc) =	sbr.rel @p0 .LBB2_2-.Ltmp0, $4  }
0x29: {  	s16 =	sadd.s32 s15, s7;
	s15 =	smov.u32 s18;
	[sflag:s10] =	ssyncadd.s32 $0xFFFFF800  }
0x2a: {  	[hbm4b:s16+s3] =	stream.linear.scatter [tilespmem:s13], [sflag:$0x1], $0x800, $0x38;
	[tilespmem:$0x40F0] =	vst v63  }
0x2b: {  	_ =	swait.ge [sflag:s10], $0x800  }
0x2c: {  	s16 =	smov.u32 s19;
	[sflag:s10] =	ssyncset.done $0x0  }
0x2d: {  	s16 =	sadd.s32 s15, s8;
	[sflag:s10] =	ssyncadd.s32 $0xFFFFF800  }
0x2e: {  	[tilespmem:s11], [sflag:$0x1] =	stream.linear.gather [hbm4b:s16+s3], $0x800, $0x38;
	[tilespmem:$0x40F0] =	vst v63  }
0x2f: {  	_ =	swait.ge [sflag:s10], $0x800  }
0x30: {  	[sflag:s10] =	ssyncset.done $0x0  }
0x31: {  	[sflag:s10] =	ssyncadd.s32 $0xFFFFF800  }
0x32: {  	[tilespmem:s13], [sflag:$0x1] =	stream.indirect.gather [spmem:s2], $0x1, s11, s12, $0xb8;
	[tilespmem:$0x40F0] =	vst v63  }
0x33: {  	s14 =	sadd.s32 $0x1, s14;
	_ =	swait.ge [sflag:s10], $0x800  }
0x34: {  	p0 =	sne.s32 s14, s6;
	[sflag:s10] =	ssyncset.done $0x0  }
.Ltmp1:
0x35: {  	s31 =	sadd.s32 s15, s7;
	[sflag:s10] =	ssyncadd.s32 $0xFFFFF800;
	(pc) =	sbr.rel @p0 .LBB2_1-.Ltmp1, $4  }
0x36: {  	[hbm4b:s31+s3] =	stream.linear.scatter [tilespmem:s13], [sflag:$0x1], $0x800, $0x38;
	[tilespmem:$0x40F0] =	vst v63  }
0x37: {  	_ =	swait.ge [sflag:s10], $0x800  }
0x38: {  	[sflag:s10] =	ssyncset.done $0x0  }
0x39: {  	[sflag:s10] =	ssyncadd.s32 $0xFFFFF800  }
0x3a: {  	_ =	sfence.sel $0x180000  }
0x3b: {  	[bflag:$0x0] =	sbarrier.arrive $0xFFFF  }
0x3c: {  	p0 =	sne.s32 s0, $0x0;
	_ =	strace $0x90000050  }
0x3d: {  	s0 =	sadd.s32 @!p0 $0x100000, s1;
	[bflag:$0x2] =	sbarrier.arrive $0xFFFF  }
0x3e: {  	[sflag:s0] =	ssyncadd.tile.s32 @!p0 $0x1;
	_ =	shalt  }
.Lfunc_end2:
_tile_overlayer_lowered:
.L_overlay_start_2:
0x3f: {  	(tag) =	ssettag $0x2  }
0x40: {  	s0 =	rddreg [dreg:$0x0];
	s2 =	stileid.u32  }
0x41: {  	s1 =	rddreg [dreg:$0x1];
	p0 =	sne.s32 s2, $0x0  }
0x42: {  	s3 =	rddreg [dreg:$0x2];
	[bflag:$0x3] =	sbarrier.arrive $0xFFFF;
	s2 =	simm.s32 @!p0 $0x1C01  }
0x43: {  	[timem:s3], [sflag:s2] =	dma.local @!p0 [hbm:s0], s1  }
0x44: {  	s0 =	simm.s32 @!p0 $0x1  }
0x45: {  	_ =	swait.ge @!p0 [sflag:s0], s1  }
0x46: {  	s1 =	ssub.s32 @!p0 $0x0, s1;
	[sflag:s0] =	ssyncset.done @!p0 $0x0  }
0x47: {  	[sflag:s0] =	ssyncadd.s32 @!p0 s1  }
0x48: {  	[bflag:$0x3] =	sbarrier.arrive $0xFFFF  }
0x49: {  	_ =	shalt  }

// kernel: kernel.9.cloned.1.call-start
scs
__scs_entry_jumppad:
0x0: {  	(pc) =	sbr.rel $0x88, $3  }
0x1: {  	(tag) =	ssettag $0x0;
	lr =	simm.s32 $0x1  }
0x2: {  	[smem:$0x3F9B] =	sst lr;
	_ =	strace $0xD0000000  }
0x3: {  	_ = 	snop  }
0x4: {  	_ = 	snop  }
0x5: {  	_ = 	snop  }
0x6: {  	_ = 	snop  }
0x7: {  	_ = 	snop  }
__scs_overlays_trampoline_lowered:
0x8: {  	[smem:$0x3FAA] =	sst s0  }
0x9: {  	[smem:$0x3FAB] =	sst s1  }
0xa: {  	[smem:$0x3FAC] =	sst s2  }
0xb: {  	[smem:$0x3FAD] =	sst s3  }
0xc: {  	[smem:$0x3FAE] =	sst s4  }
0xd: {  	[smem:$0x3FAF] =	sst s5  }
0xe: {  	[smem:$0x3FB0] =	sst s6  }
0xf: {  	[smem:$0x3FB1] =	sst s7  }
0x10: {  	[smem:$0x3FB2] =	sst s8  }
0x11: {  	[smem:$0x3FB3] =	sst s9;
	s0 =	simm.s32 @!p0 $0x0  }
0x12: {  	s1 =	sld [smem:$0x3F99];
	s0 =	simm.s32 @p0 $0x1  }
0x13: {  	[smem:$0x3FB4] =	sst s0;
	s0 =	simm.s32 @!p1 $0x0  }
0x14: {  	s2 =	sld [smem:$0x3F98];
	s0 =	simm.s32 @p1 $0x1  }
0x15: {  	[smem:$0x3FB5] =	sst s0;
	s0 =	simm.s32 @!p2 $0x0  }
0x16: {  	s3 =	sld [smem:$0x3FDB];
	s0 =	simm.s32 @p2 $0x1  }
0x17: {  	s4 =	simm.s32 $0x1BF5;
	[smem:$0x3FB7] =	sst s0  }
0x18: {  	s0 =	sld [smem:$0x3F9A];
	_ =	swait.ge [sflag:s4], $0x0  }
0x19: {  	s7 =	sld [smem:$0x3F9B]  }
0x1a: {  	s8 =	sadd.s32 $0xFFFFE003, lr  }
0x1b: {  	s9 =	sadd.s32 $0xFFFFFEF7, lr;
	s5 =	simm.s32 $0xFFFFFFFF;
	p2 =	slt.u32 s8, $0xFFFFF086  }
0x1c: {  	p1 =	slt.u32 s9, $0xF7A;
	s5 =	simm.s32 @!p2 $0x0  }
0x1d: {  	s5 =	simm.s32 @p1 $0x1;
	p0 =	seq.s32 s7, s2  }
0x1e: {  	s7 =	smul.u32 @!p0 $0xF7A, s2;
	p2 =	seq.s32 @!p0 s5, $0x0  }
0x1f: {  	s9 =	smul.u32 $0xF7A, s1;
	s8 =	simm.s32 @!p0 $0x1BF5;
	p2 =	por !p2, p0  }
0x20: {  	[sflag:s8] =	ssyncset.s32 @!p0 $0xFFFFF086;
	s6 =	sadd.s32 @!p0 s3, s7;
	s7 =	simm.s32 @!p0 $0x108  }
0x21: {  	s3 =	sadd.s32 s3, s9;
	s6 =	sadd.s32 @!p0 $0x88, s6;
	s7 =	simm.s32 @p2 $0x1082  }
0x22: {  	[simem:s7], [sflag:s8] =	dma.local @!p0 [hbm:s6], $0xF7A  }
0x23: {  	s9 =	sor.u32 $0xD0000000, s2;
	s6 =	simm.s32 $0x108;
	_ =	swait.ge @!p0 [sflag:s8], $0x0  }
0x24: {  	s3 =	sadd.s32 $0x88, s3;
	s6 =	simm.s32 @!p1 $0x1082;
	[sflag:s4] =	ssyncset.s32 $0xFFFFF086  }
0x25: {  	[simem:s6], [sflag:s4] =	dma.local [hbm:s3], $0xF7A  }
0x26: {  	[smem:$0x3F9B] =	sst s1;
	(tag) =	ssettag s2;
	_ =	strace s9  }
0x27: {  	s1 =	sld [smem:$0x3FAB]  }
0x28: {  	s2 =	sld [smem:$0x3FAC]  }
0x29: {  	s4 =	sld [smem:$0x3FAE]  }
0x2a: {  	p0 =	seq.s32 s5, $0x0;
	s5 =	sld [smem:$0x3FAF]  }
0x2b: {  	s6 =	sld [smem:$0x3FB0]  }
0x2c: {  	s7 =	sld [smem:$0x3FB1]  }
0x2d: {  	s3 =	simm.s32 $0x108;
	s8 =	sld [smem:$0x3FB2]  }
0x2e: {  	s3 =	simm.s32 @!p0 $0x1082;
	s9 =	sld [smem:$0x3FB3]  }
0x2f: {  	lr =	sadd.s32 s0, s3;
	s0 =	sld [smem:$0x3FAA]  }
0x30: {  	s3 =	sld [smem:$0x3FAD]  }
0x31: {  	[smem:$0x3FB6] =	sst s10  }
0x32: {  	s10 =	sld [smem:$0x3FB4];
	_ =	sdelay $0x3  }
0x33: {  	p0 =	seq.s32 s10, $0x1;
	s10 =	sld [smem:$0x3FB6];
	_ =	sdelay $0x3  }
0x34: {  	[smem:$0x3FB6] =	sst s10  }
0x35: {  	s10 =	sld [smem:$0x3FB5];
	_ =	sdelay $0x3  }
0x36: {  	p1 =	seq.s32 s10, $0x1;
	s10 =	sld [smem:$0x3FB6];
	_ =	sdelay $0x3  }
0x37: {  	[smem:$0x3FB6] =	sst s10  }
0x38: {  	s10 =	sld [smem:$0x3FB7]  }
0x39: {  	_ = 	snop;
	(pc) =	sbr.ind lr, $3  }
0x3a: {  	_ = 	snop  }
0x3b: {  	_ = 	snop  }
0x3c: {  	p2 =	seq.s32 s10, $0x1;
	s10 =	sld [smem:$0x3FB6]  }
0x3d: {  	_ =	shalt  }
0x3e: {  	_ =	shalt  }
0x3f: {  	_ =	shalt  }
0x40: {  	_ =	shalt  }
0x41: {  	_ =	shalt  }
0x42: {  	_ =	shalt  }
0x43: {  	_ =	shalt  }
0x44: {  	_ =	shalt  }
0x45: {  	_ =	shalt  }
0x46: {  	_ =	shalt  }
0x47: {  	_ =	shalt  }
0x48: {  	_ =	shalt  }
0x49: {  	_ =	shalt  }
0x4a: {  	_ =	shalt  }
0x4b: {  	_ =	shalt  }
0x4c: {  	_ =	shalt  }
0x4d: {  	_ =	shalt  }
0x4e: {  	_ =	shalt  }
0x4f: {  	_ =	shalt  }
0x50: {  	_ =	shalt  }
0x51: {  	_ =	shalt  }
0x52: {  	_ =	shalt  }
0x53: {  	_ =	shalt  }
0x54: {  	_ =	shalt  }
0x55: {  	_ =	shalt  }
0x56: {  	_ =	shalt  }
0x57: {  	_ =	shalt  }
0x58: {  	_ =	shalt  }
0x59: {  	_ =	shalt  }
0x5a: {  	_ =	shalt  }
0x5b: {  	_ =	shalt  }
0x5c: {  	_ =	shalt  }
0x5d: {  	_ =	shalt  }
0x5e: {  	_ =	shalt  }
0x5f: {  	_ =	shalt  }
0x60: {  	_ =	shalt  }
0x61: {  	_ =	shalt  }
0x62: {  	_ =	shalt  }
0x63: {  	_ =	shalt  }
0x64: {  	_ =	shalt  }
0x65: {  	_ =	shalt  }
0x66: {  	_ =	shalt  }
0x67: {  	_ =	shalt  }
0x68: {  	_ =	shalt  }
0x69: {  	_ =	shalt  }
0x6a: {  	_ =	shalt  }
0x6b: {  	_ =	shalt  }
0x6c: {  	_ =	shalt  }
0x6d: {  	_ =	shalt  }
0x6e: {  	_ =	shalt  }
0x6f: {  	_ =	shalt  }
0x70: {  	_ =	shalt  }
0x71: {  	_ =	shalt  }
0x72: {  	_ =	shalt  }
0x73: {  	_ =	shalt  }
0x74: {  	_ =	shalt  }
0x75: {  	_ =	shalt  }
0x76: {  	_ =	shalt  }
0x77: {  	_ =	shalt  }
0x78: {  	_ =	shalt  }
0x79: {  	_ =	shalt  }
0x7a: {  	_ =	shalt  }
0x7b: {  	_ =	shalt  }
0x7c: {  	_ =	shalt  }
0x7d: {  	_ =	shalt  }
0x7e: {  	_ =	shalt  }
0x7f: {  	_ =	shalt  }
0x80: {  	_ =	shalt  }
0x81: {  	_ =	shalt  }
0x82: {  	_ =	shalt  }
0x83: {  	_ =	shalt  }
0x84: {  	_ =	shalt  }
0x85: {  	_ =	shalt  }
0x86: {  	_ =	shalt  }
0x87: {  	_ =	shalt  }
.Lfunc_end0:
.L_simem_size_0:
called_computation_lowered:
.L_overlay_start_0:
0x88: {  	s2 =	sld [smem:$0x3FD9]  }
0x89: {  	s3 =	sld [smem:$0x3FFE];
	_ =	sdelay $0x1  }
0x8a: {  	s1 =	srdreg.scid  }
0x8b: {  	s0 =	sand.u32 $0x1, s1  }
0x8c: {  	s17 =	sshll.u32 s0, $0xA;
	s2 =	sadd.s32 s3, s2  }
0x8d: {  	s2 =	sadd.s32 s2, s17  }
0x8e: {  	[smem:$0x3FC2] =	sst s2  }
0x8f: {  	_ = 	snop  }
0x90: {  	s2 =	sld [smem:$0x3FD0];
	(tm) =	ssettm $0x1  }
0x91: {  	s18 =	sld [smem:$0x3FFB];
	_ =	sdelay $0x3  }
0x92: {  	_ =	strace s18  }
0x93: {  	s3 =	sld [smem:$0x3FFC];
	_ =	sdelay $0x3  }
0x94: {  	_ =	strace s3  }
0x95: {  	s3 =	sld [smem:$0x3FFD];
	_ =	sdelay $0x3  }
0x96: {  	_ =	strace s3  }
0x97: {  	_ =	strace $0x8FFFFFFF  }
0x98: {  	s19 =	sld [smem:$0x3FDB];
	_ =	sdelay $0x1  }
0x99: {  	s4 =	simm.s32 $_scs_section_size  }
0x9a: {  	s5 =	simm.s32 $_size__tile_overlayer_lowered;
	s6 =	simm.s32 $_tile_overlayer_lowered  }
0x9b: {  	s22 =	simm.s32 $0x1BFF;
	s21 =	sshll.u32 s6, $0x1;
	s3 =	sadd.s32 s4, s19  }
0x9c: {  	s7 =	simm.s32 $0x0;
	s20 =	sshll.u32 s5, $0x1;
	s5 =	sadd.s32 s21, s3  }
0x9d: {  	[timem:s7], [sflag:s22] =	dma.local [hbm:s5], s20  }
0x9e: {  	_ =	swait.ge [sflag:s22], s20  }
0x9f: {  	s4 =	ssub.s32 $0x0, s20;
	[sflag:s22] =	ssyncset.done $0x0  }
0xa0: {  	[sflag:s22] =	ssyncadd.s32 s4;
	_ =	sdelay $0x1  }
0xa1: {  	s23 =	simm.s32 $0x1B8B  }
0xa2: {  	_ =	swait.ge [sflag:s23], $0x1  }
0xa3: {  	[sflag:s23] =	ssyncset.done $0x0  }
0xa4: {  	s25 =	simm.s32 $0x1B8E;
	s24 =	sld [smem:$0x3FFE];
	[sflag:s23] =	ssyncadd.s32 $0xFFFFFFFF  }
0xa5: {  	s26 =	simm.s32 $execute0_lowered;
	[smem:$0x3FD2] =	sst s25  }
0xa6: {  	s5 =	sshll.u32 s26, $0x1;
	_ =	strace $0x80000046;
	[dreg:$0x1] =	wrdreg $0xFFFFFFFF  }
0xa7: {  	s28 =	simm.s32 $_size_execute0_lowered;
	s3 =	sadd.s32 s3, s5;
	[dreg:$0x0] =	wrdreg $0x0  }
0xa8: {  	s5 =	sshll.u32 s28, $0x1;
	[dreg:$0x2] =	wrdreg s3  }
0xa9: {  	[dreg:$0x3] =	wrdreg s5  }
0xaa: {  	[dreg:$0x4] =	wrdreg $0xC0  }
0xab: {  	_ =	task [dreg:s7], $0x5FFFF  }
0xac: {  	[dreg:$0x1] =	wrdreg $0xFFFFFFFF  }
0xad: {  	[dreg:$0x0] =	wrdreg $0x60  }
0xae: {  	[dreg:$0x2] =	wrdreg s24  }
0xaf: {  	[dreg:$0x3] =	wrdreg s2  }
0xb0: {  	[dreg:$0x4] =	wrdreg $0x0  }
0xb1: {  	[dreg:$0x5] =	wrdreg $0x9  }
0xb2: {  	_ =	task.clear_ibuf [dreg:s7], $0x6FFFF;
	_ =	strace $0x90000046  }
0xb3: {  	s29 =	simm.s32 $0x9;
	_ =	strace $0x80000048  }
0xb4: {  	_ =	swait.ge [sflag:s29], $0x1  }
0xb5: {  	[sflag:s29] =	ssyncadd.s32 $0xFFFFFFFF  }
0xb6: {  	_ =	strace $0x90000048  }
0xb7: {  	_ =	sfence  }
0xb8: {  	s30 =	sld [smem:$0x0];
	_ =	sdelay $0x2  }
0xb9: {  	s31 =	sshll.u32 s1, $0xD;
	s1 =	sshrl.u32 s1, $0x2  }
0xba: {  	s3 =	sand.u32 $0x4000, s31;
	s1 =	sadd.s32 s1, s30  }
0xbb: {  	s0 =	sor.u32 s3, s0;
	s1 =	sshll.u32 s1, $0x11  }
0xbc: {  	s0 =	sor.u32 s1, s0  }
0xbd: {  	s0 =	sadd.s32 $0x8F2B, s0  }
0xbe: {  	[sflag:s0] =	ssyncadd.remote.s32 $0x1  }
0xbf: {  	_ =	sfence.sel $0xFFFF  }
0xc0: {  	[dreg:$0x0] =	wrdreg $0xFFFFFFFF;
	(pc) =	sbr.abs _section_cstart, $3  }
0xc1: {  	[dreg:$0x1] =	wrdreg $0xFFFFFFFF  }
0xc2: {  	_ =	task.clear_ibuf [dreg:s7], $0x2FFFF;
	_ =	strace $0x9FFFFFFF  }
0xc3: {  	(tm) =	ssettm $0x7FFFFFFF  }
tec
execute0_lowered:
.L_overlay_start_1:
0x0: {  	(tag) =	ssettag $0x1  }
0x1: {  	s4 =	rddreg [dreg:$0x0]  }
0x2: {  	s6 =	rddreg [dreg:$0x1];
	s1 =	srdreg.scid  }
0x3: {  	s0 =	stileid.u32;
	s2 =	rddreg [dreg:$0x2]  }
0x4: {  	s3 =	simm.s32 $0x0;
	s12 =	simm.s32 $0x800;
	s7 =	smul.u32 $0x31000, s0  }
0x5: {  	s13 =	simm.s32 $0x2070;
	s5 =	sand.u32 $0x1, s1;
	s26 =	smul.u32 $0x1870, s0  }
0x6: {  	s14 =	simm.s32 $0x0;
	s1 =	rddreg [dreg:$0x3];
	s8 =	smul.u32 $0x18800, s5  }
0x7: {  	[smem:$0x7FF] =	sst s3;
	s9 =	ssub.s32 $0x2, s5;
	s5 =	smul.u32 $0x18700, s5  }
0x8: {  	_ =	strace $0x80000047;
	s28 =	sshrl.u32 s26, $0x3;
	s11 =	sshrl.u32 s9, $0x1  }
0x9: {  	s7 =	sadd.s32 s8, s7;
	s29 =	ssub.s32 s9, s11;
	s30 =	sadd.s32 s26, s5  }
0xa: {  	s5 =	sadd.s32 s26, s2;
	s9 =	simm.s32 $0x2870;
	s7 =	sshrl.u32 s7, $0x3  }
0xb: {  	s11 =	simm.s32 $0x1870;
	s31 =	sshrl.u32 s30, $0x3;
	s10 =	sadd.s32 s7, s4  }
0xc: {  	s4 =	sadd.s32 s28, s4;
	s6 =	sadd.s32 s6, s31;
	s7 =	smax.u32 s29, $0x1  }
0xd: {  	v0 =	vimm.f32 $1.000000000e+00;
	s4 =	sadd.s32 $0x64600, s4;
	s8 =	sadd.s32 $0x2600, s10;
	s10 =	simm.s32 $0x1  }
.LBB2_1:
0xe: {  	[tilespmem:s9], [sflag:$0x1] =	stream.linear.gather [hbm4b:s4+s3], $0x1870, $0x38;
	[tilespmem:$0x40F0] =	vst v63  }
0xf: {  	_ =	swait.ge [sflag:s10], $0x1870  }
0x10: {  	[sflag:s10] =	ssyncset.done $0x0  }
0x11: {  	[sflag:s10] =	ssyncadd.s32 $0xFFFFE790  }
0x12: {  	[spmem:s5] =	stream.linear.scatter [tilespmem:s9], [sflag:$0x1], $0x1870, $0x38;
	[tilespmem:$0x40F0] =	vst v63  }
0x13: {  	_ =	swait.ge [sflag:s10], $0x1870  }
0x14: {  	[sflag:s10] =	ssyncset.done $0x0  }
0x15: {  	[sflag:s10] =	ssyncadd.s32 $0xFFFFE790  }
0x16: {  	[tilespmem:$0x2070] =	vst v0  }
0x17: {  	[tilespmem:$0x2080] =	vst v0  }
0x18: {  	[tilespmem:$0x2090] =	vst v0  }
0x19: {  	[tilespmem:$0x20A0] =	vst v0  }
0x1a: {  	[tilespmem:$0x20B0] =	vst v0  }
0x1b: {  	[tilespmem:$0x20C0] =	vst v0  }
0x1c: {  	[tilespmem:$0x20D0] =	vst v0  }
0x1d: {  	[tilespmem:$0x20E0] =	vst v0  }
0x1e: {  	[tilespmem:$0x20F0] =	vst v0  }
0x1f: {  	[tilespmem:$0x2100] =	vst v0  }
0x20: {  	[tilespmem:$0x2110] =	vst v0  }
0x21: {  	[tilespmem:$0x2120] =	vst v0  }
0x22: {  	[tilespmem:$0x2130] =	vst v0  }
0x23: {  	[tilespmem:$0x2140] =	vst v0  }
0x24: {  	[tilespmem:$0x2150] =	vst v0  }
0x25: {  	[tilespmem:$0x2160] =	vst v0  }
0x26: {  	[tilespmem:$0x2170] =	vst v0  }
0x27: {  	[tilespmem:$0x2180] =	vst v0  }
0x28: {  	[tilespmem:$0x2190] =	vst v0  }
0x29: {  	[tilespmem:$0x21A0] =	vst v0  }
0x2a: {  	[tilespmem:$0x21B0] =	vst v0  }
0x2b: {  	[tilespmem:$0x21C0] =	vst v0  }
0x2c: {  	[tilespmem:$0x21D0] =	vst v0  }
0x2d: {  	[tilespmem:$0x21E0] =	vst v0  }
0x2e: {  	[tilespmem:$0x21F0] =	vst v0  }
0x2f: {  	[tilespmem:$0x2200] =	vst v0  }
0x30: {  	[tilespmem:$0x2210] =	vst v0  }
0x31: {  	[tilespmem:$0x2220] =	vst v0  }
0x32: {  	[tilespmem:$0x2230] =	vst v0  }
0x33: {  	[tilespmem:$0x2240] =	vst v0  }
0x34: {  	[tilespmem:$0x2250] =	vst v0  }
0x35: {  	[tilespmem:$0x2260] =	vst v0  }
0x36: {  	[tilespmem:$0x2270] =	vst v0  }
0x37: {  	[tilespmem:$0x2280] =	vst v0  }
0x38: {  	[tilespmem:$0x2290] =	vst v0  }
0x39: {  	[tilespmem:$0x22A0] =	vst v0  }
0x3a: {  	[tilespmem:$0x22B0] =	vst v0  }
0x3b: {  	[tilespmem:$0x22C0] =	vst v0  }
0x3c: {  	[tilespmem:$0x22D0] =	vst v0  }
0x3d: {  	[tilespmem:$0x22E0] =	vst v0  }
0x3e: {  	[tilespmem:$0x22F0] =	vst v0  }
0x3f: {  	[tilespmem:$0x2300] =	vst v0  }
0x40: {  	[tilespmem:$0x2310] =	vst v0  }
0x41: {  	[tilespmem:$0x2320] =	vst v0  }
0x42: {  	[tilespmem:$0x2330] =	vst v0  }
0x43: {  	[tilespmem:$0x2340] =	vst v0  }
0x44: {  	[tilespmem:$0x2350] =	vst v0  }
0x45: {  	[tilespmem:$0x2360] =	vst v0  }
0x46: {  	[tilespmem:$0x2370] =	vst v0  }
0x47: {  	[tilespmem:$0x2380] =	vst v0  }
0x48: {  	[tilespmem:$0x2390] =	vst v0  }
0x49: {  	[tilespmem:$0x23A0] =	vst v0  }
0x4a: {  	[tilespmem:$0x23B0] =	vst v0  }
0x4b: {  	[tilespmem:$0x23C0] =	vst v0  }
0x4c: {  	[tilespmem:$0x23D0] =	vst v0  }
0x4d: {  	[tilespmem:$0x23E0] =	vst v0  }
0x4e: {  	[tilespmem:$0x23F0] =	vst v0  }
0x4f: {  	[tilespmem:$0x2400] =	vst v0  }
0x50: {  	[tilespmem:$0x2410] =	vst v0  }
0x51: {  	[tilespmem:$0x2420] =	vst v0  }
0x52: {  	[tilespmem:$0x2430] =	vst v0  }
0x53: {  	[tilespmem:$0x2440] =	vst v0  }
0x54: {  	[tilespmem:$0x2450] =	vst v0  }
0x55: {  	[tilespmem:$0x2460] =	vst v0  }
0x56: {  	[tilespmem:$0x2470] =	vst v0  }
0x57: {  	[tilespmem:$0x2480] =	vst v0  }
0x58: {  	[tilespmem:$0x2490] =	vst v0  }
0x59: {  	[tilespmem:$0x24A0] =	vst v0  }
0x5a: {  	[tilespmem:$0x24B0] =	vst v0  }
0x5b: {  	[tilespmem:$0x24C0] =	vst v0  }
0x5c: {  	[tilespmem:$0x24D0] =	vst v0  }
0x5d: {  	[tilespmem:$0x24E0] =	vst v0  }
0x5e: {  	[tilespmem:$0x24F0] =	vst v0  }
0x5f: {  	[tilespmem:$0x2500] =	vst v0  }
0x60: {  	[tilespmem:$0x2510] =	vst v0  }
0x61: {  	[tilespmem:$0x2520] =	vst v0  }
0x62: {  	[tilespmem:$0x2530] =	vst v0  }
0x63: {  	[tilespmem:$0x2540] =	vst v0  }
0x64: {  	[tilespmem:$0x2550] =	vst v0  }
0x65: {  	[tilespmem:$0x2560] =	vst v0  }
0x66: {  	[tilespmem:$0x2570] =	vst v0  }
0x67: {  	[tilespmem:$0x2580] =	vst v0  }
0x68: {  	[tilespmem:$0x2590] =	vst v0  }
0x69: {  	[tilespmem:$0x25A0] =	vst v0  }
0x6a: {  	[tilespmem:$0x25B0] =	vst v0  }
0x6b: {  	[tilespmem:$0x25C0] =	vst v0  }
0x6c: {  	[tilespmem:$0x25D0] =	vst v0  }
0x6d: {  	[tilespmem:$0x25E0] =	vst v0  }
0x6e: {  	[tilespmem:$0x25F0] =	vst v0  }
0x6f: {  	[tilespmem:$0x2600] =	vst v0  }
0x70: {  	[tilespmem:$0x2610] =	vst v0  }
0x71: {  	[tilespmem:$0x2620] =	vst v0  }
0x72: {  	[tilespmem:$0x2630] =	vst v0  }
0x73: {  	[tilespmem:$0x2640] =	vst v0  }
0x74: {  	[tilespmem:$0x2650] =	vst v0  }
0x75: {  	[tilespmem:$0x2660] =	vst v0  }
0x76: {  	[tilespmem:$0x2670] =	vst v0  }
0x77: {  	[tilespmem:$0x2680] =	vst v0  }
0x78: {  	[tilespmem:$0x2690] =	vst v0  }
0x79: {  	[tilespmem:$0x26A0] =	vst v0  }
0x7a: {  	[tilespmem:$0x26B0] =	vst v0  }
0x7b: {  	[tilespmem:$0x26C0] =	vst v0  }
0x7c: {  	[tilespmem:$0x26D0] =	vst v0  }
0x7d: {  	[tilespmem:$0x26E0] =	vst v0  }
0x7e: {  	[tilespmem:$0x26F0] =	vst v0  }
0x7f: {  	[tilespmem:$0x2700] =	vst v0  }
0x80: {  	[tilespmem:$0x2710] =	vst v0  }
0x81: {  	[tilespmem:$0x2720] =	vst v0  }
0x82: {  	[tilespmem:$0x2730] =	vst v0  }
0x83: {  	[tilespmem:$0x2740] =	vst v0  }
0x84: {  	[tilespmem:$0x2750] =	vst v0  }
0x85: {  	[tilespmem:$0x2760] =	vst v0  }
0x86: {  	[tilespmem:$0x2770] =	vst v0  }
0x87: {  	[tilespmem:$0x2780] =	vst v0  }
0x88: {  	[tilespmem:$0x2790] =	vst v0  }
0x89: {  	[tilespmem:$0x27A0] =	vst v0  }
0x8a: {  	[tilespmem:$0x27B0] =	vst v0  }
0x8b: {  	[tilespmem:$0x27C0] =	vst v0  }
0x8c: {  	[tilespmem:$0x27D0] =	vst v0  }
0x8d: {  	[tilespmem:$0x27E0] =	vst v0  }
0x8e: {  	[tilespmem:$0x27F0] =	vst v0  }
0x8f: {  	[tilespmem:$0x2800] =	vst v0  }
0x90: {  	[tilespmem:$0x2810] =	vst v0  }
0x91: {  	[tilespmem:$0x2820] =	vst v0  }
0x92: {  	[tilespmem:$0x2830] =	vst v0  }
0x93: {  	[tilespmem:$0x2840] =	vst v0  }
0x94: {  	[tilespmem:$0x2850] =	vst v0  }
0x95: {  	[tilespmem:$0x2860] =	vst v0  }
0x96: {  	s15 =	sadd.s32 $0x0, s8;
	[bflag:$0x0] =	sbarrier.arrive $0xFFFF  }
0x97: {  	[tilespmem:s11], [sflag:$0x1] =	stream.linear.gather [hbm4b:s15+s3], $0x800, $0x38;
	[tilespmem:$0x40F0] =	vst v63  }
0x98: {  	_ =	swait.ge [sflag:s10], $0x800  }
0x99: {  	[sflag:s10] =	ssyncset.done $0x0  }
0x9a: {  	[sflag:s10] =	ssyncadd.s32 $0xFFFFF800  }
0x9b: {  	[spmem:s2] =	stream.indirect.scatter.add.f32 [tilespmem:s13], [sflag:$0x1], $0x1, s11, s12, $0xb8;
	[tilespmem:$0x40F0] =	vst v63  }
0x9c: {  	_ =	swait.ge [sflag:s10], $0x800  }
0x9d: {  	s16 =	simm.s32 $0x200;
	s15 =	simm.s32 $0x100;
	[sflag:s10] =	ssyncset.done $0x0  }
.LBB2_2:
0x9e: {  	s17 =	sadd.s32 s15, s8  }
0x9f: {  	[sflag:s10] =	ssyncadd.s32 $0xFFFFF800;
	s15 =	smov.u32 s16;
	s18 =	sadd.s32 $0x100, s16  }
0xa0: {  	[tilespmem:s11], [sflag:$0x1] =	stream.linear.gather [hbm4b:s17+s3], $0x800, $0x38;
	[tilespmem:$0x40F0] =	vst v63  }
0xa1: {  	p0 =	sne.s32 s16, $0x3000;
	_ =	swait.ge [sflag:s10], $0x800  }
.Ltmp0:
0xa2: {  	[sflag:s10] =	ssyncset.done $0x0;
	(pc) =	sbr.rel @p0 .LBB2_2-.Ltmp0, $4  }
0xa3: {  	[sflag:s10] =	ssyncadd.s32 $0xFFFFF800  }
0xa4: {  	[spmem:s2] =	stream.indirect.scatter.add.f32 [tilespmem:s13], [sflag:$0x1], $0x1, s11, s12, $0xb8;
	[tilespmem:$0x40F0] =	vst v63  }
0xa5: {  	_ =	swait.ge [sflag:s10], $0x800  }
0xa6: {  	s16 =	smov.u32 s18;
	[sflag:s10] =	ssyncset.done $0x0  }
0xa7: {  	s15 =	sadd.s32 s15, s8;
	[sflag:s10] =	ssyncadd.s32 $0xFFFFF800  }
0xa8: {  	[tilespmem:s11], [sflag:$0x1] =	stream.linear.gather [hbm4b:s15+s3], $0x800, $0x38;
	[tilespmem:$0x40F0] =	vst v63  }
0xa9: {  	_ =	swait.ge [sflag:s10], $0x800  }
0xaa: {  	[sflag:s10] =	ssyncset.done $0x0  }
0xab: {  	[sflag:s10] =	ssyncadd.s32 $0xFFFFF800  }
0xac: {  	[spmem:s2] =	stream.indirect.scatter.add.f32 [tilespmem:s13], [sflag:$0x1], $0x1, s11, s12, $0xb8;
	[tilespmem:$0x40F0] =	vst v63  }
0xad: {  	_ =	swait.ge [sflag:s10], $0x800  }
0xae: {  	[sflag:s10] =	ssyncset.done $0x0  }
0xaf: {  	[sflag:s10] =	ssyncadd.s32 $0xFFFFF800  }
0xb0: {  	[bflag:$0x0] =	sbarrier.arrive $0xFFFF  }
0xb1: {  	[tilespmem:s9], [sflag:$0x1] =	stream.linear.gather [spmem:s5], $0x1870, $0x38;
	[tilespmem:$0x40F0] =	vst v63  }
0xb2: {  	s14 =	sadd.s32 $0x1, s14;
	_ =	swait.ge [sflag:s10], $0x1870  }
0xb3: {  	p0 =	sne.s32 s14, s7;
	[sflag:s10] =	ssyncset.done $0x0  }
.Ltmp1:
0xb4: {  	[sflag:s10] =	ssyncadd.s32 $0xFFFFE790;
	(pc) =	sbr.rel @p0 .LBB2_1-.Ltmp1, $4  }
0xb5: {  	[hbm4b:s6+s3] =	stream.linear.scatter [tilespmem:s9], [sflag:$0x1], $0x1870, $0x38;
	[tilespmem:$0x40F0] =	vst v63  }
0xb6: {  	_ =	swait.ge [sflag:s10], $0x1870  }
0xb7: {  	[sflag:s10] =	ssyncset.done $0x0  }
0xb8: {  	[sflag:s10] =	ssyncadd.s32 $0xFFFFE790  }
0xb9: {  	_ =	sfence.sel $0x180000  }
0xba: {  	[bflag:$0x0] =	sbarrier.arrive $0xFFFF  }
0xbb: {  	p0 =	sne.s32 s0, $0x0;
	_ =	strace $0x90000047  }
0xbc: {  	s0 =	sadd.s32 @!p0 $0x100000, s1;
	[bflag:$0x2] =	sbarrier.arrive $0xFFFF  }
0xbd: {  	[sflag:s0] =	ssyncadd.tile.s32 @!p0 $0x1;
	_ =	shalt  }
.Lfunc_end2:
_tile_overlayer_lowered:
.L_overlay_start_2:
0xbe: {  	(tag) =	ssettag $0x2  }
0xbf: {  	s0 =	rddreg [dreg:$0x0];
	s2 =	stileid.u32  }
0xc0: {  	s1 =	rddreg [dreg:$0x1];
	p0 =	sne.s32 s2, $0x0  }
0xc1: {  	s3 =	rddreg [dreg:$0x2];
	[bflag:$0x3] =	sbarrier.arrive $0xFFFF;
	s2 =	simm.s32 @!p0 $0x1C01  }
0xc2: {  	[timem:s3], [sflag:s2] =	dma.local @!p0 [hbm:s0], s1  }
0xc3: {  	s0 =	simm.s32 @!p0 $0x1  }
0xc4: {  	_ =	swait.ge @!p0 [sflag:s0], s1  }
0xc5: {  	s1 =	ssub.s32 @!p0 $0x0, s1;
	[sflag:s0] =	ssyncset.done @!p0 $0x0  }
0xc6: {  	[sflag:s0] =	ssyncadd.s32 @!p0 s1  }
0xc7: {  	[bflag:$0x3] =	sbarrier.arrive $0xFFFF  }
0xc8: {  	_ =	shalt  }

</sc_bundles>
